<compile_context>
chip_gen: v7x
topology: tpu7x:2x2x1
jax: 0.10.2.dev20260603
libtpu: 0.0.44.dev20260713+nightly
codegen_flags: <defaults>
</compile_context>

<pallas_src>
import functools

import jax
import jax.numpy as jnp
from jax import lax
from jax.experimental import pallas as pl
from jax.experimental.pallas import tpu as pltpu
from jax.experimental.pallas import tpu_sc as plsc

B = 4096
V = 7000
D = 100
DP = 128
M = 32


def _precompute_body(w_ref, mm_ref, out_ref):
    e = jnp.exp(w_ref[...])
    z = jnp.dot(e, mm_ref[...], preferred_element_type=jnp.float32)
    n = jnp.sqrt(jnp.sum(z * z, axis=-1, keepdims=True))
    out_ref[:, :M] = z / jnp.maximum(n, 1e-12)


@functools.lru_cache(maxsize=None)
def _make_tc_precompute():
    blk = 1000
    return pl.pallas_call(
        _precompute_body,
        grid=(V // blk,),
        in_specs=[
            pl.BlockSpec((blk, D), lambda i: (i, 0)),
            pl.BlockSpec((D, M), lambda i: (0, 0)),
        ],
        out_specs=pl.BlockSpec((blk, DP), lambda i: (i, 0)),
        out_shape=jax.ShapeDtypeStruct((V, DP), jnp.float32),
    )


@functools.lru_cache(maxsize=None)
def _make_sc_gather_t():
    info = plsc.get_sparse_core_info()
    nw = info.num_cores * info.num_subcores
    b_per_w = B // nw
    mesh = plsc.VectorSubcoreMesh(core_axis_name="c", subcore_axis_name="s")

    @functools.partial(
        pl.kernel,
        mesh=mesh,
        out_type=jax.ShapeDtypeStruct((M, B), jnp.float32),
        scratch_types=[
            pltpu.VMEM((b_per_w,), jnp.int32),
            pltpu.VMEM((b_per_w, DP), jnp.float32),
            pltpu.VMEM((M, b_per_w), jnp.float32),
            pltpu.SemaphoreType.DMA,
        ],
        compiler_params=pltpu.CompilerParams(needs_layout_passes=False),
    )
    def gather_k(idx_hbm, table_hbm, out_hbm, idx_v, rows_v, tbuf, sem):
        wid = lax.axis_index("s") * info.num_cores + lax.axis_index("c")
        base = wid * b_per_w
        pltpu.sync_copy(idx_hbm.at[pl.ds(base, b_per_w)], idx_v)
        pltpu.async_copy(table_hbm.at[idx_v], rows_v, sem).wait()
        ji = lax.iota(jnp.int32, 16)
        for c in range(M):
            cv = jnp.full((16,), c, jnp.int32)
            for j0 in range(0, b_per_w, 16):
                vals = plsc.load_gather(rows_v, [ji + j0, cv])
                plsc.store_scatter(tbuf, [cv, ji + j0], vals)
        pltpu.sync_copy(tbuf, out_hbm.at[:, pl.ds(base, b_per_w)])

    return gather_k


def kernel(idx, weight_embedding, main_modes):
    pn = _make_tc_precompute()(weight_embedding, main_modes)
    out_t = _make_sc_gather_t()(idx.astype(jnp.int32), pn)
    return jnp.transpose(out_t)[:, None, :]

# --- scband reference (transcript-rebuilt; emitter-appended) ---
"""Pipeline reference for scband-latent-embedding-16217796510405 (READ-ONLY COPY).

The authoritative reference and input builder live on the scoring server;
editing this copy changes nothing except your own understanding.
"""

import jax, jax.numpy as jnp
import numpy as np


def setup_inputs(seed: int = 0) -> dict:
    key = jax.random.key(seed)
    k1, k2, k3 = jax.random.split(key, 3)
    idx = jax.random.randint(k1, (4096,), 0, 7000)
    # nn.Embedding(7000, 100) weight, default init ~ N(0,1)
    weight_embedding = jax.random.normal(k2, (7000, 100), dtype=jnp.float32)
    # main_modes: randn(100, 32) L2-normalized along last dim, frozen parameter
    main_modes = jax.random.normal(k3, (100, 32), dtype=jnp.float32)
    main_modes = main_modes / jnp.clip(jnp.linalg.norm(main_modes, axis=-1, keepdims=True), 1e-12)
    return {"idx": idx, "weight_embedding": weight_embedding, "main_modes": main_modes}


def reference(idx, weight_embedding, main_modes):
    # Embedding lookup (gather)
    mode_weights = jnp.take(weight_embedding, idx, axis=0)
    # Normalize mode weights
    mode_weights = jax.nn.softmax(mode_weights, axis=-1)
    # Sample main modes
    latent_z = mode_weights @ main_modes
    # F.normalize(p=2, dim=-1) with eps clamp 1e-12
    latent_z = latent_z / jnp.clip(jnp.linalg.norm(latent_z, axis=-1, keepdims=True), 1e-12)
    return latent_z[:, None, :]

if __name__ == "__main__":
    import jax
    _d = setup_inputs()
    print(jax.jit(kernel)(*tuple(_d.values())))

</pallas_src>

<mosaic_0001>
#map = affine_map<(d0, d1) -> (0)>
#map1 = affine_map<(d0, d1) -> (0, 0)>
module attributes {stable_mosaic.version = 14 : i64} {
  func.func @gather_k(%arg0: i32, %arg1: i32, %arg2: memref<4096xi32, #tpu.memory_space<hbm>>, %arg3: memref<7000x128xf32, #tpu.memory_space<hbm>>, %arg4: memref<32x4096xf32, #tpu.memory_space<hbm>>, %arg5: memref<128xi32, #tpu.memory_space<vmem>>, %arg6: memref<128x128xf32, #tpu.memory_space<vmem>>, %arg7: memref<32x128xf32, #tpu.memory_space<vmem>>, %arg8: memref<!tpu.dma_semaphore, #tpu.memory_space<semaphore_mem>>) attributes {dimension_semantics = [#tpu.dimension_semantics<core_parallel>, #tpu.dimension_semantics<subcore_parallel>], iteration_bounds = array<i64: 2, 16>, scalar_prefetch = 0 : i64, scratch_operands = 4 : i64, tpu.core_type = #tpu.core_type<sc_vector_subcore>, window_params = [{transform_indices = #map}, {transform_indices = #map1}, {transform_indices = #map1}]} {
    %mul3A = arith.constant 2 : i32
    %mul3A_0 = arith.muli %arg1, %mul3A : i32
    %add3A = arith.addi %mul3A_0, %arg0 : i32
    %mul3A_1 = arith.constant 128 : i32
    %mul3A_2 = arith.muli %add3A, %mul3A_1 : i32
    "tpu.region"() ({
      %run_scoped3A = tpu.sem_alloc : memref<!tpu.dma_semaphore, #tpu.memory_space<semaphore_mem>>
      %dma_start3A_1861 = tpu.memref_slice %arg2[%mul3A_2] : memref<4096xi32, #tpu.memory_space<hbm>> -> memref<128xi32, #tpu.memory_space<hbm>>
      %dma_start3A_1862 = tpu.memref_slice %arg2[%mul3A_2] : memref<4096xi32, #tpu.memory_space<hbm>> -> memref<128xi32, #tpu.memory_space<hbm>>
      tpu.enqueue_dma source(%dma_start3A_1862 : memref<128xi32, #tpu.memory_space<hbm>>) target(%arg5 : memref<128xi32, #tpu.memory_space<vmem>>) target_semaphore(%run_scoped3A : memref<!tpu.dma_semaphore, #tpu.memory_space<semaphore_mem>>)
      %dma_wait3A_1863 = tpu.memref_slice %arg2[%mul3A_2] : memref<4096xi32, #tpu.memory_space<hbm>> -> memref<128xi32, #tpu.memory_space<hbm>>
      %dma_wait3A_1864 = tpu.memref_slice %arg2[%mul3A_2] : memref<4096xi32, #tpu.memory_space<hbm>> -> memref<128xi32, #tpu.memory_space<hbm>>
      tpu.wait_dma2 semaphore(%run_scoped3A : memref<!tpu.dma_semaphore, #tpu.memory_space<semaphore_mem>>) src(%dma_wait3A_1864 : memref<128xi32, #tpu.memory_space<hbm>>) dst(%arg5 : memref<128xi32, #tpu.memory_space<vmem>>)
      tpu.yield
    }) : () -> ()
    %dma_start3A = arith.constant 0 : i32
    %dma_start3A_3 = arith.constant 0 : i32
    %dma_start3A_4 = tpu.memref_slice %arg3[%dma_start3A, %dma_start3A_3] : memref<7000x128xf32, #tpu.memory_space<hbm>> -> memref<7000x128xf32, #tpu.memory_space<hbm>>
    tpu.enqueue_indirect_dma source(%dma_start3A_4 : memref<7000x128xf32, #tpu.memory_space<hbm>>) target(%arg6 : memref<128x128xf32, #tpu.memory_space<vmem>>) offsets(%arg5 : memref<128xi32, #tpu.memory_space<vmem>>) semaphore(%arg8 : memref<!tpu.dma_semaphore, #tpu.memory_space<semaphore_mem>>)
    %dma_wait3A = arith.constant 0 : i32
    %dma_wait3A_5 = arith.constant 0 : i32
    %dma_wait3A_6 = tpu.memref_slice %arg3[%dma_wait3A, %dma_wait3A_5] : memref<7000x128xf32, #tpu.memory_space<hbm>> -> memref<7000x128xf32, #tpu.memory_space<hbm>>
    tpu.wait_indirect_dma semaphore(%arg8 : memref<!tpu.dma_semaphore, #tpu.memory_space<semaphore_mem>>) src(%dma_wait3A_6 : memref<7000x128xf32, #tpu.memory_space<hbm>>) dst(%arg6 : memref<128x128xf32, #tpu.memory_space<vmem>>)
    %iota3A = tpu.iota {dimensions = array<i32: 0>} : vector<16xi32>
    %broadcast_in_dim3A = arith.constant 0 : i32
    %broadcast_in_dim3A_7 = vector.broadcast %broadcast_in_dim3A : i32 to vector<16xi32>
    %add3A_8 = arith.constant 0 : i32
    %add3A_9 = vector.broadcast %add3A_8 : i32 to vector<16xi32>
    %add3A_10 = arith.addi %iota3A, %add3A_9 : vector<16xi32>
    %gather3A = tpu.vector_load_idx %arg6[%add3A_10, %broadcast_in_dim3A_7] : memref<128x128xf32, #tpu.memory_space<vmem>>[vector<16xi32>, vector<16xi32>], vector<16xf32>,
    %add3A_11 = arith.constant 0 : i32
    %add3A_12 = vector.broadcast %add3A_11 : i32 to vector<16xi32>
    %add3A_13 = arith.addi %iota3A, %add3A_12 : vector<16xi32>
    tpu.vector_store_idx %arg7[%broadcast_in_dim3A_7, %add3A_13], %gather3A : memref<32x128xf32, #tpu.memory_space<vmem>>[vector<16xi32>, vector<16xi32>], vector<16xf32>,
    %add3A_14 = arith.constant 16 : i32
    %add3A_15 = vector.broadcast %add3A_14 : i32 to vector<16xi32>
    %add3A_16 = arith.addi %iota3A, %add3A_15 : vector<16xi32>
    %gather3A_17 = tpu.vector_load_idx %arg6[%add3A_16, %broadcast_in_dim3A_7] : memref<128x128xf32, #tpu.memory_space<vmem>>[vector<16xi32>, vector<16xi32>], vector<16xf32>,
    %add3A_18 = arith.constant 16 : i32
    %add3A_19 = vector.broadcast %add3A_18 : i32 to vector<16xi32>
    %add3A_20 = arith.addi %iota3A, %add3A_19 : vector<16xi32>
    tpu.vector_store_idx %arg7[%broadcast_in_dim3A_7, %add3A_20], %gather3A_17 : memref<32x128xf32, #tpu.memory_space<vmem>>[vector<16xi32>, vector<16xi32>], vector<16xf32>,
    %add3A_21 = arith.constant 32 : i32
    %add3A_22 = vector.broadcast %add3A_21 : i32 to vector<16xi32>
    %add3A_23 = arith.addi %iota3A, %add3A_22 : vector<16xi32>
    %gather3A_24 = tpu.vector_load_idx %arg6[%add3A_23, %broadcast_in_dim3A_7] : memref<128x128xf32, #tpu.memory_space<vmem>>[vector<16xi32>, vector<16xi32>], vector<16xf32>,
    %add3A_25 = arith.constant 32 : i32
    %add3A_26 = vector.broadcast %add3A_25 : i32 to vector<16xi32>
    %add3A_27 = arith.addi %iota3A, %add3A_26 : vector<16xi32>
    tpu.vector_store_idx %arg7[%broadcast_in_dim3A_7, %add3A_27], %gather3A_24 : memref<32x128xf32, #tpu.memory_space<vmem>>[vector<16xi32>, vector<16xi32>], vector<16xf32>,
    %add3A_28 = arith.constant 48 : i32
    %add3A_29 = vector.broadcast %add3A_28 : i32 to vector<16xi32>
    %add3A_30 = arith.addi %iota3A, %add3A_29 : vector<16xi32>
    %gather3A_31 = tpu.vector_load_idx %arg6[%add3A_30, %broadcast_in_dim3A_7] : memref<128x128xf32, #tpu.memory_space<vmem>>[vector<16xi32>, vector<16xi32>], vector<16xf32>,
    %add3A_32 = arith.constant 48 : i32
    %add3A_33 = vector.broadcast %add3A_32 : i32 to vector<16xi32>
    %add3A_34 = arith.addi %iota3A, %add3A_33 : vector<16xi32>
    tpu.vector_store_idx %arg7[%broadcast_in_dim3A_7, %add3A_34], %gather3A_31 : memref<32x128xf32, #tpu.memory_space<vmem>>[vector<16xi32>, vector<16xi32>], vector<16xf32>,
    %add3A_35 = arith.constant 64 : i32
    %add3A_36 = vector.broadcast %add3A_35 : i32 to vector<16xi32>
    %add3A_37 = arith.addi %iota3A, %add3A_36 : vector<16xi32>
    %gather3A_38 = tpu.vector_load_idx %arg6[%add3A_37, %broadcast_in_dim3A_7] : memref<128x128xf32, #tpu.memory_space<vmem>>[vector<16xi32>, vector<16xi32>], vector<16xf32>,
    %add3A_39 = arith.constant 64 : i32
    %add3A_40 = vector.broadcast %add3A_39 : i32 to vector<16xi32>
    %add3A_41 = arith.addi %iota3A, %add3A_40 : vector<16xi32>
    tpu.vector_store_idx %arg7[%broadcast_in_dim3A_7, %add3A_41], %gather3A_38 : memref<32x128xf32, #tpu.memory_space<vmem>>[vector<16xi32>, vector<16xi32>], vector<16xf32>,
    %add3A_42 = arith.constant 80 : i32
    %add3A_43 = vector.broadcast %add3A_42 : i32 to vector<16xi32>
    %add3A_44 = arith.addi %iota3A, %add3A_43 : vector<16xi32>
    %gather3A_45 = tpu.vector_load_idx %arg6[%add3A_44, %broadcast_in_dim3A_7] : memref<128x128xf32, #tpu.memory_space<vmem>>[vector<16xi32>, vector<16xi32>], vector<16xf32>,
    %add3A_46 = arith.constant 80 : i32
    %add3A_47 = vector.broadcast %add3A_46 : i32 to vector<16xi32>
    %add3A_48 = arith.addi %iota3A, %add3A_47 : vector<16xi32>
    tpu.vector_store_idx %arg7[%broadcast_in_dim3A_7, %add3A_48], %gather3A_45 : memref<32x128xf32, #tpu.memory_space<vmem>>[vector<16xi32>, vector<16xi32>], vector<16xf32>,
    %add3A_49 = arith.constant 96 : i32
    %add3A_50 = vector.broadcast %add3A_49 : i32 to vector<16xi32>
    %add3A_51 = arith.addi %iota3A, %add3A_50 : vector<16xi32>
    %gather3A_52 = tpu.vector_load_idx %arg6[%add3A_51, %broadcast_in_dim3A_7] : memref<128x128xf32, #tpu.memory_space<vmem>>[vector<16xi32>, vector<16xi32>], vector<16xf32>,
    %add3A_53 = arith.constant 96 : i32
    %add3A_54 = vector.broadcast %add3A_53 : i32 to vector<16xi32>
    %add3A_55 = arith.addi %iota3A, %add3A_54 : vector<16xi32>
    tpu.vector_store_idx %arg7[%broadcast_in_dim3A_7, %add3A_55], %gather3A_52 : memref<32x128xf32, #tpu.memory_space<vmem>>[vector<16xi32>, vector<16xi32>], vector<16xf32>,
    %add3A_56 = arith.constant 112 : i32
    %add3A_57 = vector.broadcast %add3A_56 : i32 to vector<16xi32>
    %add3A_58 = arith.addi %iota3A, %add3A_57 : vector<16xi32>
    %gather3A_59 = tpu.vector_load_idx %arg6[%add3A_58, %broadcast_in_dim3A_7] : memref<128x128xf32, #tpu.memory_space<vmem>>[vector<16xi32>, vector<16xi32>], vector<16xf32>,
    %add3A_60 = arith.constant 112 : i32
    %add3A_61 = vector.broadcast %add3A_60 : i32 to vector<16xi32>
    %add3A_62 = arith.addi %iota3A, %add3A_61 : vector<16xi32>
    tpu.vector_store_idx %arg7[%broadcast_in_dim3A_7, %add3A_62], %gather3A_59 : memref<32x128xf32, #tpu.memory_space<vmem>>[vector<16xi32>, vector<16xi32>], vector<16xf32>,
    %broadcast_in_dim3A_63 = arith.constant 1 : i32
    %broadcast_in_dim3A_64 = vector.broadcast %broadcast_in_dim3A_63 : i32 to vector<16xi32>
    %add3A_65 = arith.constant 0 : i32
    %add3A_66 = vector.broadcast %add3A_65 : i32 to vector<16xi32>
    %add3A_67 = arith.addi %iota3A, %add3A_66 : vector<16xi32>
    %gather3A_68 = tpu.vector_load_idx %arg6[%add3A_67, %broadcast_in_dim3A_64] : memref<128x128xf32, #tpu.memory_space<vmem>>[vector<16xi32>, vector<16xi32>], vector<16xf32>,
    %add3A_69 = arith.constant 0 : i32
    %add3A_70 = vector.broadcast %add3A_69 : i32 to vector<16xi32>
    %add3A_71 = arith.addi %iota3A, %add3A_70 : vector<16xi32>
    tpu.vector_store_idx %arg7[%broadcast_in_dim3A_64, %add3A_71], %gather3A_68 : memref<32x128xf32, #tpu.memory_space<vmem>>[vector<16xi32>, vector<16xi32>], vector<16xf32>,
    %add3A_72 = arith.constant 16 : i32
    %add3A_73 = vector.broadcast %add3A_72 : i32 to vector<16xi32>
    %add3A_74 = arith.addi %iota3A, %add3A_73 : vector<16xi32>
    %gather3A_75 = tpu.vector_load_idx %arg6[%add3A_74, %broadcast_in_dim3A_64] : memref<128x128xf32, #tpu.memory_space<vmem>>[vector<16xi32>, vector<16xi32>], vector<16xf32>,
    %add3A_76 = arith.constant 16 : i32
    %add3A_77 = vector.broadcast %add3A_76 : i32 to vector<16xi32>
    %add3A_78 = arith.addi %iota3A, %add3A_77 : vector<16xi32>
    tpu.vector_store_idx %arg7[%broadcast_in_dim3A_64, %add3A_78], %gather3A_75 : memref<32x128xf32, #tpu.memory_space<vmem>>[vector<16xi32>, vector<16xi32>], vector<16xf32>,
    %add3A_79 = arith.constant 32 : i32
    %add3A_80 = vector.broadcast %add3A_79 : i32 to vector<16xi32>
    %add3A_81 = arith.addi %iota3A, %add3A_80 : vector<16xi32>
    %gather3A_82 = tpu.vector_load_idx %arg6[%add3A_81, %broadcast_in_dim3A_64] : memref<128x128xf32, #tpu.memory_space<vmem>>[vector<16xi32>, vector<16xi32>], vector<16xf32>,
    %add3A_83 = arith.constant 32 : i32
    %add3A_84 = vector.broadcast %add3A_83 : i32 to vector<16xi32>
    %add3A_85 = arith.addi %iota3A, %add3A_84 : vector<16xi32>
    tpu.vector_store_idx %arg7[%broadcast_in_dim3A_64, %add3A_85], %gather3A_82 : memref<32x128xf32, #tpu.memory_space<vmem>>[vector<16xi32>, vector<16xi32>], vector<16xf32>,
    %add3A_86 = arith.constant 48 : i32
    %add3A_87 = vector.broadcast %add3A_86 : i32 to vector<16xi32>
    %add3A_88 = arith.addi %iota3A, %add3A_87 : vector<16xi32>
    %gather3A_89 = tpu.vector_load_idx %arg6[%add3A_88, %broadcast_in_dim3A_64] : memref<128x128xf32, #tpu.memory_space<vmem>>[vector<16xi32>, vector<16xi32>], vector<16xf32>,
    %add3A_90 = arith.constant 48 : i32
    %add3A_91 = vector.broadcast %add3A_90 : i32 to vector<16xi32>
    %add3A_92 = arith.addi %iota3A, %add3A_91 : vector<16xi32>
    tpu.vector_store_idx %arg7[%broadcast_in_dim3A_64, %add3A_92], %gather3A_89 : memref<32x128xf32, #tpu.memory_space<vmem>>[vector<16xi32>, vector<16xi32>], vector<16xf32>,
    %add3A_93 = arith.constant 64 : i32
    %add3A_94 = vector.broadcast %add3A_93 : i32 to vector<16xi32>
    %add3A_95 = arith.addi %iota3A, %add3A_94 : vector<16xi32>
    %gather3A_96 = tpu.vector_load_idx %arg6[%add3A_95, %broadcast_in_dim3A_64] : memref<128x128xf32, #tpu.memory_space<vmem>>[vector<16xi32>, vector<16xi32>], vector<16xf32>,
    %add3A_97 = arith.constant 64 : i32
    %add3A_98 = vector.broadcast %add3A_97 : i32 to vector<16xi32>
    %add3A_99 = arith.addi %iota3A, %add3A_98 : vector<16xi32>
    tpu.vector_store_idx %arg7[%broadcast_in_dim3A_64, %add3A_99], %gather3A_96 : memref<32x128xf32, #tpu.memory_space<vmem>>[vector<16xi32>, vector<16xi32>], vector<16xf32>,
    %add3A_100 = arith.constant 80 : i32
    %add3A_101 = vector.broadcast %add3A_100 : i32 to vector<16xi32>
    %add3A_102 = arith.addi %iota3A, %add3A_101 : vector<16xi32>
    %gather3A_103 = tpu.vector_load_idx %arg6[%add3A_102, %broadcast_in_dim3A_64] : memref<128x128xf32, #tpu.memory_space<vmem>>[vector<16xi32>, vector<16xi32>], vector<16xf32>,
    %add3A_104 = arith.constant 80 : i32
    %add3A_105 = vector.broadcast %add3A_104 : i32 to vector<16xi32>
    %add3A_106 = arith.addi %iota3A, %add3A_105 : vector<16xi32>
    tpu.vector_store_idx %arg7[%broadcast_in_dim3A_64, %add3A_106], %gather3A_103 : memref<32x128xf32, #tpu.memory_space<vmem>>[vector<16xi32>, vector<16xi32>], vector<16xf32>,
    %add3A_107 = arith.constant 96 : i32
    %add3A_108 = vector.broadcast %add3A_107 : i32 to vector<16xi32>
    %add3A_109 = arith.addi %iota3A, %add3A_108 : vector<16xi32>
    %gather3A_110 = tpu.vector_load_idx %arg6[%add3A_109, %broadcast_in_dim3A_64] : memref<128x128xf32, #tpu.memory_space<vmem>>[vector<16xi32>, vector<16xi32>], vector<16xf32>,
    %add3A_111 = arith.constant 96 : i32
    %add3A_112 = vector.broadcast %add3A_111 : i32 to vector<16xi32>
    %add3A_113 = arith.addi %iota3A, %add3A_112 : vector<16xi32>
    tpu.vector_store_idx %arg7[%broadcast_in_dim3A_64, %add3A_113], %gather3A_110 : memref<32x128xf32, #tpu.memory_space<vmem>>[vector<16xi32>, vector<16xi32>], vector<16xf32>,
    %add3A_114 = arith.constant 112 : i32
    %add3A_115 = vector.broadcast %add3A_114 : i32 to vector<16xi32>
    %add3A_116 = arith.addi %iota3A, %add3A_115 : vector<16xi32>
    %gather3A_117 = tpu.vector_load_idx %arg6[%add3A_116, %broadcast_in_dim3A_64] : memref<128x128xf32, #tpu.memory_space<vmem>>[vector<16xi32>, vector<16xi32>], vector<16xf32>,
    %add3A_118 = arith.constant 112 : i32
    %add3A_119 = vector.broadcast %add3A_118 : i32 to vector<16xi32>
    %add3A_120 = arith.addi %iota3A, %add3A_119 : vector<16xi32>
    tpu.vector_store_idx %arg7[%broadcast_in_dim3A_64, %add3A_120], %gather3A_117 : memref<32x128xf32, #tpu.memory_space<vmem>>[vector<16xi32>, vector<16xi32>], vector<16xf32>,
    %broadcast_in_dim3A_121 = arith.constant 2 : i32
    %broadcast_in_dim3A_122 = vector.broadcast %broadcast_in_dim3A_121 : i32 to vector<16xi32>
    %add3A_123 = arith.constant 0 : i32
    %add3A_124 = vector.broadcast %add3A_123 : i32 to vector<16xi32>
    %add3A_125 = arith.addi %iota3A, %add3A_124 : vector<16xi32>
    %gather3A_126 = tpu.vector_load_idx %arg6[%add3A_125, %broadcast_in_dim3A_122] : memref<128x128xf32, #tpu.memory_space<vmem>>[vector<16xi32>, vector<16xi32>], vector<16xf32>,
    %add3A_127 = arith.constant 0 : i32
    %add3A_128 = vector.broadcast %add3A_127 : i32 to vector<16xi32>
    %add3A_129 = arith.addi %iota3A, %add3A_128 : vector<16xi32>
    tpu.vector_store_idx %arg7[%broadcast_in_dim3A_122, %add3A_129], %gather3A_126 : memref<32x128xf32, #tpu.memory_space<vmem>>[vector<16xi32>, vector<16xi32>], vector<16xf32>,
    %add3A_130 = arith.constant 16 : i32
    %add3A_131 = vector.broadcast %add3A_130 : i32 to vector<16xi32>
    %add3A_132 = arith.addi %iota3A, %add3A_131 : vector<16xi32>
    %gather3A_133 = tpu.vector_load_idx %arg6[%add3A_132, %broadcast_in_dim3A_122] : memref<128x128xf32, #tpu.memory_space<vmem>>[vector<16xi32>, vector<16xi32>], vector<16xf32>,
    %add3A_134 = arith.constant 16 : i32
    %add3A_135 = vector.broadcast %add3A_134 : i32 to vector<16xi32>
    %add3A_136 = arith.addi %iota3A, %add3A_135 : vector<16xi32>
    tpu.vector_store_idx %arg7[%broadcast_in_dim3A_122, %add3A_136], %gather3A_133 : memref<32x128xf32, #tpu.memory_space<vmem>>[vector<16xi32>, vector<16xi32>], vector<16xf32>,
    %add3A_137 = arith.constant 32 : i32
    %add3A_138 = vector.broadcast %add3A_137 : i32 to vector<16xi32>
    %add3A_139 = arith.addi %iota3A, %add3A_138 : vector<16xi32>
    %gather3A_140 = tpu.vector_load_idx %arg6[%add3A_139, %broadcast_in_dim3A_122] : memref<128x128xf32, #tpu.memory_space<vmem>>[vector<16xi32>, vector<16xi32>], vector<16xf32>,
    %add3A_141 = arith.constant 32 : i32
    %add3A_142 = vector.broadcast %add3A_141 : i32 to vector<16xi32>
    %add3A_143 = arith.addi %iota3A, %add3A_142 : vector<16xi32>
    tpu.vector_store_idx %arg7[%broadcast_in_dim3A_122, %add3A_143], %gather3A_140 : memref<32x128xf32, #tpu.memory_space<vmem>>[vector<16xi32>, vector<16xi32>], vector<16xf32>,
    %add3A_144 = arith.constant 48 : i32
    %add3A_145 = vector.broadcast %add3A_144 : i32 to vector<16xi32>
    %add3A_146 = arith.addi %iota3A, %add3A_145 : vector<16xi32>
    %gather3A_147 = tpu.vector_load_idx %arg6[%add3A_146, %broadcast_in_dim3A_122] : memref<128x128xf32, #tpu.memory_space<vmem>>[vector<16xi32>, vector<16xi32>], vector<16xf32>,
    %add3A_148 = arith.constant 48 : i32
    %add3A_149 = vector.broadcast %add3A_148 : i32 to vector<16xi32>
    %add3A_150 = arith.addi %iota3A, %add3A_149 : vector<16xi32>
    tpu.vector_store_idx %arg7[%broadcast_in_dim3A_122, %add3A_150], %gather3A_147 : memref<32x128xf32, #tpu.memory_space<vmem>>[vector<16xi32>, vector<16xi32>], vector<16xf32>,
    %add3A_151 = arith.constant 64 : i32
    %add3A_152 = vector.broadcast %add3A_151 : i32 to vector<16xi32>
    %add3A_153 = arith.addi %iota3A, %add3A_152 : vector<16xi32>
    %gather3A_154 = tpu.vector_load_idx %arg6[%add3A_153, %broadcast_in_dim3A_122] : memref<128x128xf32, #tpu.memory_space<vmem>>[vector<16xi32>, vector<16xi32>], vector<16xf32>,
    %add3A_155 = arith.constant 64 : i32
    %add3A_156 = vector.broadcast %add3A_155 : i32 to vector<16xi32>
    %add3A_157 = arith.addi %iota3A, %add3A_156 : vector<16xi32>
    tpu.vector_store_idx %arg7[%broadcast_in_dim3A_122, %add3A_157], %gather3A_154 : memref<32x128xf32, #tpu.memory_space<vmem>>[vector<16xi32>, vector<16xi32>], vector<16xf32>,
    %add3A_158 = arith.constant 80 : i32
    %add3A_159 = vector.broadcast %add3A_158 : i32 to vector<16xi32>
    %add3A_160 = arith.addi %iota3A, %add3A_159 : vector<16xi32>
    %gather3A_161 = tpu.vector_load_idx %arg6[%add3A_160, %broadcast_in_dim3A_122] : memref<128x128xf32, #tpu.memory_space<vmem>>[vector<16xi32>, vector<16xi32>], vector<16xf32>,
    %add3A_162 = arith.constant 80 : i32
    %add3A_163 = vector.broadcast %add3A_162 : i32 to vector<16xi32>
    %add3A_164 = arith.addi %iota3A, %add3A_163 : vector<16xi32>
    tpu.vector_store_idx %arg7[%broadcast_in_dim3A_122, %add3A_164], %gather3A_161 : memref<32x128xf32, #tpu.memory_space<vmem>>[vector<16xi32>, vector<16xi32>], vector<16xf32>,
    %add3A_165 = arith.constant 96 : i32
    %add3A_166 = vector.broadcast %add3A_165 : i32 to vector<16xi32>
    %add3A_167 = arith.addi %iota3A, %add3A_166 : vector<16xi32>
    %gather3A_168 = tpu.vector_load_idx %arg6[%add3A_167, %broadcast_in_dim3A_122] : memref<128x128xf32, #tpu.memory_space<vmem>>[vector<16xi32>, vector<16xi32>], vector<16xf32>,
    %add3A_169 = arith.constant 96 : i32
    %add3A_170 = vector.broadcast %add3A_169 : i32 to vector<16xi32>
    %add3A_171 = arith.addi %iota3A, %add3A_170 : vector<16xi32>
    tpu.vector_store_idx %arg7[%broadcast_in_dim3A_122, %add3A_171], %gather3A_168 : memref<32x128xf32, #tpu.memory_space<vmem>>[vector<16xi32>, vector<16xi32>], vector<16xf32>,
    %add3A_172 = arith.constant 112 : i32
    %add3A_173 = vector.broadcast %add3A_172 : i32 to vector<16xi32>
    %add3A_174 = arith.addi %iota3A, %add3A_173 : vector<16xi32>
    %gather3A_175 = tpu.vector_load_idx %arg6[%add3A_174, %broadcast_in_dim3A_122] : memref<128x128xf32, #tpu.memory_space<vmem>>[vector<16xi32>, vector<16xi32>], vector<16xf32>,
    %add3A_176 = arith.constant 112 : i32
    %add3A_177 = vector.broadcast %add3A_176 : i32 to vector<16xi32>
    %add3A_178 = arith.addi %iota3A, %add3A_177 : vector<16xi32>
    tpu.vector_store_idx %arg7[%broadcast_in_dim3A_122, %add3A_178], %gather3A_175 : memref<32x128xf32, #tpu.memory_space<vmem>>[vector<16xi32>, vector<16xi32>], vector<16xf32>,
    %broadcast_in_dim3A_179 = arith.constant 3 : i32
    %broadcast_in_dim3A_180 = vector.broadcast %broadcast_in_dim3A_179 : i32 to vector<16xi32>
    %add3A_181 = arith.constant 0 : i32
    %add3A_182 = vector.broadcast %add3A_181 : i32 to vector<16xi32>
    %add3A_183 = arith.addi %iota3A, %add3A_182 : vector<16xi32>
    %gather3A_184 = tpu.vector_load_idx %arg6[%add3A_183, %broadcast_in_dim3A_180] : memref<128x128xf32, #tpu.memory_space<vmem>>[vector<16xi32>, vector<16xi32>], vector<16xf32>,
    %add3A_185 = arith.constant 0 : i32
    %add3A_186 = vector.broadcast %add3A_185 : i32 to vector<16xi32>
    %add3A_187 = arith.addi %iota3A, %add3A_186 : vector<16xi32>
    tpu.vector_store_idx %arg7[%broadcast_in_dim3A_180, %add3A_187], %gather3A_184 : memref<32x128xf32, #tpu.memory_space<vmem>>[vector<16xi32>, vector<16xi32>], vector<16xf32>,
    %add3A_188 = arith.constant 16 : i32
    %add3A_189 = vector.broadcast %add3A_188 : i32 to vector<16xi32>
    %add3A_190 = arith.addi %iota3A, %add3A_189 : vector<16xi32>
    %gather3A_191 = tpu.vector_load_idx %arg6[%add3A_190, %broadcast_in_dim3A_180] : memref<128x128xf32, #tpu.memory_space<vmem>>[vector<16xi32>, vector<16xi32>], vector<16xf32>,
    %add3A_192 = arith.constant 16 : i32
    %add3A_193 = vector.broadcast %add3A_192 : i32 to vector<16xi32>
    %add3A_194 = arith.addi %iota3A, %add3A_193 : vector<16xi32>
    tpu.vector_store_idx %arg7[%broadcast_in_dim3A_180, %add3A_194], %gather3A_191 : memref<32x128xf32, #tpu.memory_space<vmem>>[vector<16xi32>, vector<16xi32>], vector<16xf32>,
    %add3A_195 = arith.constant 32 : i32
    %add3A_196 = vector.broadcast %add3A_195 : i32 to vector<16xi32>
    %add3A_197 = arith.addi %iota3A, %add3A_196 : vector<16xi32>
    %gather3A_198 = tpu.vector_load_idx %arg6[%add3A_197, %broadcast_in_dim3A_180] : memref<128x128xf32, #tpu.memory_space<vmem>>[vector<16xi32>, vector<16xi32>], vector<16xf32>,
    %add3A_199 = arith.constant 32 : i32
    %add3A_200 = vector.broadcast %add3A_199 : i32 to vector<16xi32>
    %add3A_201 = arith.addi %iota3A, %add3A_200 : vector<16xi32>
    tpu.vector_store_idx %arg7[%broadcast_in_dim3A_180, %add3A_201], %gather3A_198 : memref<32x128xf32, #tpu.memory_space<vmem>>[vector<16xi32>, vector<16xi32>], vector<16xf32>,
    %add3A_202 = arith.constant 48 : i32
    %add3A_203 = vector.broadcast %add3A_202 : i32 to vector<16xi32>
    %add3A_204 = arith.addi %iota3A, %add3A_203 : vector<16xi32>
    %gather3A_205 = tpu.vector_load_idx %arg6[%add3A_204, %broadcast_in_dim3A_180] : memref<128x128xf32, #tpu.memory_space<vmem>>[vector<16xi32>, vector<16xi32>], vector<16xf32>,
    %add3A_206 = arith.constant 48 : i32
    %add3A_207 = vector.broadcast %add3A_206 : i32 to vector<16xi32>
    %add3A_208 = arith.addi %iota3A, %add3A_207 : vector<16xi32>
    tpu.vector_store_idx %arg7[%broadcast_in_dim3A_180, %add3A_208], %gather3A_205 : memref<32x128xf32, #tpu.memory_space<vmem>>[vector<16xi32>, vector<16xi32>], vector<16xf32>,
    %add3A_209 = arith.constant 64 : i32
    %add3A_210 = vector.broadcast %add3A_209 : i32 to vector<16xi32>
    %add3A_211 = arith.addi %iota3A, %add3A_210 : vector<16xi32>
    %gather3A_212 = tpu.vector_load_idx %arg6[%add3A_211, %broadcast_in_dim3A_180] : memref<128x128xf32, #tpu.memory_space<vmem>>[vector<16xi32>, vector<16xi32>], vector<16xf32>,
    %add3A_213 = arith.constant 64 : i32
    %add3A_214 = vector.broadcast %add3A_213 : i32 to vector<16xi32>
    %add3A_215 = arith.addi %iota3A, %add3A_214 : vector<16xi32>
    tpu.vector_store_idx %arg7[%broadcast_in_dim3A_180, %add3A_215], %gather3A_212 : memref<32x128xf32, #tpu.memory_space<vmem>>[vector<16xi32>, vector<16xi32>], vector<16xf32>,
    %add3A_216 = arith.constant 80 : i32
    %add3A_217 = vector.broadcast %add3A_216 : i32 to vector<16xi32>
    %add3A_218 = arith.addi %iota3A, %add3A_217 : vector<16xi32>
    %gather3A_219 = tpu.vector_load_idx %arg6[%add3A_218, %broadcast_in_dim3A_180] : memref<128x128xf32, #tpu.memory_space<vmem>>[vector<16xi32>, vector<16xi32>], vector<16xf32>,
    %add3A_220 = arith.constant 80 : i32
    %add3A_221 = vector.broadcast %add3A_220 : i32 to vector<16xi32>
    %add3A_222 = arith.addi %iota3A, %add3A_221 : vector<16xi32>
    tpu.vector_store_idx %arg7[%broadcast_in_dim3A_180, %add3A_222], %gather3A_219 : memref<32x128xf32, #tpu.memory_space<vmem>>[vector<16xi32>, vector<16xi32>], vector<16xf32>,
    %add3A_223 = arith.constant 96 : i32
    %add3A_224 = vector.broadcast %add3A_223 : i32 to vector<16xi32>
    %add3A_225 = arith.addi %iota3A, %add3A_224 : vector<16xi32>
    %gather3A_226 = tpu.vector_load_idx %arg6[%add3A_225, %broadcast_in_dim3A_180] : memref<128x128xf32, #tpu.memory_space<vmem>>[vector<16xi32>, vector<16xi32>], vector<16xf32>,
    %add3A_227 = arith.constant 96 : i32
    %add3A_228 = vector.broadcast %add3A_227 : i32 to vector<16xi32>
    %add3A_229 = arith.addi %iota3A, %add3A_228 : vector<16xi32>
    tpu.vector_store_idx %arg7[%broadcast_in_dim3A_180, %add3A_229], %gather3A_226 : memref<32x128xf32, #tpu.memory_space<vmem>>[vector<16xi32>, vector<16xi32>], vector<16xf32>,
    %add3A_230 = arith.constant 112 : i32
    %add3A_231 = vector.broadcast %add3A_230 : i32 to vector<16xi32>
    %add3A_232 = arith.addi %iota3A, %add3A_231 : vector<16xi32>
    %gather3A_233 = tpu.vector_load_idx %arg6[%add3A_232, %broadcast_in_dim3A_180] : memref<128x128xf32, #tpu.memory_space<vmem>>[vector<16xi32>, vector<16xi32>], vector<16xf32>,
    %add3A_234 = arith.constant 112 : i32
    %add3A_235 = vector.broadcast %add3A_234 : i32 to vector<16xi32>
    %add3A_236 = arith.addi %iota3A, %add3A_235 : vector<16xi32>
    tpu.vector_store_idx %arg7[%broadcast_in_dim3A_180, %add3A_236], %gather3A_233 : memref<32x128xf32, #tpu.memory_space<vmem>>[vector<16xi32>, vector<16xi32>], vector<16xf32>,
    %broadcast_in_dim3A_237 = arith.constant 4 : i32
    %broadcast_in_dim3A_238 = vector.broadcast %broadcast_in_dim3A_237 : i32 to vector<16xi32>
    %add3A_239 = arith.constant 0 : i32
    %add3A_240 = vector.broadcast %add3A_239 : i32 to vector<16xi32>
    %add3A_241 = arith.addi %iota3A, %add3A_240 : vector<16xi32>
    %gather3A_242 = tpu.vector_load_idx %arg6[%add3A_241, %broadcast_in_dim3A_238] : memref<128x128xf32, #tpu.memory_space<vmem>>[vector<16xi32>, vector<16xi32>], vector<16xf32>,
    %add3A_243 = arith.constant 0 : i32
    %add3A_244 = vector.broadcast %add3A_243 : i32 to vector<16xi32>
    %add3A_245 = arith.addi %iota3A, %add3A_244 : vector<16xi32>
    tpu.vector_store_idx %arg7[%broadcast_in_dim3A_238, %add3A_245], %gather3A_242 : memref<32x128xf32, #tpu.memory_space<vmem>>[vector<16xi32>, vector<16xi32>], vector<16xf32>,
    %add3A_246 = arith.constant 16 : i32
    %add3A_247 = vector.broadcast %add3A_246 : i32 to vector<16xi32>
    %add3A_248 = arith.addi %iota3A, %add3A_247 : vector<16xi32>
    %gather3A_249 = tpu.vector_load_idx %arg6[%add3A_248, %broadcast_in_dim3A_238] : memref<128x128xf32, #tpu.memory_space<vmem>>[vector<16xi32>, vector<16xi32>], vector<16xf32>,
    %add3A_250 = arith.constant 16 : i32
    %add3A_251 = vector.broadcast %add3A_250 : i32 to vector<16xi32>
    %add3A_252 = arith.addi %iota3A, %add3A_251 : vector<16xi32>
    tpu.vector_store_idx %arg7[%broadcast_in_dim3A_238, %add3A_252], %gather3A_249 : memref<32x128xf32, #tpu.memory_space<vmem>>[vector<16xi32>, vector<16xi32>], vector<16xf32>,
    %add3A_253 = arith.constant 32 : i32
    %add3A_254 = vector.broadcast %add3A_253 : i32 to vector<16xi32>
    %add3A_255 = arith.addi %iota3A, %add3A_254 : vector<16xi32>
    %gather3A_256 = tpu.vector_load_idx %arg6[%add3A_255, %broadcast_in_dim3A_238] : memref<128x128xf32, #tpu.memory_space<vmem>>[vector<16xi32>, vector<16xi32>], vector<16xf32>,
    %add3A_257 = arith.constant 32 : i32
    %add3A_258 = vector.broadcast %add3A_257 : i32 to vector<16xi32>
    %add3A_259 = arith.addi %iota3A, %add3A_258 : vector<16xi32>
    tpu.vector_store_idx %arg7[%broadcast_in_dim3A_238, %add3A_259], %gather3A_256 : memref<32x128xf32, #tpu.memory_space<vmem>>[vector<16xi32>, vector<16xi32>], vector<16xf32>,
    %add3A_260 = arith.constant 48 : i32
    %add3A_261 = vector.broadcast %add3A_260 : i32 to vector<16xi32>
    %add3A_262 = arith.addi %iota3A, %add3A_261 : vector<16xi32>
    %gather3A_263 = tpu.vector_load_idx %arg6[%add3A_262, %broadcast_in_dim3A_238] : memref<128x128xf32, #tpu.memory_space<vmem>>[vector<16xi32>, vector<16xi32>], vector<16xf32>,
    %add3A_264 = arith.constant 48 : i32
    %add3A_265 = vector.broadcast %add3A_264 : i32 to vector<16xi32>
    %add3A_266 = arith.addi %iota3A, %add3A_265 : vector<16xi32>
    tpu.vector_store_idx %arg7[%broadcast_in_dim3A_238, %add3A_266], %gather3A_263 : memref<32x128xf32, #tpu.memory_space<vmem>>[vector<16xi32>, vector<16xi32>], vector<16xf32>,
    %add3A_267 = arith.constant 64 : i32
    %add3A_268 = vector.broadcast %add3A_267 : i32 to vector<16xi32>
    %add3A_269 = arith.addi %iota3A, %add3A_268 : vector<16xi32>
    %gather3A_270 = tpu.vector_load_idx %arg6[%add3A_269, %broadcast_in_dim3A_238] : memref<128x128xf32, #tpu.memory_space<vmem>>[vector<16xi32>, vector<16xi32>], vector<16xf32>,
    %add3A_271 = arith.constant 64 : i32
    %add3A_272 = vector.broadcast %add3A_271 : i32 to vector<16xi32>
    %add3A_273 = arith.addi %iota3A, %add3A_272 : vector<16xi32>
    tpu.vector_store_idx %arg7[%broadcast_in_dim3A_238, %add3A_273], %gather3A_270 : memref<32x128xf32, #tpu.memory_space<vmem>>[vector<16xi32>, vector<16xi32>], vector<16xf32>,
    %add3A_274 = arith.constant 80 : i32
    %add3A_275 = vector.broadcast %add3A_274 : i32 to vector<16xi32>
    %add3A_276 = arith.addi %iota3A, %add3A_275 : vector<16xi32>
    %gather3A_277 = tpu.vector_load_idx %arg6[%add3A_276, %broadcast_in_dim3A_238] : memref<128x128xf32, #tpu.memory_space<vmem>>[vector<16xi32>, vector<16xi32>], vector<16xf32>,
    %add3A_278 = arith.constant 80 : i32
    %add3A_279 = vector.broadcast %add3A_278 : i32 to vector<16xi32>
    %add3A_280 = arith.addi %iota3A, %add3A_279 : vector<16xi32>
    tpu.vector_store_idx %arg7[%broadcast_in_dim3A_238, %add3A_280], %gather3A_277 : memref<32x128xf32, #tpu.memory_space<vmem>>[vector<16xi32>, vector<16xi32>], vector<16xf32>,
    %add3A_281 = arith.constant 96 : i32
    %add3A_282 = vector.broadcast %add3A_281 : i32 to vector<16xi32>
    %add3A_283 = arith.addi %iota3A, %add3A_282 : vector<16xi32>
    %gather3A_284 = tpu.vector_load_idx %arg6[%add3A_283, %broadcast_in_dim3A_238] : memref<128x128xf32, #tpu.memory_space<vmem>>[vector<16xi32>, vector<16xi32>], vector<16xf32>,
    %add3A_285 = arith.constant 96 : i32
    %add3A_286 = vector.broadcast %add3A_285 : i32 to vector<16xi32>
    %add3A_287 = arith.addi %iota3A, %add3A_286 : vector<16xi32>
    tpu.vector_store_idx %arg7[%broadcast_in_dim3A_238, %add3A_287], %gather3A_284 : memref<32x128xf32, #tpu.memory_space<vmem>>[vector<16xi32>, vector<16xi32>], vector<16xf32>,
    %add3A_288 = arith.constant 112 : i32
    %add3A_289 = vector.broadcast %add3A_288 : i32 to vector<16xi32>
    %add3A_290 = arith.addi %iota3A, %add3A_289 : vector<16xi32>
    %gather3A_291 = tpu.vector_load_idx %arg6[%add3A_290, %broadcast_in_dim3A_238] : memref<128x128xf32, #tpu.memory_space<vmem>>[vector<16xi32>, vector<16xi32>], vector<16xf32>,
    %add3A_292 = arith.constant 112 : i32
    %add3A_293 = vector.broadcast %add3A_292 : i32 to vector<16xi32>
    %add3A_294 = arith.addi %iota3A, %add3A_293 : vector<16xi32>
    tpu.vector_store_idx %arg7[%broadcast_in_dim3A_238, %add3A_294], %gather3A_291 : memref<32x128xf32, #tpu.memory_space<vmem>>[vector<16xi32>, vector<16xi32>], vector<16xf32>,
    %broadcast_in_dim3A_295 = arith.constant 5 : i32
    %broadcast_in_dim3A_296 = vector.broadcast %broadcast_in_dim3A_295 : i32 to vector<16xi32>
    %add3A_297 = arith.constant 0 : i32
    %add3A_298 = vector.broadcast %add3A_297 : i32 to vector<16xi32>
    %add3A_299 = arith.addi %iota3A, %add3A_298 : vector<16xi32>
    %gather3A_300 = tpu.vector_load_idx %arg6[%add3A_299, %broadcast_in_dim3A_296] : memref<128x128xf32, #tpu.memory_space<vmem>>[vector<16xi32>, vector<16xi32>], vector<16xf32>,
    %add3A_301 = arith.constant 0 : i32
    %add3A_302 = vector.broadcast %add3A_301 : i32 to vector<16xi32>
    %add3A_303 = arith.addi %iota3A, %add3A_302 : vector<16xi32>
    tpu.vector_store_idx %arg7[%broadcast_in_dim3A_296, %add3A_303], %gather3A_300 : memref<32x128xf32, #tpu.memory_space<vmem>>[vector<16xi32>, vector<16xi32>], vector<16xf32>,
    %add3A_304 = arith.constant 16 : i32
    %add3A_305 = vector.broadcast %add3A_304 : i32 to vector<16xi32>
    %add3A_306 = arith.addi %iota3A, %add3A_305 : vector<16xi32>
    %gather3A_307 = tpu.vector_load_idx %arg6[%add3A_306, %broadcast_in_dim3A_296] : memref<128x128xf32, #tpu.memory_space<vmem>>[vector<16xi32>, vector<16xi32>], vector<16xf32>,
    %add3A_308 = arith.constant 16 : i32
    %add3A_309 = vector.broadcast %add3A_308 : i32 to vector<16xi32>
    %add3A_310 = arith.addi %iota3A, %add3A_309 : vector<16xi32>
    tpu.vector_store_idx %arg7[%broadcast_in_dim3A_296, %add3A_310], %gather3A_307 : memref<32x128xf32, #tpu.memory_space<vmem>>[vector<16xi32>, vector<16xi32>], vector<16xf32>,
    %add3A_311 = arith.constant 32 : i32
    %add3A_312 = vector.broadcast %add3A_311 : i32 to vector<16xi32>
    %add3A_313 = arith.addi %iota3A, %add3A_312 : vector<16xi32>
    %gather3A_314 = tpu.vector_load_idx %arg6[%add3A_313, %broadcast_in_dim3A_296] : memref<128x128xf32, #tpu.memory_space<vmem>>[vector<16xi32>, vector<16xi32>], vector<16xf32>,
    %add3A_315 = arith.constant 32 : i32
    %add3A_316 = vector.broadcast %add3A_315 : i32 to vector<16xi32>
    %add3A_317 = arith.addi %iota3A, %add3A_316 : vector<16xi32>
    tpu.vector_store_idx %arg7[%broadcast_in_dim3A_296, %add3A_317], %gather3A_314 : memref<32x128xf32, #tpu.memory_space<vmem>>[vector<16xi32>, vector<16xi32>], vector<16xf32>,
    %add3A_318 = arith.constant 48 : i32
    %add3A_319 = vector.broadcast %add3A_318 : i32 to vector<16xi32>
    %add3A_320 = arith.addi %iota3A, %add3A_319 : vector<16xi32>
    %gather3A_321 = tpu.vector_load_idx %arg6[%add3A_320, %broadcast_in_dim3A_296] : memref<128x128xf32, #tpu.memory_space<vmem>>[vector<16xi32>, vector<16xi32>], vector<16xf32>,
    %add3A_322 = arith.constant 48 : i32
    %add3A_323 = vector.broadcast %add3A_322 : i32 to vector<16xi32>
    %add3A_324 = arith.addi %iota3A, %add3A_323 : vector<16xi32>
    tpu.vector_store_idx %arg7[%broadcast_in_dim3A_296, %add3A_324], %gather3A_321 : memref<32x128xf32, #tpu.memory_space<vmem>>[vector<16xi32>, vector<16xi32>], vector<16xf32>,
    %add3A_325 = arith.constant 64 : i32
    %add3A_326 = vector.broadcast %add3A_325 : i32 to vector<16xi32>
    %add3A_327 = arith.addi %iota3A, %add3A_326 : vector<16xi32>
    %gather3A_328 = tpu.vector_load_idx %arg6[%add3A_327, %broadcast_in_dim3A_296] : memref<128x128xf32, #tpu.memory_space<vmem>>[vector<16xi32>, vector<16xi32>], vector<16xf32>,
    %add3A_329 = arith.constant 64 : i32
    %add3A_330 = vector.broadcast %add3A_329 : i32 to vector<16xi32>
    %add3A_331 = arith.addi %iota3A, %add3A_330 : vector<16xi32>
    tpu.vector_store_idx %arg7[%broadcast_in_dim3A_296, %add3A_331], %gather3A_328 : memref<32x128xf32, #tpu.memory_space<vmem>>[vector<16xi32>, vector<16xi32>], vector<16xf32>,
    %add3A_332 = arith.constant 80 : i32
    %add3A_333 = vector.broadcast %add3A_332 : i32 to vector<16xi32>
    %add3A_334 = arith.addi %iota3A, %add3A_333 : vector<16xi32>
    %gather3A_335 = tpu.vector_load_idx %arg6[%add3A_334, %broadcast_in_dim3A_296] : memref<128x128xf32, #tpu.memory_space<vmem>>[vector<16xi32>, vector<16xi32>], vector<16xf32>,
    %add3A_336 = arith.constant 80 : i32
    %add3A_337 = vector.broadcast %add3A_336 : i32 to vector<16xi32>
    %add3A_338 = arith.addi %iota3A, %add3A_337 : vector<16xi32>
    tpu.vector_store_idx %arg7[%broadcast_in_dim3A_296, %add3A_338], %gather3A_335 : memref<32x128xf32, #tpu.memory_space<vmem>>[vector<16xi32>, vector<16xi32>], vector<16xf32>,
    %add3A_339 = arith.constant 96 : i32
    %add3A_340 = vector.broadcast %add3A_339 : i32 to vector<16xi32>
    %add3A_341 = arith.addi %iota3A, %add3A_340 : vector<16xi32>
    %gather3A_342 = tpu.vector_load_idx %arg6[%add3A_341, %broadcast_in_dim3A_296] : memref<128x128xf32, #tpu.memory_space<vmem>>[vector<16xi32>, vector<16xi32>], vector<16xf32>,
    %add3A_343 = arith.constant 96 : i32
    %add3A_344 = vector.broadcast %add3A_343 : i32 to vector<16xi32>
    %add3A_345 = arith.addi %iota3A, %add3A_344 : vector<16xi32>
    tpu.vector_store_idx %arg7[%broadcast_in_dim3A_296, %add3A_345], %gather3A_342 : memref<32x128xf32, #tpu.memory_space<vmem>>[vector<16xi32>, vector<16xi32>], vector<16xf32>,
    %add3A_346 = arith.constant 112 : i32
    %add3A_347 = vector.broadcast %add3A_346 : i32 to vector<16xi32>
    %add3A_348 = arith.addi %iota3A, %add3A_347 : vector<16xi32>
    %gather3A_349 = tpu.vector_load_idx %arg6[%add3A_348, %broadcast_in_dim3A_296] : memref<128x128xf32, #tpu.memory_space<vmem>>[vector<16xi32>, vector<16xi32>], vector<16xf32>,
    %add3A_350 = arith.constant 112 : i32
    %add3A_351 = vector.broadcast %add3A_350 : i32 to vector<16xi32>
    %add3A_352 = arith.addi %iota3A, %add3A_351 : vector<16xi32>
    tpu.vector_store_idx %arg7[%broadcast_in_dim3A_296, %add3A_352], %gather3A_349 : memref<32x128xf32, #tpu.memory_space<vmem>>[vector<16xi32>, vector<16xi32>], vector<16xf32>,
    %broadcast_in_dim3A_353 = arith.constant 6 : i32
    %broadcast_in_dim3A_354 = vector.broadcast %broadcast_in_dim3A_353 : i32 to vector<16xi32>
    %add3A_355 = arith.constant 0 : i32
    %add3A_356 = vector.broadcast %add3A_355 : i32 to vector<16xi32>
    %add3A_357 = arith.addi %iota3A, %add3A_356 : vector<16xi32>
    %gather3A_358 = tpu.vector_load_idx %arg6[%add3A_357, %broadcast_in_dim3A_354] : memref<128x128xf32, #tpu.memory_space<vmem>>[vector<16xi32>, vector<16xi32>], vector<16xf32>,
    %add3A_359 = arith.constant 0 : i32
    %add3A_360 = vector.broadcast %add3A_359 : i32 to vector<16xi32>
    %add3A_361 = arith.addi %iota3A, %add3A_360 : vector<16xi32>
    tpu.vector_store_idx %arg7[%broadcast_in_dim3A_354, %add3A_361], %gather3A_358 : memref<32x128xf32, #tpu.memory_space<vmem>>[vector<16xi32>, vector<16xi32>], vector<16xf32>,
    %add3A_362 = arith.constant 16 : i32
    %add3A_363 = vector.broadcast %add3A_362 : i32 to vector<16xi32>
    %add3A_364 = arith.addi %iota3A, %add3A_363 : vector<16xi32>
    %gather3A_365 = tpu.vector_load_idx %arg6[%add3A_364, %broadcast_in_dim3A_354] : memref<128x128xf32, #tpu.memory_space<vmem>>[vector<16xi32>, vector<16xi32>], vector<16xf32>,
    %add3A_366 = arith.constant 16 : i32
    %add3A_367 = vector.broadcast %add3A_366 : i32 to vector<16xi32>
    %add3A_368 = arith.addi %iota3A, %add3A_367 : vector<16xi32>
    tpu.vector_store_idx %arg7[%broadcast_in_dim3A_354, %add3A_368], %gather3A_365 : memref<32x128xf32, #tpu.memory_space<vmem>>[vector<16xi32>, vector<16xi32>], vector<16xf32>,
    %add3A_369 = arith.constant 32 : i32
    %add3A_370 = vector.broadcast %add3A_369 : i32 to vector<16xi32>
    %add3A_371 = arith.addi %iota3A, %add3A_370 : vector<16xi32>
    %gather3A_372 = tpu.vector_load_idx %arg6[%add3A_371, %broadcast_in_dim3A_354] : memref<128x128xf32, #tpu.memory_space<vmem>>[vector<16xi32>, vector<16xi32>], vector<16xf32>,
    %add3A_373 = arith.constant 32 : i32
    %add3A_374 = vector.broadcast %add3A_373 : i32 to vector<16xi32>
    %add3A_375 = arith.addi %iota3A, %add3A_374 : vector<16xi32>
    tpu.vector_store_idx %arg7[%broadcast_in_dim3A_354, %add3A_375], %gather3A_372 : memref<32x128xf32, #tpu.memory_space<vmem>>[vector<16xi32>, vector<16xi32>], vector<16xf32>,
    %add3A_376 = arith.constant 48 : i32
    %add3A_377 = vector.broadcast %add3A_376 : i32 to vector<16xi32>
    %add3A_378 = arith.addi %iota3A, %add3A_377 : vector<16xi32>
    %gather3A_379 = tpu.vector_load_idx %arg6[%add3A_378, %broadcast_in_dim3A_354] : memref<128x128xf32, #tpu.memory_space<vmem>>[vector<16xi32>, vector<16xi32>], vector<16xf32>,
    %add3A_380 = arith.constant 48 : i32
    %add3A_381 = vector.broadcast %add3A_380 : i32 to vector<16xi32>
    %add3A_382 = arith.addi %iota3A, %add3A_381 : vector<16xi32>
    tpu.vector_store_idx %arg7[%broadcast_in_dim3A_354, %add3A_382], %gather3A_379 : memref<32x128xf32, #tpu.memory_space<vmem>>[vector<16xi32>, vector<16xi32>], vector<16xf32>,
    %add3A_383 = arith.constant 64 : i32
    %add3A_384 = vector.broadcast %add3A_383 : i32 to vector<16xi32>
    %add3A_385 = arith.addi %iota3A, %add3A_384 : vector<16xi32>
    %gather3A_386 = tpu.vector_load_idx %arg6[%add3A_385, %broadcast_in_dim3A_354] : memref<128x128xf32, #tpu.memory_space<vmem>>[vector<16xi32>, vector<16xi32>], vector<16xf32>,
    %add3A_387 = arith.constant 64 : i32
    %add3A_388 = vector.broadcast %add3A_387 : i32 to vector<16xi32>
    %add3A_389 = arith.addi %iota3A, %add3A_388 : vector<16xi32>
    tpu.vector_store_idx %arg7[%broadcast_in_dim3A_354, %add3A_389], %gather3A_386 : memref<32x128xf32, #tpu.memory_space<vmem>>[vector<16xi32>, vector<16xi32>], vector<16xf32>,
    %add3A_390 = arith.constant 80 : i32
    %add3A_391 = vector.broadcast %add3A_390 : i32 to vector<16xi32>
    %add3A_392 = arith.addi %iota3A, %add3A_391 : vector<16xi32>
    %gather3A_393 = tpu.vector_load_idx %arg6[%add3A_392, %broadcast_in_dim3A_354] : memref<128x128xf32, #tpu.memory_space<vmem>>[vector<16xi32>, vector<16xi32>], vector<16xf32>,
    %add3A_394 = arith.constant 80 : i32
    %add3A_395 = vector.broadcast %add3A_394 : i32 to vector<16xi32>
    %add3A_396 = arith.addi %iota3A, %add3A_395 : vector<16xi32>
    tpu.vector_store_idx %arg7[%broadcast_in_dim3A_354, %add3A_396], %gather3A_393 : memref<32x128xf32, #tpu.memory_space<vmem>>[vector<16xi32>, vector<16xi32>], vector<16xf32>,
    %add3A_397 = arith.constant 96 : i32
    %add3A_398 = vector.broadcast %add3A_397 : i32 to vector<16xi32>
    %add3A_399 = arith.addi %iota3A, %add3A_398 : vector<16xi32>
    %gather3A_400 = tpu.vector_load_idx %arg6[%add3A_399, %broadcast_in_dim3A_354] : memref<128x128xf32, #tpu.memory_space<vmem>>[vector<16xi32>, vector<16xi32>], vector<16xf32>,
    %add3A_401 = arith.constant 96 : i32
    %add3A_402 = vector.broadcast %add3A_401 : i32 to vector<16xi32>
    %add3A_403 = arith.addi %iota3A, %add3A_402 : vector<16xi32>
    tpu.vector_store_idx %arg7[%broadcast_in_dim3A_354, %add3A_403], %gather3A_400 : memref<32x128xf32, #tpu.memory_space<vmem>>[vector<16xi32>, vector<16xi32>], vector<16xf32>,
    %add3A_404 = arith.constant 112 : i32
    %add3A_405 = vector.broadcast %add3A_404 : i32 to vector<16xi32>
    %add3A_406 = arith.addi %iota3A, %add3A_405 : vector<16xi32>
    %gather3A_407 = tpu.vector_load_idx %arg6[%add3A_406, %broadcast_in_dim3A_354] : memref<128x128xf32, #tpu.memory_space<vmem>>[vector<16xi32>, vector<16xi32>], vector<16xf32>,
    %add3A_408 = arith.constant 112 : i32
    %add3A_409 = vector.broadcast %add3A_408 : i32 to vector<16xi32>
    %add3A_410 = arith.addi %iota3A, %add3A_409 : vector<16xi32>
    tpu.vector_store_idx %arg7[%broadcast_in_dim3A_354, %add3A_410], %gather3A_407 : memref<32x128xf32, #tpu.memory_space<vmem>>[vector<16xi32>, vector<16xi32>], vector<16xf32>,
    %broadcast_in_dim3A_411 = arith.constant 7 : i32
    %broadcast_in_dim3A_412 = vector.broadcast %broadcast_in_dim3A_411 : i32 to vector<16xi32>
    %add3A_413 = arith.constant 0 : i32
    %add3A_414 = vector.broadcast %add3A_413 : i32 to vector<16xi32>
    %add3A_415 = arith.addi %iota3A, %add3A_414 : vector<16xi32>
    %gather3A_416 = tpu.vector_load_idx %arg6[%add3A_415, %broadcast_in_dim3A_412] : memref<128x128xf32, #tpu.memory_space<vmem>>[vector<16xi32>, vector<16xi32>], vector<16xf32>,
    %add3A_417 = arith.constant 0 : i32
    %add3A_418 = vector.broadcast %add3A_417 : i32 to vector<16xi32>
    %add3A_419 = arith.addi %iota3A, %add3A_418 : vector<16xi32>
    tpu.vector_store_idx %arg7[%broadcast_in_dim3A_412, %add3A_419], %gather3A_416 : memref<32x128xf32, #tpu.memory_space<vmem>>[vector<16xi32>, vector<16xi32>], vector<16xf32>,
    %add3A_420 = arith.constant 16 : i32
    %add3A_421 = vector.broadcast %add3A_420 : i32 to vector<16xi32>
    %add3A_422 = arith.addi %iota3A, %add3A_421 : vector<16xi32>
    %gather3A_423 = tpu.vector_load_idx %arg6[%add3A_422, %broadcast_in_dim3A_412] : memref<128x128xf32, #tpu.memory_space<vmem>>[vector<16xi32>, vector<16xi32>], vector<16xf32>,
    %add3A_424 = arith.constant 16 : i32
    %add3A_425 = vector.broadcast %add3A_424 : i32 to vector<16xi32>
    %add3A_426 = arith.addi %iota3A, %add3A_425 : vector<16xi32>
    tpu.vector_store_idx %arg7[%broadcast_in_dim3A_412, %add3A_426], %gather3A_423 : memref<32x128xf32, #tpu.memory_space<vmem>>[vector<16xi32>, vector<16xi32>], vector<16xf32>,
    %add3A_427 = arith.constant 32 : i32
    %add3A_428 = vector.broadcast %add3A_427 : i32 to vector<16xi32>
    %add3A_429 = arith.addi %iota3A, %add3A_428 : vector<16xi32>
    %gather3A_430 = tpu.vector_load_idx %arg6[%add3A_429, %broadcast_in_dim3A_412] : memref<128x128xf32, #tpu.memory_space<vmem>>[vector<16xi32>, vector<16xi32>], vector<16xf32>,
    %add3A_431 = arith.constant 32 : i32
    %add3A_432 = vector.broadcast %add3A_431 : i32 to vector<16xi32>
    %add3A_433 = arith.addi %iota3A, %add3A_432 : vector<16xi32>
    tpu.vector_store_idx %arg7[%broadcast_in_dim3A_412, %add3A_433], %gather3A_430 : memref<32x128xf32, #tpu.memory_space<vmem>>[vector<16xi32>, vector<16xi32>], vector<16xf32>,
    %add3A_434 = arith.constant 48 : i32
    %add3A_435 = vector.broadcast %add3A_434 : i32 to vector<16xi32>
    %add3A_436 = arith.addi %iota3A, %add3A_435 : vector<16xi32>
    %gather3A_437 = tpu.vector_load_idx %arg6[%add3A_436, %broadcast_in_dim3A_412] : memref<128x128xf32, #tpu.memory_space<vmem>>[vector<16xi32>, vector<16xi32>], vector<16xf32>,
    %add3A_438 = arith.constant 48 : i32
    %add3A_439 = vector.broadcast %add3A_438 : i32 to vector<16xi32>
    %add3A_440 = arith.addi %iota3A, %add3A_439 : vector<16xi32>
    tpu.vector_store_idx %arg7[%broadcast_in_dim3A_412, %add3A_440], %gather3A_437 : memref<32x128xf32, #tpu.memory_space<vmem>>[vector<16xi32>, vector<16xi32>], vector<16xf32>,
    %add3A_441 = arith.constant 64 : i32
    %add3A_442 = vector.broadcast %add3A_441 : i32 to vector<16xi32>
    %add3A_443 = arith.addi %iota3A, %add3A_442 : vector<16xi32>
    %gather3A_444 = tpu.vector_load_idx %arg6[%add3A_443, %broadcast_in_dim3A_412] : memref<128x128xf32, #tpu.memory_space<vmem>>[vector<16xi32>, vector<16xi32>], vector<16xf32>,
    %add3A_445 = arith.constant 64 : i32
    %add3A_446 = vector.broadcast %add3A_445 : i32 to vector<16xi32>
    %add3A_447 = arith.addi %iota3A, %add3A_446 : vector<16xi32>
    tpu.vector_store_idx %arg7[%broadcast_in_dim3A_412, %add3A_447], %gather3A_444 : memref<32x128xf32, #tpu.memory_space<vmem>>[vector<16xi32>, vector<16xi32>], vector<16xf32>,
    %add3A_448 = arith.constant 80 : i32
    %add3A_449 = vector.broadcast %add3A_448 : i32 to vector<16xi32>
    %add3A_450 = arith.addi %iota3A, %add3A_449 : vector<16xi32>
    %gather3A_451 = tpu.vector_load_idx %arg6[%add3A_450, %broadcast_in_dim3A_412] : memref<128x128xf32, #tpu.memory_space<vmem>>[vector<16xi32>, vector<16xi32>], vector<16xf32>,
    %add3A_452 = arith.constant 80 : i32
    %add3A_453 = vector.broadcast %add3A_452 : i32 to vector<16xi32>
    %add3A_454 = arith.addi %iota3A, %add3A_453 : vector<16xi32>
    tpu.vector_store_idx %arg7[%broadcast_in_dim3A_412, %add3A_454], %gather3A_451 : memref<32x128xf32, #tpu.memory_space<vmem>>[vector<16xi32>, vector<16xi32>], vector<16xf32>,
    %add3A_455 = arith.constant 96 : i32
    %add3A_456 = vector.broadcast %add3A_455 : i32 to vector<16xi32>
    %add3A_457 = arith.addi %iota3A, %add3A_456 : vector<16xi32>
    %gather3A_458 = tpu.vector_load_idx %arg6[%add3A_457, %broadcast_in_dim3A_412] : memref<128x128xf32, #tpu.memory_space<vmem>>[vector<16xi32>, vector<16xi32>], vector<16xf32>,
    %add3A_459 = arith.constant 96 : i32
    %add3A_460 = vector.broadcast %add3A_459 : i32 to vector<16xi32>
    %add3A_461 = arith.addi %iota3A, %add3A_460 : vector<16xi32>
    tpu.vector_store_idx %arg7[%broadcast_in_dim3A_412, %add3A_461], %gather3A_458 : memref<32x128xf32, #tpu.memory_space<vmem>>[vector<16xi32>, vector<16xi32>], vector<16xf32>,
    %add3A_462 = arith.constant 112 : i32
    %add3A_463 = vector.broadcast %add3A_462 : i32 to vector<16xi32>
    %add3A_464 = arith.addi %iota3A, %add3A_463 : vector<16xi32>
    %gather3A_465 = tpu.vector_load_idx %arg6[%add3A_464, %broadcast_in_dim3A_412] : memref<128x128xf32, #tpu.memory_space<vmem>>[vector<16xi32>, vector<16xi32>], vector<16xf32>,
    %add3A_466 = arith.constant 112 : i32
    %add3A_467 = vector.broadcast %add3A_466 : i32 to vector<16xi32>
    %add3A_468 = arith.addi %iota3A, %add3A_467 : vector<16xi32>
    tpu.vector_store_idx %arg7[%broadcast_in_dim3A_412, %add3A_468], %gather3A_465 : memref<32x128xf32, #tpu.memory_space<vmem>>[vector<16xi32>, vector<16xi32>], vector<16xf32>,
    %broadcast_in_dim3A_469 = arith.constant 8 : i32
    %broadcast_in_dim3A_470 = vector.broadcast %broadcast_in_dim3A_469 : i32 to vector<16xi32>
    %add3A_471 = arith.constant 0 : i32
    %add3A_472 = vector.broadcast %add3A_471 : i32 to vector<16xi32>
    %add3A_473 = arith.addi %iota3A, %add3A_472 : vector<16xi32>
    %gather3A_474 = tpu.vector_load_idx %arg6[%add3A_473, %broadcast_in_dim3A_470] : memref<128x128xf32, #tpu.memory_space<vmem>>[vector<16xi32>, vector<16xi32>], vector<16xf32>,
    %add3A_475 = arith.constant 0 : i32
    %add3A_476 = vector.broadcast %add3A_475 : i32 to vector<16xi32>
    %add3A_477 = arith.addi %iota3A, %add3A_476 : vector<16xi32>
    tpu.vector_store_idx %arg7[%broadcast_in_dim3A_470, %add3A_477], %gather3A_474 : memref<32x128xf32, #tpu.memory_space<vmem>>[vector<16xi32>, vector<16xi32>], vector<16xf32>,
    %add3A_478 = arith.constant 16 : i32
    %add3A_479 = vector.broadcast %add3A_478 : i32 to vector<16xi32>
    %add3A_480 = arith.addi %iota3A, %add3A_479 : vector<16xi32>
    %gather3A_481 = tpu.vector_load_idx %arg6[%add3A_480, %broadcast_in_dim3A_470] : memref<128x128xf32, #tpu.memory_space<vmem>>[vector<16xi32>, vector<16xi32>], vector<16xf32>,
    %add3A_482 = arith.constant 16 : i32
    %add3A_483 = vector.broadcast %add3A_482 : i32 to vector<16xi32>
    %add3A_484 = arith.addi %iota3A, %add3A_483 : vector<16xi32>
    tpu.vector_store_idx %arg7[%broadcast_in_dim3A_470, %add3A_484], %gather3A_481 : memref<32x128xf32, #tpu.memory_space<vmem>>[vector<16xi32>, vector<16xi32>], vector<16xf32>,
    %add3A_485 = arith.constant 32 : i32
    %add3A_486 = vector.broadcast %add3A_485 : i32 to vector<16xi32>
    %add3A_487 = arith.addi %iota3A, %add3A_486 : vector<16xi32>
    %gather3A_488 = tpu.vector_load_idx %arg6[%add3A_487, %broadcast_in_dim3A_470] : memref<128x128xf32, #tpu.memory_space<vmem>>[vector<16xi32>, vector<16xi32>], vector<16xf32>,
    %add3A_489 = arith.constant 32 : i32
    %add3A_490 = vector.broadcast %add3A_489 : i32 to vector<16xi32>
    %add3A_491 = arith.addi %iota3A, %add3A_490 : vector<16xi32>
    tpu.vector_store_idx %arg7[%broadcast_in_dim3A_470, %add3A_491], %gather3A_488 : memref<32x128xf32, #tpu.memory_space<vmem>>[vector<16xi32>, vector<16xi32>], vector<16xf32>,
    %add3A_492 = arith.constant 48 : i32
    %add3A_493 = vector.broadcast %add3A_492 : i32 to vector<16xi32>
    %add3A_494 = arith.addi %iota3A, %add3A_493 : vector<16xi32>
    %gather3A_495 = tpu.vector_load_idx %arg6[%add3A_494, %broadcast_in_dim3A_470] : memref<128x128xf32, #tpu.memory_space<vmem>>[vector<16xi32>, vector<16xi32>], vector<16xf32>,
    %add3A_496 = arith.constant 48 : i32
    %add3A_497 = vector.broadcast %add3A_496 : i32 to vector<16xi32>
    %add3A_498 = arith.addi %iota3A, %add3A_497 : vector<16xi32>
    tpu.vector_store_idx %arg7[%broadcast_in_dim3A_470, %add3A_498], %gather3A_495 : memref<32x128xf32, #tpu.memory_space<vmem>>[vector<16xi32>, vector<16xi32>], vector<16xf32>,
    %add3A_499 = arith.constant 64 : i32
    %add3A_500 = vector.broadcast %add3A_499 : i32 to vector<16xi32>
    %add3A_501 = arith.addi %iota3A, %add3A_500 : vector<16xi32>
    %gather3A_502 = tpu.vector_load_idx %arg6[%add3A_501, %broadcast_in_dim3A_470] : memref<128x128xf32, #tpu.memory_space<vmem>>[vector<16xi32>, vector<16xi32>], vector<16xf32>,
    %add3A_503 = arith.constant 64 : i32
    %add3A_504 = vector.broadcast %add3A_503 : i32 to vector<16xi32>
    %add3A_505 = arith.addi %iota3A, %add3A_504 : vector<16xi32>
    tpu.vector_store_idx %arg7[%broadcast_in_dim3A_470, %add3A_505], %gather3A_502 : memref<32x128xf32, #tpu.memory_space<vmem>>[vector<16xi32>, vector<16xi32>], vector<16xf32>,
    %add3A_506 = arith.constant 80 : i32
    %add3A_507 = vector.broadcast %add3A_506 : i32 to vector<16xi32>
    %add3A_508 = arith.addi %iota3A, %add3A_507 : vector<16xi32>
    %gather3A_509 = tpu.vector_load_idx %arg6[%add3A_508, %broadcast_in_dim3A_470] : memref<128x128xf32, #tpu.memory_space<vmem>>[vector<16xi32>, vector<16xi32>], vector<16xf32>,
    %add3A_510 = arith.constant 80 : i32
    %add3A_511 = vector.broadcast %add3A_510 : i32 to vector<16xi32>
    %add3A_512 = arith.addi %iota3A, %add3A_511 : vector<16xi32>
    tpu.vector_store_idx %arg7[%broadcast_in_dim3A_470, %add3A_512], %gather3A_509 : memref<32x128xf32, #tpu.memory_space<vmem>>[vector<16xi32>, vector<16xi32>], vector<16xf32>,
    %add3A_513 = arith.constant 96 : i32
    %add3A_514 = vector.broadcast %add3A_513 : i32 to vector<16xi32>
    %add3A_515 = arith.addi %iota3A, %add3A_514 : vector<16xi32>
    %gather3A_516 = tpu.vector_load_idx %arg6[%add3A_515, %broadcast_in_dim3A_470] : memref<128x128xf32, #tpu.memory_space<vmem>>[vector<16xi32>, vector<16xi32>], vector<16xf32>,
    %add3A_517 = arith.constant 96 : i32
    %add3A_518 = vector.broadcast %add3A_517 : i32 to vector<16xi32>
    %add3A_519 = arith.addi %iota3A, %add3A_518 : vector<16xi32>
    tpu.vector_store_idx %arg7[%broadcast_in_dim3A_470, %add3A_519], %gather3A_516 : memref<32x128xf32, #tpu.memory_space<vmem>>[vector<16xi32>, vector<16xi32>], vector<16xf32>,
    %add3A_520 = arith.constant 112 : i32
    %add3A_521 = vector.broadcast %add3A_520 : i32 to vector<16xi32>
    %add3A_522 = arith.addi %iota3A, %add3A_521 : vector<16xi32>
    %gather3A_523 = tpu.vector_load_idx %arg6[%add3A_522, %broadcast_in_dim3A_470] : memref<128x128xf32, #tpu.memory_space<vmem>>[vector<16xi32>, vector<16xi32>], vector<16xf32>,
    %add3A_524 = arith.constant 112 : i32
    %add3A_525 = vector.broadcast %add3A_524 : i32 to vector<16xi32>
    %add3A_526 = arith.addi %iota3A, %add3A_525 : vector<16xi32>
    tpu.vector_store_idx %arg7[%broadcast_in_dim3A_470, %add3A_526], %gather3A_523 : memref<32x128xf32, #tpu.memory_space<vmem>>[vector<16xi32>, vector<16xi32>], vector<16xf32>,
    %broadcast_in_dim3A_527 = arith.constant 9 : i32
    %broadcast_in_dim3A_528 = vector.broadcast %broadcast_in_dim3A_527 : i32 to vector<16xi32>
    %add3A_529 = arith.constant 0 : i32
    %add3A_530 = vector.broadcast %add3A_529 : i32 to vector<16xi32>
    %add3A_531 = arith.addi %iota3A, %add3A_530 : vector<16xi32>
    %gather3A_532 = tpu.vector_load_idx %arg6[%add3A_531, %broadcast_in_dim3A_528] : memref<128x128xf32, #tpu.memory_space<vmem>>[vector<16xi32>, vector<16xi32>], vector<16xf32>,
    %add3A_533 = arith.constant 0 : i32
    %add3A_534 = vector.broadcast %add3A_533 : i32 to vector<16xi32>
    %add3A_535 = arith.addi %iota3A, %add3A_534 : vector<16xi32>
    tpu.vector_store_idx %arg7[%broadcast_in_dim3A_528, %add3A_535], %gather3A_532 : memref<32x128xf32, #tpu.memory_space<vmem>>[vector<16xi32>, vector<16xi32>], vector<16xf32>,
    %add3A_536 = arith.constant 16 : i32
    %add3A_537 = vector.broadcast %add3A_536 : i32 to vector<16xi32>
    %add3A_538 = arith.addi %iota3A, %add3A_537 : vector<16xi32>
    %gather3A_539 = tpu.vector_load_idx %arg6[%add3A_538, %broadcast_in_dim3A_528] : memref<128x128xf32, #tpu.memory_space<vmem>>[vector<16xi32>, vector<16xi32>], vector<16xf32>,
    %add3A_540 = arith.constant 16 : i32
    %add3A_541 = vector.broadcast %add3A_540 : i32 to vector<16xi32>
    %add3A_542 = arith.addi %iota3A, %add3A_541 : vector<16xi32>
    tpu.vector_store_idx %arg7[%broadcast_in_dim3A_528, %add3A_542], %gather3A_539 : memref<32x128xf32, #tpu.memory_space<vmem>>[vector<16xi32>, vector<16xi32>], vector<16xf32>,
    %add3A_543 = arith.constant 32 : i32
    %add3A_544 = vector.broadcast %add3A_543 : i32 to vector<16xi32>
    %add3A_545 = arith.addi %iota3A, %add3A_544 : vector<16xi32>
    %gather3A_546 = tpu.vector_load_idx %arg6[%add3A_545, %broadcast_in_dim3A_528] : memref<128x128xf32, #tpu.memory_space<vmem>>[vector<16xi32>, vector<16xi32>], vector<16xf32>,
    %add3A_547 = arith.constant 32 : i32
    %add3A_548 = vector.broadcast %add3A_547 : i32 to vector<16xi32>
    %add3A_549 = arith.addi %iota3A, %add3A_548 : vector<16xi32>
    tpu.vector_store_idx %arg7[%broadcast_in_dim3A_528, %add3A_549], %gather3A_546 : memref<32x128xf32, #tpu.memory_space<vmem>>[vector<16xi32>, vector<16xi32>], vector<16xf32>,
    %add3A_550 = arith.constant 48 : i32
    %add3A_551 = vector.broadcast %add3A_550 : i32 to vector<16xi32>
    %add3A_552 = arith.addi %iota3A, %add3A_551 : vector<16xi32>
    %gather3A_553 = tpu.vector_load_idx %arg6[%add3A_552, %broadcast_in_dim3A_528] : memref<128x128xf32, #tpu.memory_space<vmem>>[vector<16xi32>, vector<16xi32>], vector<16xf32>,
    %add3A_554 = arith.constant 48 : i32
    %add3A_555 = vector.broadcast %add3A_554 : i32 to vector<16xi32>
    %add3A_556 = arith.addi %iota3A, %add3A_555 : vector<16xi32>
    tpu.vector_store_idx %arg7[%broadcast_in_dim3A_528, %add3A_556], %gather3A_553 : memref<32x128xf32, #tpu.memory_space<vmem>>[vector<16xi32>, vector<16xi32>], vector<16xf32>,
    %add3A_557 = arith.constant 64 : i32
    %add3A_558 = vector.broadcast %add3A_557 : i32 to vector<16xi32>
    %add3A_559 = arith.addi %iota3A, %add3A_558 : vector<16xi32>
    %gather3A_560 = tpu.vector_load_idx %arg6[%add3A_559, %broadcast_in_dim3A_528] : memref<128x128xf32, #tpu.memory_space<vmem>>[vector<16xi32>, vector<16xi32>], vector<16xf32>,
    %add3A_561 = arith.constant 64 : i32
    %add3A_562 = vector.broadcast %add3A_561 : i32 to vector<16xi32>
    %add3A_563 = arith.addi %iota3A, %add3A_562 : vector<16xi32>
    tpu.vector_store_idx %arg7[%broadcast_in_dim3A_528, %add3A_563], %gather3A_560 : memref<32x128xf32, #tpu.memory_space<vmem>>[vector<16xi32>, vector<16xi32>], vector<16xf32>,
    %add3A_564 = arith.constant 80 : i32
    %add3A_565 = vector.broadcast %add3A_564 : i32 to vector<16xi32>
    %add3A_566 = arith.addi %iota3A, %add3A_565 : vector<16xi32>
    %gather3A_567 = tpu.vector_load_idx %arg6[%add3A_566, %broadcast_in_dim3A_528] : memref<128x128xf32, #tpu.memory_space<vmem>>[vector<16xi32>, vector<16xi32>], vector<16xf32>,
    %add3A_568 = arith.constant 80 : i32
    %add3A_569 = vector.broadcast %add3A_568 : i32 to vector<16xi32>
    %add3A_570 = arith.addi %iota3A, %add3A_569 : vector<16xi32>
    tpu.vector_store_idx %arg7[%broadcast_in_dim3A_528, %add3A_570], %gather3A_567 : memref<32x128xf32, #tpu.memory_space<vmem>>[vector<16xi32>, vector<16xi32>], vector<16xf32>,
    %add3A_571 = arith.constant 96 : i32
    %add3A_572 = vector.broadcast %add3A_571 : i32 to vector<16xi32>
    %add3A_573 = arith.addi %iota3A, %add3A_572 : vector<16xi32>
    %gather3A_574 = tpu.vector_load_idx %arg6[%add3A_573, %broadcast_in_dim3A_528] : memref<128x128xf32, #tpu.memory_space<vmem>>[vector<16xi32>, vector<16xi32>], vector<16xf32>,
    %add3A_575 = arith.constant 96 : i32
    %add3A_576 = vector.broadcast %add3A_575 : i32 to vector<16xi32>
    %add3A_577 = arith.addi %iota3A, %add3A_576 : vector<16xi32>
    tpu.vector_store_idx %arg7[%broadcast_in_dim3A_528, %add3A_577], %gather3A_574 : memref<32x128xf32, #tpu.memory_space<vmem>>[vector<16xi32>, vector<16xi32>], vector<16xf32>,
    %add3A_578 = arith.constant 112 : i32
    %add3A_579 = vector.broadcast %add3A_578 : i32 to vector<16xi32>
    %add3A_580 = arith.addi %iota3A, %add3A_579 : vector<16xi32>
    %gather3A_581 = tpu.vector_load_idx %arg6[%add3A_580, %broadcast_in_dim3A_528] : memref<128x128xf32, #tpu.memory_space<vmem>>[vector<16xi32>, vector<16xi32>], vector<16xf32>,
    %add3A_582 = arith.constant 112 : i32
    %add3A_583 = vector.broadcast %add3A_582 : i32 to vector<16xi32>
    %add3A_584 = arith.addi %iota3A, %add3A_583 : vector<16xi32>
    tpu.vector_store_idx %arg7[%broadcast_in_dim3A_528, %add3A_584], %gather3A_581 : memref<32x128xf32, #tpu.memory_space<vmem>>[vector<16xi32>, vector<16xi32>], vector<16xf32>,
    %broadcast_in_dim3A_585 = arith.constant 10 : i32
    %broadcast_in_dim3A_586 = vector.broadcast %broadcast_in_dim3A_585 : i32 to vector<16xi32>
    %add3A_587 = arith.constant 0 : i32
    %add3A_588 = vector.broadcast %add3A_587 : i32 to vector<16xi32>
    %add3A_589 = arith.addi %iota3A, %add3A_588 : vector<16xi32>
    %gather3A_590 = tpu.vector_load_idx %arg6[%add3A_589, %broadcast_in_dim3A_586] : memref<128x128xf32, #tpu.memory_space<vmem>>[vector<16xi32>, vector<16xi32>], vector<16xf32>,
    %add3A_591 = arith.constant 0 : i32
    %add3A_592 = vector.broadcast %add3A_591 : i32 to vector<16xi32>
    %add3A_593 = arith.addi %iota3A, %add3A_592 : vector<16xi32>
    tpu.vector_store_idx %arg7[%broadcast_in_dim3A_586, %add3A_593], %gather3A_590 : memref<32x128xf32, #tpu.memory_space<vmem>>[vector<16xi32>, vector<16xi32>], vector<16xf32>,
    %add3A_594 = arith.constant 16 : i32
    %add3A_595 = vector.broadcast %add3A_594 : i32 to vector<16xi32>
    %add3A_596 = arith.addi %iota3A, %add3A_595 : vector<16xi32>
    %gather3A_597 = tpu.vector_load_idx %arg6[%add3A_596, %broadcast_in_dim3A_586] : memref<128x128xf32, #tpu.memory_space<vmem>>[vector<16xi32>, vector<16xi32>], vector<16xf32>,
    %add3A_598 = arith.constant 16 : i32
    %add3A_599 = vector.broadcast %add3A_598 : i32 to vector<16xi32>
    %add3A_600 = arith.addi %iota3A, %add3A_599 : vector<16xi32>
    tpu.vector_store_idx %arg7[%broadcast_in_dim3A_586, %add3A_600], %gather3A_597 : memref<32x128xf32, #tpu.memory_space<vmem>>[vector<16xi32>, vector<16xi32>], vector<16xf32>,
    %add3A_601 = arith.constant 32 : i32
    %add3A_602 = vector.broadcast %add3A_601 : i32 to vector<16xi32>
    %add3A_603 = arith.addi %iota3A, %add3A_602 : vector<16xi32>
    %gather3A_604 = tpu.vector_load_idx %arg6[%add3A_603, %broadcast_in_dim3A_586] : memref<128x128xf32, #tpu.memory_space<vmem>>[vector<16xi32>, vector<16xi32>], vector<16xf32>,
    %add3A_605 = arith.constant 32 : i32
    %add3A_606 = vector.broadcast %add3A_605 : i32 to vector<16xi32>
    %add3A_607 = arith.addi %iota3A, %add3A_606 : vector<16xi32>
    tpu.vector_store_idx %arg7[%broadcast_in_dim3A_586, %add3A_607], %gather3A_604 : memref<32x128xf32, #tpu.memory_space<vmem>>[vector<16xi32>, vector<16xi32>], vector<16xf32>,
    %add3A_608 = arith.constant 48 : i32
    %add3A_609 = vector.broadcast %add3A_608 : i32 to vector<16xi32>
    %add3A_610 = arith.addi %iota3A, %add3A_609 : vector<16xi32>
    %gather3A_611 = tpu.vector_load_idx %arg6[%add3A_610, %broadcast_in_dim3A_586] : memref<128x128xf32, #tpu.memory_space<vmem>>[vector<16xi32>, vector<16xi32>], vector<16xf32>,
    %add3A_612 = arith.constant 48 : i32
    %add3A_613 = vector.broadcast %add3A_612 : i32 to vector<16xi32>
    %add3A_614 = arith.addi %iota3A, %add3A_613 : vector<16xi32>
    tpu.vector_store_idx %arg7[%broadcast_in_dim3A_586, %add3A_614], %gather3A_611 : memref<32x128xf32, #tpu.memory_space<vmem>>[vector<16xi32>, vector<16xi32>], vector<16xf32>,
    %add3A_615 = arith.constant 64 : i32
    %add3A_616 = vector.broadcast %add3A_615 : i32 to vector<16xi32>
    %add3A_617 = arith.addi %iota3A, %add3A_616 : vector<16xi32>
    %gather3A_618 = tpu.vector_load_idx %arg6[%add3A_617, %broadcast_in_dim3A_586] : memref<128x128xf32, #tpu.memory_space<vmem>>[vector<16xi32>, vector<16xi32>], vector<16xf32>,
    %add3A_619 = arith.constant 64 : i32
    %add3A_620 = vector.broadcast %add3A_619 : i32 to vector<16xi32>
    %add3A_621 = arith.addi %iota3A, %add3A_620 : vector<16xi32>
    tpu.vector_store_idx %arg7[%broadcast_in_dim3A_586, %add3A_621], %gather3A_618 : memref<32x128xf32, #tpu.memory_space<vmem>>[vector<16xi32>, vector<16xi32>], vector<16xf32>,
    %add3A_622 = arith.constant 80 : i32
    %add3A_623 = vector.broadcast %add3A_622 : i32 to vector<16xi32>
    %add3A_624 = arith.addi %iota3A, %add3A_623 : vector<16xi32>
    %gather3A_625 = tpu.vector_load_idx %arg6[%add3A_624, %broadcast_in_dim3A_586] : memref<128x128xf32, #tpu.memory_space<vmem>>[vector<16xi32>, vector<16xi32>], vector<16xf32>,
    %add3A_626 = arith.constant 80 : i32
    %add3A_627 = vector.broadcast %add3A_626 : i32 to vector<16xi32>
    %add3A_628 = arith.addi %iota3A, %add3A_627 : vector<16xi32>
    tpu.vector_store_idx %arg7[%broadcast_in_dim3A_586, %add3A_628], %gather3A_625 : memref<32x128xf32, #tpu.memory_space<vmem>>[vector<16xi32>, vector<16xi32>], vector<16xf32>,
    %add3A_629 = arith.constant 96 : i32
    %add3A_630 = vector.broadcast %add3A_629 : i32 to vector<16xi32>
    %add3A_631 = arith.addi %iota3A, %add3A_630 : vector<16xi32>
    %gather3A_632 = tpu.vector_load_idx %arg6[%add3A_631, %broadcast_in_dim3A_586] : memref<128x128xf32, #tpu.memory_space<vmem>>[vector<16xi32>, vector<16xi32>], vector<16xf32>,
    %add3A_633 = arith.constant 96 : i32
    %add3A_634 = vector.broadcast %add3A_633 : i32 to vector<16xi32>
    %add3A_635 = arith.addi %iota3A, %add3A_634 : vector<16xi32>
    tpu.vector_store_idx %arg7[%broadcast_in_dim3A_586, %add3A_635], %gather3A_632 : memref<32x128xf32, #tpu.memory_space<vmem>>[vector<16xi32>, vector<16xi32>], vector<16xf32>,
    %add3A_636 = arith.constant 112 : i32
    %add3A_637 = vector.broadcast %add3A_636 : i32 to vector<16xi32>
    %add3A_638 = arith.addi %iota3A, %add3A_637 : vector<16xi32>
    %gather3A_639 = tpu.vector_load_idx %arg6[%add3A_638, %broadcast_in_dim3A_586] : memref<128x128xf32, #tpu.memory_space<vmem>>[vector<16xi32>, vector<16xi32>], vector<16xf32>,
    %add3A_640 = arith.constant 112 : i32
    %add3A_641 = vector.broadcast %add3A_640 : i32 to vector<16xi32>
    %add3A_642 = arith.addi %iota3A, %add3A_641 : vector<16xi32>
    tpu.vector_store_idx %arg7[%broadcast_in_dim3A_586, %add3A_642], %gather3A_639 : memref<32x128xf32, #tpu.memory_space<vmem>>[vector<16xi32>, vector<16xi32>], vector<16xf32>,
    %broadcast_in_dim3A_643 = arith.constant 11 : i32
    %broadcast_in_dim3A_644 = vector.broadcast %broadcast_in_dim3A_643 : i32 to vector<16xi32>
    %add3A_645 = arith.constant 0 : i32
    %add3A_646 = vector.broadcast %add3A_645 : i32 to vector<16xi32>
    %add3A_647 = arith.addi %iota3A, %add3A_646 : vector<16xi32>
    %gather3A_648 = tpu.vector_load_idx %arg6[%add3A_647, %broadcast_in_dim3A_644] : memref<128x128xf32, #tpu.memory_space<vmem>>[vector<16xi32>, vector<16xi32>], vector<16xf32>,
    %add3A_649 = arith.constant 0 : i32
    %add3A_650 = vector.broadcast %add3A_649 : i32 to vector<16xi32>
    %add3A_651 = arith.addi %iota3A, %add3A_650 : vector<16xi32>
    tpu.vector_store_idx %arg7[%broadcast_in_dim3A_644, %add3A_651], %gather3A_648 : memref<32x128xf32, #tpu.memory_space<vmem>>[vector<16xi32>, vector<16xi32>], vector<16xf32>,
    %add3A_652 = arith.constant 16 : i32
    %add3A_653 = vector.broadcast %add3A_652 : i32 to vector<16xi32>
    %add3A_654 = arith.addi %iota3A, %add3A_653 : vector<16xi32>
    %gather3A_655 = tpu.vector_load_idx %arg6[%add3A_654, %broadcast_in_dim3A_644] : memref<128x128xf32, #tpu.memory_space<vmem>>[vector<16xi32>, vector<16xi32>], vector<16xf32>,
    %add3A_656 = arith.constant 16 : i32
    %add3A_657 = vector.broadcast %add3A_656 : i32 to vector<16xi32>
    %add3A_658 = arith.addi %iota3A, %add3A_657 : vector<16xi32>
    tpu.vector_store_idx %arg7[%broadcast_in_dim3A_644, %add3A_658], %gather3A_655 : memref<32x128xf32, #tpu.memory_space<vmem>>[vector<16xi32>, vector<16xi32>], vector<16xf32>,
    %add3A_659 = arith.constant 32 : i32
    %add3A_660 = vector.broadcast %add3A_659 : i32 to vector<16xi32>
    %add3A_661 = arith.addi %iota3A, %add3A_660 : vector<16xi32>
    %gather3A_662 = tpu.vector_load_idx %arg6[%add3A_661, %broadcast_in_dim3A_644] : memref<128x128xf32, #tpu.memory_space<vmem>>[vector<16xi32>, vector<16xi32>], vector<16xf32>,
    %add3A_663 = arith.constant 32 : i32
    %add3A_664 = vector.broadcast %add3A_663 : i32 to vector<16xi32>
    %add3A_665 = arith.addi %iota3A, %add3A_664 : vector<16xi32>
    tpu.vector_store_idx %arg7[%broadcast_in_dim3A_644, %add3A_665], %gather3A_662 : memref<32x128xf32, #tpu.memory_space<vmem>>[vector<16xi32>, vector<16xi32>], vector<16xf32>,
    %add3A_666 = arith.constant 48 : i32
    %add3A_667 = vector.broadcast %add3A_666 : i32 to vector<16xi32>
    %add3A_668 = arith.addi %iota3A, %add3A_667 : vector<16xi32>
    %gather3A_669 = tpu.vector_load_idx %arg6[%add3A_668, %broadcast_in_dim3A_644] : memref<128x128xf32, #tpu.memory_space<vmem>>[vector<16xi32>, vector<16xi32>], vector<16xf32>,
    %add3A_670 = arith.constant 48 : i32
    %add3A_671 = vector.broadcast %add3A_670 : i32 to vector<16xi32>
    %add3A_672 = arith.addi %iota3A, %add3A_671 : vector<16xi32>
    tpu.vector_store_idx %arg7[%broadcast_in_dim3A_644, %add3A_672], %gather3A_669 : memref<32x128xf32, #tpu.memory_space<vmem>>[vector<16xi32>, vector<16xi32>], vector<16xf32>,
    %add3A_673 = arith.constant 64 : i32
    %add3A_674 = vector.broadcast %add3A_673 : i32 to vector<16xi32>
    %add3A_675 = arith.addi %iota3A, %add3A_674 : vector<16xi32>
    %gather3A_676 = tpu.vector_load_idx %arg6[%add3A_675, %broadcast_in_dim3A_644] : memref<128x128xf32, #tpu.memory_space<vmem>>[vector<16xi32>, vector<16xi32>], vector<16xf32>,
    %add3A_677 = arith.constant 64 : i32
    %add3A_678 = vector.broadcast %add3A_677 : i32 to vector<16xi32>
    %add3A_679 = arith.addi %iota3A, %add3A_678 : vector<16xi32>
    tpu.vector_store_idx %arg7[%broadcast_in_dim3A_644, %add3A_679], %gather3A_676 : memref<32x128xf32, #tpu.memory_space<vmem>>[vector<16xi32>, vector<16xi32>], vector<16xf32>,
    %add3A_680 = arith.constant 80 : i32
    %add3A_681 = vector.broadcast %add3A_680 : i32 to vector<16xi32>
    %add3A_682 = arith.addi %iota3A, %add3A_681 : vector<16xi32>
    %gather3A_683 = tpu.vector_load_idx %arg6[%add3A_682, %broadcast_in_dim3A_644] : memref<128x128xf32, #tpu.memory_space<vmem>>[vector<16xi32>, vector<16xi32>], vector<16xf32>,
    %add3A_684 = arith.constant 80 : i32
    %add3A_685 = vector.broadcast %add3A_684 : i32 to vector<16xi32>
    %add3A_686 = arith.addi %iota3A, %add3A_685 : vector<16xi32>
    tpu.vector_store_idx %arg7[%broadcast_in_dim3A_644, %add3A_686], %gather3A_683 : memref<32x128xf32, #tpu.memory_space<vmem>>[vector<16xi32>, vector<16xi32>], vector<16xf32>,
    %add3A_687 = arith.constant 96 : i32
    %add3A_688 = vector.broadcast %add3A_687 : i32 to vector<16xi32>
    %add3A_689 = arith.addi %iota3A, %add3A_688 : vector<16xi32>
    %gather3A_690 = tpu.vector_load_idx %arg6[%add3A_689, %broadcast_in_dim3A_644] : memref<128x128xf32, #tpu.memory_space<vmem>>[vector<16xi32>, vector<16xi32>], vector<16xf32>,
    %add3A_691 = arith.constant 96 : i32
    %add3A_692 = vector.broadcast %add3A_691 : i32 to vector<16xi32>
    %add3A_693 = arith.addi %iota3A, %add3A_692 : vector<16xi32>
    tpu.vector_store_idx %arg7[%broadcast_in_dim3A_644, %add3A_693], %gather3A_690 : memref<32x128xf32, #tpu.memory_space<vmem>>[vector<16xi32>, vector<16xi32>], vector<16xf32>,
    %add3A_694 = arith.constant 112 : i32
    %add3A_695 = vector.broadcast %add3A_694 : i32 to vector<16xi32>
    %add3A_696 = arith.addi %iota3A, %add3A_695 : vector<16xi32>
    %gather3A_697 = tpu.vector_load_idx %arg6[%add3A_696, %broadcast_in_dim3A_644] : memref<128x128xf32, #tpu.memory_space<vmem>>[vector<16xi32>, vector<16xi32>], vector<16xf32>,
    %add3A_698 = arith.constant 112 : i32
    %add3A_699 = vector.broadcast %add3A_698 : i32 to vector<16xi32>
    %add3A_700 = arith.addi %iota3A, %add3A_699 : vector<16xi32>
    tpu.vector_store_idx %arg7[%broadcast_in_dim3A_644, %add3A_700], %gather3A_697 : memref<32x128xf32, #tpu.memory_space<vmem>>[vector<16xi32>, vector<16xi32>], vector<16xf32>,
    %broadcast_in_dim3A_701 = arith.constant 12 : i32
    %broadcast_in_dim3A_702 = vector.broadcast %broadcast_in_dim3A_701 : i32 to vector<16xi32>
    %add3A_703 = arith.constant 0 : i32
    %add3A_704 = vector.broadcast %add3A_703 : i32 to vector<16xi32>
    %add3A_705 = arith.addi %iota3A, %add3A_704 : vector<16xi32>
    %gather3A_706 = tpu.vector_load_idx %arg6[%add3A_705, %broadcast_in_dim3A_702] : memref<128x128xf32, #tpu.memory_space<vmem>>[vector<16xi32>, vector<16xi32>], vector<16xf32>,
    %add3A_707 = arith.constant 0 : i32
    %add3A_708 = vector.broadcast %add3A_707 : i32 to vector<16xi32>
    %add3A_709 = arith.addi %iota3A, %add3A_708 : vector<16xi32>
    tpu.vector_store_idx %arg7[%broadcast_in_dim3A_702, %add3A_709], %gather3A_706 : memref<32x128xf32, #tpu.memory_space<vmem>>[vector<16xi32>, vector<16xi32>], vector<16xf32>,
    %add3A_710 = arith.constant 16 : i32
    %add3A_711 = vector.broadcast %add3A_710 : i32 to vector<16xi32>
    %add3A_712 = arith.addi %iota3A, %add3A_711 : vector<16xi32>
    %gather3A_713 = tpu.vector_load_idx %arg6[%add3A_712, %broadcast_in_dim3A_702] : memref<128x128xf32, #tpu.memory_space<vmem>>[vector<16xi32>, vector<16xi32>], vector<16xf32>,
    %add3A_714 = arith.constant 16 : i32
    %add3A_715 = vector.broadcast %add3A_714 : i32 to vector<16xi32>
    %add3A_716 = arith.addi %iota3A, %add3A_715 : vector<16xi32>
    tpu.vector_store_idx %arg7[%broadcast_in_dim3A_702, %add3A_716], %gather3A_713 : memref<32x128xf32, #tpu.memory_space<vmem>>[vector<16xi32>, vector<16xi32>], vector<16xf32>,
    %add3A_717 = arith.constant 32 : i32
    %add3A_718 = vector.broadcast %add3A_717 : i32 to vector<16xi32>
    %add3A_719 = arith.addi %iota3A, %add3A_718 : vector<16xi32>
    %gather3A_720 = tpu.vector_load_idx %arg6[%add3A_719, %broadcast_in_dim3A_702] : memref<128x128xf32, #tpu.memory_space<vmem>>[vector<16xi32>, vector<16xi32>], vector<16xf32>,
    %add3A_721 = arith.constant 32 : i32
    %add3A_722 = vector.broadcast %add3A_721 : i32 to vector<16xi32>
    %add3A_723 = arith.addi %iota3A, %add3A_722 : vector<16xi32>
    tpu.vector_store_idx %arg7[%broadcast_in_dim3A_702, %add3A_723], %gather3A_720 : memref<32x128xf32, #tpu.memory_space<vmem>>[vector<16xi32>, vector<16xi32>], vector<16xf32>,
    %add3A_724 = arith.constant 48 : i32
    %add3A_725 = vector.broadcast %add3A_724 : i32 to vector<16xi32>
    %add3A_726 = arith.addi %iota3A, %add3A_725 : vector<16xi32>
    %gather3A_727 = tpu.vector_load_idx %arg6[%add3A_726, %broadcast_in_dim3A_702] : memref<128x128xf32, #tpu.memory_space<vmem>>[vector<16xi32>, vector<16xi32>], vector<16xf32>,
    %add3A_728 = arith.constant 48 : i32
    %add3A_729 = vector.broadcast %add3A_728 : i32 to vector<16xi32>
    %add3A_730 = arith.addi %iota3A, %add3A_729 : vector<16xi32>
    tpu.vector_store_idx %arg7[%broadcast_in_dim3A_702, %add3A_730], %gather3A_727 : memref<32x128xf32, #tpu.memory_space<vmem>>[vector<16xi32>, vector<16xi32>], vector<16xf32>,
    %add3A_731 = arith.constant 64 : i32
    %add3A_732 = vector.broadcast %add3A_731 : i32 to vector<16xi32>
    %add3A_733 = arith.addi %iota3A, %add3A_732 : vector<16xi32>
    %gather3A_734 = tpu.vector_load_idx %arg6[%add3A_733, %broadcast_in_dim3A_702] : memref<128x128xf32, #tpu.memory_space<vmem>>[vector<16xi32>, vector<16xi32>], vector<16xf32>,
    %add3A_735 = arith.constant 64 : i32
    %add3A_736 = vector.broadcast %add3A_735 : i32 to vector<16xi32>
    %add3A_737 = arith.addi %iota3A, %add3A_736 : vector<16xi32>
    tpu.vector_store_idx %arg7[%broadcast_in_dim3A_702, %add3A_737], %gather3A_734 : memref<32x128xf32, #tpu.memory_space<vmem>>[vector<16xi32>, vector<16xi32>], vector<16xf32>,
    %add3A_738 = arith.constant 80 : i32
    %add3A_739 = vector.broadcast %add3A_738 : i32 to vector<16xi32>
    %add3A_740 = arith.addi %iota3A, %add3A_739 : vector<16xi32>
    %gather3A_741 = tpu.vector_load_idx %arg6[%add3A_740, %broadcast_in_dim3A_702] : memref<128x128xf32, #tpu.memory_space<vmem>>[vector<16xi32>, vector<16xi32>], vector<16xf32>,
    %add3A_742 = arith.constant 80 : i32
    %add3A_743 = vector.broadcast %add3A_742 : i32 to vector<16xi32>
    %add3A_744 = arith.addi %iota3A, %add3A_743 : vector<16xi32>
    tpu.vector_store_idx %arg7[%broadcast_in_dim3A_702, %add3A_744], %gather3A_741 : memref<32x128xf32, #tpu.memory_space<vmem>>[vector<16xi32>, vector<16xi32>], vector<16xf32>,
    %add3A_745 = arith.constant 96 : i32
    %add3A_746 = vector.broadcast %add3A_745 : i32 to vector<16xi32>
    %add3A_747 = arith.addi %iota3A, %add3A_746 : vector<16xi32>
    %gather3A_748 = tpu.vector_load_idx %arg6[%add3A_747, %broadcast_in_dim3A_702] : memref<128x128xf32, #tpu.memory_space<vmem>>[vector<16xi32>, vector<16xi32>], vector<16xf32>,
    %add3A_749 = arith.constant 96 : i32
    %add3A_750 = vector.broadcast %add3A_749 : i32 to vector<16xi32>
    %add3A_751 = arith.addi %iota3A, %add3A_750 : vector<16xi32>
    tpu.vector_store_idx %arg7[%broadcast_in_dim3A_702, %add3A_751], %gather3A_748 : memref<32x128xf32, #tpu.memory_space<vmem>>[vector<16xi32>, vector<16xi32>], vector<16xf32>,
    %add3A_752 = arith.constant 112 : i32
    %add3A_753 = vector.broadcast %add3A_752 : i32 to vector<16xi32>
    %add3A_754 = arith.addi %iota3A, %add3A_753 : vector<16xi32>
    %gather3A_755 = tpu.vector_load_idx %arg6[%add3A_754, %broadcast_in_dim3A_702] : memref<128x128xf32, #tpu.memory_space<vmem>>[vector<16xi32>, vector<16xi32>], vector<16xf32>,
    %add3A_756 = arith.constant 112 : i32
    %add3A_757 = vector.broadcast %add3A_756 : i32 to vector<16xi32>
    %add3A_758 = arith.addi %iota3A, %add3A_757 : vector<16xi32>
    tpu.vector_store_idx %arg7[%broadcast_in_dim3A_702, %add3A_758], %gather3A_755 : memref<32x128xf32, #tpu.memory_space<vmem>>[vector<16xi32>, vector<16xi32>], vector<16xf32>,
    %broadcast_in_dim3A_759 = arith.constant 13 : i32
    %broadcast_in_dim3A_760 = vector.broadcast %broadcast_in_dim3A_759 : i32 to vector<16xi32>
    %add3A_761 = arith.constant 0 : i32
    %add3A_762 = vector.broadcast %add3A_761 : i32 to vector<16xi32>
    %add3A_763 = arith.addi %iota3A, %add3A_762 : vector<16xi32>
    %gather3A_764 = tpu.vector_load_idx %arg6[%add3A_763, %broadcast_in_dim3A_760] : memref<128x128xf32, #tpu.memory_space<vmem>>[vector<16xi32>, vector<16xi32>], vector<16xf32>,
    %add3A_765 = arith.constant 0 : i32
    %add3A_766 = vector.broadcast %add3A_765 : i32 to vector<16xi32>
    %add3A_767 = arith.addi %iota3A, %add3A_766 : vector<16xi32>
    tpu.vector_store_idx %arg7[%broadcast_in_dim3A_760, %add3A_767], %gather3A_764 : memref<32x128xf32, #tpu.memory_space<vmem>>[vector<16xi32>, vector<16xi32>], vector<16xf32>,
    %add3A_768 = arith.constant 16 : i32
    %add3A_769 = vector.broadcast %add3A_768 : i32 to vector<16xi32>
    %add3A_770 = arith.addi %iota3A, %add3A_769 : vector<16xi32>
    %gather3A_771 = tpu.vector_load_idx %arg6[%add3A_770, %broadcast_in_dim3A_760] : memref<128x128xf32, #tpu.memory_space<vmem>>[vector<16xi32>, vector<16xi32>], vector<16xf32>,
    %add3A_772 = arith.constant 16 : i32
    %add3A_773 = vector.broadcast %add3A_772 : i32 to vector<16xi32>
    %add3A_774 = arith.addi %iota3A, %add3A_773 : vector<16xi32>
    tpu.vector_store_idx %arg7[%broadcast_in_dim3A_760, %add3A_774], %gather3A_771 : memref<32x128xf32, #tpu.memory_space<vmem>>[vector<16xi32>, vector<16xi32>], vector<16xf32>,
    %add3A_775 = arith.constant 32 : i32
    %add3A_776 = vector.broadcast %add3A_775 : i32 to vector<16xi32>
    %add3A_777 = arith.addi %iota3A, %add3A_776 : vector<16xi32>
    %gather3A_778 = tpu.vector_load_idx %arg6[%add3A_777, %broadcast_in_dim3A_760] : memref<128x128xf32, #tpu.memory_space<vmem>>[vector<16xi32>, vector<16xi32>], vector<16xf32>,
    %add3A_779 = arith.constant 32 : i32
    %add3A_780 = vector.broadcast %add3A_779 : i32 to vector<16xi32>
    %add3A_781 = arith.addi %iota3A, %add3A_780 : vector<16xi32>
    tpu.vector_store_idx %arg7[%broadcast_in_dim3A_760, %add3A_781], %gather3A_778 : memref<32x128xf32, #tpu.memory_space<vmem>>[vector<16xi32>, vector<16xi32>], vector<16xf32>,
    %add3A_782 = arith.constant 48 : i32
    %add3A_783 = vector.broadcast %add3A_782 : i32 to vector<16xi32>
    %add3A_784 = arith.addi %iota3A, %add3A_783 : vector<16xi32>
    %gather3A_785 = tpu.vector_load_idx %arg6[%add3A_784, %broadcast_in_dim3A_760] : memref<128x128xf32, #tpu.memory_space<vmem>>[vector<16xi32>, vector<16xi32>], vector<16xf32>,
    %add3A_786 = arith.constant 48 : i32
    %add3A_787 = vector.broadcast %add3A_786 : i32 to vector<16xi32>
    %add3A_788 = arith.addi %iota3A, %add3A_787 : vector<16xi32>
    tpu.vector_store_idx %arg7[%broadcast_in_dim3A_760, %add3A_788], %gather3A_785 : memref<32x128xf32, #tpu.memory_space<vmem>>[vector<16xi32>, vector<16xi32>], vector<16xf32>,
    %add3A_789 = arith.constant 64 : i32
    %add3A_790 = vector.broadcast %add3A_789 : i32 to vector<16xi32>
    %add3A_791 = arith.addi %iota3A, %add3A_790 : vector<16xi32>
    %gather3A_792 = tpu.vector_load_idx %arg6[%add3A_791, %broadcast_in_dim3A_760] : memref<128x128xf32, #tpu.memory_space<vmem>>[vector<16xi32>, vector<16xi32>], vector<16xf32>,
    %add3A_793 = arith.constant 64 : i32
    %add3A_794 = vector.broadcast %add3A_793 : i32 to vector<16xi32>
    %add3A_795 = arith.addi %iota3A, %add3A_794 : vector<16xi32>
    tpu.vector_store_idx %arg7[%broadcast_in_dim3A_760, %add3A_795], %gather3A_792 : memref<32x128xf32, #tpu.memory_space<vmem>>[vector<16xi32>, vector<16xi32>], vector<16xf32>,
    %add3A_796 = arith.constant 80 : i32
    %add3A_797 = vector.broadcast %add3A_796 : i32 to vector<16xi32>
    %add3A_798 = arith.addi %iota3A, %add3A_797 : vector<16xi32>
    %gather3A_799 = tpu.vector_load_idx %arg6[%add3A_798, %broadcast_in_dim3A_760] : memref<128x128xf32, #tpu.memory_space<vmem>>[vector<16xi32>, vector<16xi32>], vector<16xf32>,
    %add3A_800 = arith.constant 80 : i32
    %add3A_801 = vector.broadcast %add3A_800 : i32 to vector<16xi32>
    %add3A_802 = arith.addi %iota3A, %add3A_801 : vector<16xi32>
    tpu.vector_store_idx %arg7[%broadcast_in_dim3A_760, %add3A_802], %gather3A_799 : memref<32x128xf32, #tpu.memory_space<vmem>>[vector<16xi32>, vector<16xi32>], vector<16xf32>,
    %add3A_803 = arith.constant 96 : i32
    %add3A_804 = vector.broadcast %add3A_803 : i32 to vector<16xi32>
    %add3A_805 = arith.addi %iota3A, %add3A_804 : vector<16xi32>
    %gather3A_806 = tpu.vector_load_idx %arg6[%add3A_805, %broadcast_in_dim3A_760] : memref<128x128xf32, #tpu.memory_space<vmem>>[vector<16xi32>, vector<16xi32>], vector<16xf32>,
    %add3A_807 = arith.constant 96 : i32
    %add3A_808 = vector.broadcast %add3A_807 : i32 to vector<16xi32>
    %add3A_809 = arith.addi %iota3A, %add3A_808 : vector<16xi32>
    tpu.vector_store_idx %arg7[%broadcast_in_dim3A_760, %add3A_809], %gather3A_806 : memref<32x128xf32, #tpu.memory_space<vmem>>[vector<16xi32>, vector<16xi32>], vector<16xf32>,
    %add3A_810 = arith.constant 112 : i32
    %add3A_811 = vector.broadcast %add3A_810 : i32 to vector<16xi32>
    %add3A_812 = arith.addi %iota3A, %add3A_811 : vector<16xi32>
    %gather3A_813 = tpu.vector_load_idx %arg6[%add3A_812, %broadcast_in_dim3A_760] : memref<128x128xf32, #tpu.memory_space<vmem>>[vector<16xi32>, vector<16xi32>], vector<16xf32>,
    %add3A_814 = arith.constant 112 : i32
    %add3A_815 = vector.broadcast %add3A_814 : i32 to vector<16xi32>
    %add3A_816 = arith.addi %iota3A, %add3A_815 : vector<16xi32>
    tpu.vector_store_idx %arg7[%broadcast_in_dim3A_760, %add3A_816], %gather3A_813 : memref<32x128xf32, #tpu.memory_space<vmem>>[vector<16xi32>, vector<16xi32>], vector<16xf32>,
    %broadcast_in_dim3A_817 = arith.constant 14 : i32
    %broadcast_in_dim3A_818 = vector.broadcast %broadcast_in_dim3A_817 : i32 to vector<16xi32>
    %add3A_819 = arith.constant 0 : i32
    %add3A_820 = vector.broadcast %add3A_819 : i32 to vector<16xi32>
    %add3A_821 = arith.addi %iota3A, %add3A_820 : vector<16xi32>
    %gather3A_822 = tpu.vector_load_idx %arg6[%add3A_821, %broadcast_in_dim3A_818] : memref<128x128xf32, #tpu.memory_space<vmem>>[vector<16xi32>, vector<16xi32>], vector<16xf32>,
    %add3A_823 = arith.constant 0 : i32
    %add3A_824 = vector.broadcast %add3A_823 : i32 to vector<16xi32>
    %add3A_825 = arith.addi %iota3A, %add3A_824 : vector<16xi32>
    tpu.vector_store_idx %arg7[%broadcast_in_dim3A_818, %add3A_825], %gather3A_822 : memref<32x128xf32, #tpu.memory_space<vmem>>[vector<16xi32>, vector<16xi32>], vector<16xf32>,
    %add3A_826 = arith.constant 16 : i32
    %add3A_827 = vector.broadcast %add3A_826 : i32 to vector<16xi32>
    %add3A_828 = arith.addi %iota3A, %add3A_827 : vector<16xi32>
    %gather3A_829 = tpu.vector_load_idx %arg6[%add3A_828, %broadcast_in_dim3A_818] : memref<128x128xf32, #tpu.memory_space<vmem>>[vector<16xi32>, vector<16xi32>], vector<16xf32>,
    %add3A_830 = arith.constant 16 : i32
    %add3A_831 = vector.broadcast %add3A_830 : i32 to vector<16xi32>
    %add3A_832 = arith.addi %iota3A, %add3A_831 : vector<16xi32>
    tpu.vector_store_idx %arg7[%broadcast_in_dim3A_818, %add3A_832], %gather3A_829 : memref<32x128xf32, #tpu.memory_space<vmem>>[vector<16xi32>, vector<16xi32>], vector<16xf32>,
    %add3A_833 = arith.constant 32 : i32
    %add3A_834 = vector.broadcast %add3A_833 : i32 to vector<16xi32>
    %add3A_835 = arith.addi %iota3A, %add3A_834 : vector<16xi32>
    %gather3A_836 = tpu.vector_load_idx %arg6[%add3A_835, %broadcast_in_dim3A_818] : memref<128x128xf32, #tpu.memory_space<vmem>>[vector<16xi32>, vector<16xi32>], vector<16xf32>,
    %add3A_837 = arith.constant 32 : i32
    %add3A_838 = vector.broadcast %add3A_837 : i32 to vector<16xi32>
    %add3A_839 = arith.addi %iota3A, %add3A_838 : vector<16xi32>
    tpu.vector_store_idx %arg7[%broadcast_in_dim3A_818, %add3A_839], %gather3A_836 : memref<32x128xf32, #tpu.memory_space<vmem>>[vector<16xi32>, vector<16xi32>], vector<16xf32>,
    %add3A_840 = arith.constant 48 : i32
    %add3A_841 = vector.broadcast %add3A_840 : i32 to vector<16xi32>
    %add3A_842 = arith.addi %iota3A, %add3A_841 : vector<16xi32>
    %gather3A_843 = tpu.vector_load_idx %arg6[%add3A_842, %broadcast_in_dim3A_818] : memref<128x128xf32, #tpu.memory_space<vmem>>[vector<16xi32>, vector<16xi32>], vector<16xf32>,
    %add3A_844 = arith.constant 48 : i32
    %add3A_845 = vector.broadcast %add3A_844 : i32 to vector<16xi32>
    %add3A_846 = arith.addi %iota3A, %add3A_845 : vector<16xi32>
    tpu.vector_store_idx %arg7[%broadcast_in_dim3A_818, %add3A_846], %gather3A_843 : memref<32x128xf32, #tpu.memory_space<vmem>>[vector<16xi32>, vector<16xi32>], vector<16xf32>,
    %add3A_847 = arith.constant 64 : i32
    %add3A_848 = vector.broadcast %add3A_847 : i32 to vector<16xi32>
    %add3A_849 = arith.addi %iota3A, %add3A_848 : vector<16xi32>
    %gather3A_850 = tpu.vector_load_idx %arg6[%add3A_849, %broadcast_in_dim3A_818] : memref<128x128xf32, #tpu.memory_space<vmem>>[vector<16xi32>, vector<16xi32>], vector<16xf32>,
    %add3A_851 = arith.constant 64 : i32
    %add3A_852 = vector.broadcast %add3A_851 : i32 to vector<16xi32>
    %add3A_853 = arith.addi %iota3A, %add3A_852 : vector<16xi32>
    tpu.vector_store_idx %arg7[%broadcast_in_dim3A_818, %add3A_853], %gather3A_850 : memref<32x128xf32, #tpu.memory_space<vmem>>[vector<16xi32>, vector<16xi32>], vector<16xf32>,
    %add3A_854 = arith.constant 80 : i32
    %add3A_855 = vector.broadcast %add3A_854 : i32 to vector<16xi32>
    %add3A_856 = arith.addi %iota3A, %add3A_855 : vector<16xi32>
    %gather3A_857 = tpu.vector_load_idx %arg6[%add3A_856, %broadcast_in_dim3A_818] : memref<128x128xf32, #tpu.memory_space<vmem>>[vector<16xi32>, vector<16xi32>], vector<16xf32>,
    %add3A_858 = arith.constant 80 : i32
    %add3A_859 = vector.broadcast %add3A_858 : i32 to vector<16xi32>
    %add3A_860 = arith.addi %iota3A, %add3A_859 : vector<16xi32>
    tpu.vector_store_idx %arg7[%broadcast_in_dim3A_818, %add3A_860], %gather3A_857 : memref<32x128xf32, #tpu.memory_space<vmem>>[vector<16xi32>, vector<16xi32>], vector<16xf32>,
    %add3A_861 = arith.constant 96 : i32
    %add3A_862 = vector.broadcast %add3A_861 : i32 to vector<16xi32>
    %add3A_863 = arith.addi %iota3A, %add3A_862 : vector<16xi32>
    %gather3A_864 = tpu.vector_load_idx %arg6[%add3A_863, %broadcast_in_dim3A_818] : memref<128x128xf32, #tpu.memory_space<vmem>>[vector<16xi32>, vector<16xi32>], vector<16xf32>,
    %add3A_865 = arith.constant 96 : i32
    %add3A_866 = vector.broadcast %add3A_865 : i32 to vector<16xi32>
    %add3A_867 = arith.addi %iota3A, %add3A_866 : vector<16xi32>
    tpu.vector_store_idx %arg7[%broadcast_in_dim3A_818, %add3A_867], %gather3A_864 : memref<32x128xf32, #tpu.memory_space<vmem>>[vector<16xi32>, vector<16xi32>], vector<16xf32>,
    %add3A_868 = arith.constant 112 : i32
    %add3A_869 = vector.broadcast %add3A_868 : i32 to vector<16xi32>
    %add3A_870 = arith.addi %iota3A, %add3A_869 : vector<16xi32>
    %gather3A_871 = tpu.vector_load_idx %arg6[%add3A_870, %broadcast_in_dim3A_818] : memref<128x128xf32, #tpu.memory_space<vmem>>[vector<16xi32>, vector<16xi32>], vector<16xf32>,
    %add3A_872 = arith.constant 112 : i32
    %add3A_873 = vector.broadcast %add3A_872 : i32 to vector<16xi32>
    %add3A_874 = arith.addi %iota3A, %add3A_873 : vector<16xi32>
    tpu.vector_store_idx %arg7[%broadcast_in_dim3A_818, %add3A_874], %gather3A_871 : memref<32x128xf32, #tpu.memory_space<vmem>>[vector<16xi32>, vector<16xi32>], vector<16xf32>,
    %broadcast_in_dim3A_875 = arith.constant 15 : i32
    %broadcast_in_dim3A_876 = vector.broadcast %broadcast_in_dim3A_875 : i32 to vector<16xi32>
    %add3A_877 = arith.constant 0 : i32
    %add3A_878 = vector.broadcast %add3A_877 : i32 to vector<16xi32>
    %add3A_879 = arith.addi %iota3A, %add3A_878 : vector<16xi32>
    %gather3A_880 = tpu.vector_load_idx %arg6[%add3A_879, %broadcast_in_dim3A_876] : memref<128x128xf32, #tpu.memory_space<vmem>>[vector<16xi32>, vector<16xi32>], vector<16xf32>,
    %add3A_881 = arith.constant 0 : i32
    %add3A_882 = vector.broadcast %add3A_881 : i32 to vector<16xi32>
    %add3A_883 = arith.addi %iota3A, %add3A_882 : vector<16xi32>
    tpu.vector_store_idx %arg7[%broadcast_in_dim3A_876, %add3A_883], %gather3A_880 : memref<32x128xf32, #tpu.memory_space<vmem>>[vector<16xi32>, vector<16xi32>], vector<16xf32>,
    %add3A_884 = arith.constant 16 : i32
    %add3A_885 = vector.broadcast %add3A_884 : i32 to vector<16xi32>
    %add3A_886 = arith.addi %iota3A, %add3A_885 : vector<16xi32>
    %gather3A_887 = tpu.vector_load_idx %arg6[%add3A_886, %broadcast_in_dim3A_876] : memref<128x128xf32, #tpu.memory_space<vmem>>[vector<16xi32>, vector<16xi32>], vector<16xf32>,
    %add3A_888 = arith.constant 16 : i32
    %add3A_889 = vector.broadcast %add3A_888 : i32 to vector<16xi32>
    %add3A_890 = arith.addi %iota3A, %add3A_889 : vector<16xi32>
    tpu.vector_store_idx %arg7[%broadcast_in_dim3A_876, %add3A_890], %gather3A_887 : memref<32x128xf32, #tpu.memory_space<vmem>>[vector<16xi32>, vector<16xi32>], vector<16xf32>,
    %add3A_891 = arith.constant 32 : i32
    %add3A_892 = vector.broadcast %add3A_891 : i32 to vector<16xi32>
    %add3A_893 = arith.addi %iota3A, %add3A_892 : vector<16xi32>
    %gather3A_894 = tpu.vector_load_idx %arg6[%add3A_893, %broadcast_in_dim3A_876] : memref<128x128xf32, #tpu.memory_space<vmem>>[vector<16xi32>, vector<16xi32>], vector<16xf32>,
    %add3A_895 = arith.constant 32 : i32
    %add3A_896 = vector.broadcast %add3A_895 : i32 to vector<16xi32>
    %add3A_897 = arith.addi %iota3A, %add3A_896 : vector<16xi32>
    tpu.vector_store_idx %arg7[%broadcast_in_dim3A_876, %add3A_897], %gather3A_894 : memref<32x128xf32, #tpu.memory_space<vmem>>[vector<16xi32>, vector<16xi32>], vector<16xf32>,
    %add3A_898 = arith.constant 48 : i32
    %add3A_899 = vector.broadcast %add3A_898 : i32 to vector<16xi32>
    %add3A_900 = arith.addi %iota3A, %add3A_899 : vector<16xi32>
    %gather3A_901 = tpu.vector_load_idx %arg6[%add3A_900, %broadcast_in_dim3A_876] : memref<128x128xf32, #tpu.memory_space<vmem>>[vector<16xi32>, vector<16xi32>], vector<16xf32>,
    %add3A_902 = arith.constant 48 : i32
    %add3A_903 = vector.broadcast %add3A_902 : i32 to vector<16xi32>
    %add3A_904 = arith.addi %iota3A, %add3A_903 : vector<16xi32>
    tpu.vector_store_idx %arg7[%broadcast_in_dim3A_876, %add3A_904], %gather3A_901 : memref<32x128xf32, #tpu.memory_space<vmem>>[vector<16xi32>, vector<16xi32>], vector<16xf32>,
    %add3A_905 = arith.constant 64 : i32
    %add3A_906 = vector.broadcast %add3A_905 : i32 to vector<16xi32>
    %add3A_907 = arith.addi %iota3A, %add3A_906 : vector<16xi32>
    %gather3A_908 = tpu.vector_load_idx %arg6[%add3A_907, %broadcast_in_dim3A_876] : memref<128x128xf32, #tpu.memory_space<vmem>>[vector<16xi32>, vector<16xi32>], vector<16xf32>,
    %add3A_909 = arith.constant 64 : i32
    %add3A_910 = vector.broadcast %add3A_909 : i32 to vector<16xi32>
    %add3A_911 = arith.addi %iota3A, %add3A_910 : vector<16xi32>
    tpu.vector_store_idx %arg7[%broadcast_in_dim3A_876, %add3A_911], %gather3A_908 : memref<32x128xf32, #tpu.memory_space<vmem>>[vector<16xi32>, vector<16xi32>], vector<16xf32>,
    %add3A_912 = arith.constant 80 : i32
    %add3A_913 = vector.broadcast %add3A_912 : i32 to vector<16xi32>
    %add3A_914 = arith.addi %iota3A, %add3A_913 : vector<16xi32>
    %gather3A_915 = tpu.vector_load_idx %arg6[%add3A_914, %broadcast_in_dim3A_876] : memref<128x128xf32, #tpu.memory_space<vmem>>[vector<16xi32>, vector<16xi32>], vector<16xf32>,
    %add3A_916 = arith.constant 80 : i32
    %add3A_917 = vector.broadcast %add3A_916 : i32 to vector<16xi32>
    %add3A_918 = arith.addi %iota3A, %add3A_917 : vector<16xi32>
    tpu.vector_store_idx %arg7[%broadcast_in_dim3A_876, %add3A_918], %gather3A_915 : memref<32x128xf32, #tpu.memory_space<vmem>>[vector<16xi32>, vector<16xi32>], vector<16xf32>,
    %add3A_919 = arith.constant 96 : i32
    %add3A_920 = vector.broadcast %add3A_919 : i32 to vector<16xi32>
    %add3A_921 = arith.addi %iota3A, %add3A_920 : vector<16xi32>
    %gather3A_922 = tpu.vector_load_idx %arg6[%add3A_921, %broadcast_in_dim3A_876] : memref<128x128xf32, #tpu.memory_space<vmem>>[vector<16xi32>, vector<16xi32>], vector<16xf32>,
    %add3A_923 = arith.constant 96 : i32
    %add3A_924 = vector.broadcast %add3A_923 : i32 to vector<16xi32>
    %add3A_925 = arith.addi %iota3A, %add3A_924 : vector<16xi32>
    tpu.vector_store_idx %arg7[%broadcast_in_dim3A_876, %add3A_925], %gather3A_922 : memref<32x128xf32, #tpu.memory_space<vmem>>[vector<16xi32>, vector<16xi32>], vector<16xf32>,
    %add3A_926 = arith.constant 112 : i32
    %add3A_927 = vector.broadcast %add3A_926 : i32 to vector<16xi32>
    %add3A_928 = arith.addi %iota3A, %add3A_927 : vector<16xi32>
    %gather3A_929 = tpu.vector_load_idx %arg6[%add3A_928, %broadcast_in_dim3A_876] : memref<128x128xf32, #tpu.memory_space<vmem>>[vector<16xi32>, vector<16xi32>], vector<16xf32>,
    %add3A_930 = arith.constant 112 : i32
    %add3A_931 = vector.broadcast %add3A_930 : i32 to vector<16xi32>
    %add3A_932 = arith.addi %iota3A, %add3A_931 : vector<16xi32>
    tpu.vector_store_idx %arg7[%broadcast_in_dim3A_876, %add3A_932], %gather3A_929 : memref<32x128xf32, #tpu.memory_space<vmem>>[vector<16xi32>, vector<16xi32>], vector<16xf32>,
    %broadcast_in_dim3A_933 = arith.constant 16 : i32
    %broadcast_in_dim3A_934 = vector.broadcast %broadcast_in_dim3A_933 : i32 to vector<16xi32>
    %add3A_935 = arith.constant 0 : i32
    %add3A_936 = vector.broadcast %add3A_935 : i32 to vector<16xi32>
    %add3A_937 = arith.addi %iota3A, %add3A_936 : vector<16xi32>
    %gather3A_938 = tpu.vector_load_idx %arg6[%add3A_937, %broadcast_in_dim3A_934] : memref<128x128xf32, #tpu.memory_space<vmem>>[vector<16xi32>, vector<16xi32>], vector<16xf32>,
    %add3A_939 = arith.constant 0 : i32
    %add3A_940 = vector.broadcast %add3A_939 : i32 to vector<16xi32>
    %add3A_941 = arith.addi %iota3A, %add3A_940 : vector<16xi32>
    tpu.vector_store_idx %arg7[%broadcast_in_dim3A_934, %add3A_941], %gather3A_938 : memref<32x128xf32, #tpu.memory_space<vmem>>[vector<16xi32>, vector<16xi32>], vector<16xf32>,
    %add3A_942 = arith.constant 16 : i32
    %add3A_943 = vector.broadcast %add3A_942 : i32 to vector<16xi32>
    %add3A_944 = arith.addi %iota3A, %add3A_943 : vector<16xi32>
    %gather3A_945 = tpu.vector_load_idx %arg6[%add3A_944, %broadcast_in_dim3A_934] : memref<128x128xf32, #tpu.memory_space<vmem>>[vector<16xi32>, vector<16xi32>], vector<16xf32>,
    %add3A_946 = arith.constant 16 : i32
    %add3A_947 = vector.broadcast %add3A_946 : i32 to vector<16xi32>
    %add3A_948 = arith.addi %iota3A, %add3A_947 : vector<16xi32>
    tpu.vector_store_idx %arg7[%broadcast_in_dim3A_934, %add3A_948], %gather3A_945 : memref<32x128xf32, #tpu.memory_space<vmem>>[vector<16xi32>, vector<16xi32>], vector<16xf32>,
    %add3A_949 = arith.constant 32 : i32
    %add3A_950 = vector.broadcast %add3A_949 : i32 to vector<16xi32>
    %add3A_951 = arith.addi %iota3A, %add3A_950 : vector<16xi32>
    %gather3A_952 = tpu.vector_load_idx %arg6[%add3A_951, %broadcast_in_dim3A_934] : memref<128x128xf32, #tpu.memory_space<vmem>>[vector<16xi32>, vector<16xi32>], vector<16xf32>,
    %add3A_953 = arith.constant 32 : i32
    %add3A_954 = vector.broadcast %add3A_953 : i32 to vector<16xi32>
    %add3A_955 = arith.addi %iota3A, %add3A_954 : vector<16xi32>
    tpu.vector_store_idx %arg7[%broadcast_in_dim3A_934, %add3A_955], %gather3A_952 : memref<32x128xf32, #tpu.memory_space<vmem>>[vector<16xi32>, vector<16xi32>], vector<16xf32>,
    %add3A_956 = arith.constant 48 : i32
    %add3A_957 = vector.broadcast %add3A_956 : i32 to vector<16xi32>
    %add3A_958 = arith.addi %iota3A, %add3A_957 : vector<16xi32>
    %gather3A_959 = tpu.vector_load_idx %arg6[%add3A_958, %broadcast_in_dim3A_934] : memref<128x128xf32, #tpu.memory_space<vmem>>[vector<16xi32>, vector<16xi32>], vector<16xf32>,
    %add3A_960 = arith.constant 48 : i32
    %add3A_961 = vector.broadcast %add3A_960 : i32 to vector<16xi32>
    %add3A_962 = arith.addi %iota3A, %add3A_961 : vector<16xi32>
    tpu.vector_store_idx %arg7[%broadcast_in_dim3A_934, %add3A_962], %gather3A_959 : memref<32x128xf32, #tpu.memory_space<vmem>>[vector<16xi32>, vector<16xi32>], vector<16xf32>,
    %add3A_963 = arith.constant 64 : i32
    %add3A_964 = vector.broadcast %add3A_963 : i32 to vector<16xi32>
    %add3A_965 = arith.addi %iota3A, %add3A_964 : vector<16xi32>
    %gather3A_966 = tpu.vector_load_idx %arg6[%add3A_965, %broadcast_in_dim3A_934] : memref<128x128xf32, #tpu.memory_space<vmem>>[vector<16xi32>, vector<16xi32>], vector<16xf32>,
    %add3A_967 = arith.constant 64 : i32
    %add3A_968 = vector.broadcast %add3A_967 : i32 to vector<16xi32>
    %add3A_969 = arith.addi %iota3A, %add3A_968 : vector<16xi32>
    tpu.vector_store_idx %arg7[%broadcast_in_dim3A_934, %add3A_969], %gather3A_966 : memref<32x128xf32, #tpu.memory_space<vmem>>[vector<16xi32>, vector<16xi32>], vector<16xf32>,
    %add3A_970 = arith.constant 80 : i32
    %add3A_971 = vector.broadcast %add3A_970 : i32 to vector<16xi32>
    %add3A_972 = arith.addi %iota3A, %add3A_971 : vector<16xi32>
    %gather3A_973 = tpu.vector_load_idx %arg6[%add3A_972, %broadcast_in_dim3A_934] : memref<128x128xf32, #tpu.memory_space<vmem>>[vector<16xi32>, vector<16xi32>], vector<16xf32>,
    %add3A_974 = arith.constant 80 : i32
    %add3A_975 = vector.broadcast %add3A_974 : i32 to vector<16xi32>
    %add3A_976 = arith.addi %iota3A, %add3A_975 : vector<16xi32>
    tpu.vector_store_idx %arg7[%broadcast_in_dim3A_934, %add3A_976], %gather3A_973 : memref<32x128xf32, #tpu.memory_space<vmem>>[vector<16xi32>, vector<16xi32>], vector<16xf32>,
    %add3A_977 = arith.constant 96 : i32
    %add3A_978 = vector.broadcast %add3A_977 : i32 to vector<16xi32>
    %add3A_979 = arith.addi %iota3A, %add3A_978 : vector<16xi32>
    %gather3A_980 = tpu.vector_load_idx %arg6[%add3A_979, %broadcast_in_dim3A_934] : memref<128x128xf32, #tpu.memory_space<vmem>>[vector<16xi32>, vector<16xi32>], vector<16xf32>,
    %add3A_981 = arith.constant 96 : i32
    %add3A_982 = vector.broadcast %add3A_981 : i32 to vector<16xi32>
    %add3A_983 = arith.addi %iota3A, %add3A_982 : vector<16xi32>
    tpu.vector_store_idx %arg7[%broadcast_in_dim3A_934, %add3A_983], %gather3A_980 : memref<32x128xf32, #tpu.memory_space<vmem>>[vector<16xi32>, vector<16xi32>], vector<16xf32>,
    %add3A_984 = arith.constant 112 : i32
    %add3A_985 = vector.broadcast %add3A_984 : i32 to vector<16xi32>
    %add3A_986 = arith.addi %iota3A, %add3A_985 : vector<16xi32>
    %gather3A_987 = tpu.vector_load_idx %arg6[%add3A_986, %broadcast_in_dim3A_934] : memref<128x128xf32, #tpu.memory_space<vmem>>[vector<16xi32>, vector<16xi32>], vector<16xf32>,
    %add3A_988 = arith.constant 112 : i32
    %add3A_989 = vector.broadcast %add3A_988 : i32 to vector<16xi32>
    %add3A_990 = arith.addi %iota3A, %add3A_989 : vector<16xi32>
    tpu.vector_store_idx %arg7[%broadcast_in_dim3A_934, %add3A_990], %gather3A_987 : memref<32x128xf32, #tpu.memory_space<vmem>>[vector<16xi32>, vector<16xi32>], vector<16xf32>,
    %broadcast_in_dim3A_991 = arith.constant 17 : i32
    %broadcast_in_dim3A_992 = vector.broadcast %broadcast_in_dim3A_991 : i32 to vector<16xi32>
    %add3A_993 = arith.constant 0 : i32
    %add3A_994 = vector.broadcast %add3A_993 : i32 to vector<16xi32>
    %add3A_995 = arith.addi %iota3A, %add3A_994 : vector<16xi32>
    %gather3A_996 = tpu.vector_load_idx %arg6[%add3A_995, %broadcast_in_dim3A_992] : memref<128x128xf32, #tpu.memory_space<vmem>>[vector<16xi32>, vector<16xi32>], vector<16xf32>,
    %add3A_997 = arith.constant 0 : i32
    %add3A_998 = vector.broadcast %add3A_997 : i32 to vector<16xi32>
    %add3A_999 = arith.addi %iota3A, %add3A_998 : vector<16xi32>
    tpu.vector_store_idx %arg7[%broadcast_in_dim3A_992, %add3A_999], %gather3A_996 : memref<32x128xf32, #tpu.memory_space<vmem>>[vector<16xi32>, vector<16xi32>], vector<16xf32>,
    %add3A_1000 = arith.constant 16 : i32
    %add3A_1001 = vector.broadcast %add3A_1000 : i32 to vector<16xi32>
    %add3A_1002 = arith.addi %iota3A, %add3A_1001 : vector<16xi32>
    %gather3A_1003 = tpu.vector_load_idx %arg6[%add3A_1002, %broadcast_in_dim3A_992] : memref<128x128xf32, #tpu.memory_space<vmem>>[vector<16xi32>, vector<16xi32>], vector<16xf32>,
    %add3A_1004 = arith.constant 16 : i32
    %add3A_1005 = vector.broadcast %add3A_1004 : i32 to vector<16xi32>
    %add3A_1006 = arith.addi %iota3A, %add3A_1005 : vector<16xi32>
    tpu.vector_store_idx %arg7[%broadcast_in_dim3A_992, %add3A_1006], %gather3A_1003 : memref<32x128xf32, #tpu.memory_space<vmem>>[vector<16xi32>, vector<16xi32>], vector<16xf32>,
    %add3A_1007 = arith.constant 32 : i32
    %add3A_1008 = vector.broadcast %add3A_1007 : i32 to vector<16xi32>
    %add3A_1009 = arith.addi %iota3A, %add3A_1008 : vector<16xi32>
    %gather3A_1010 = tpu.vector_load_idx %arg6[%add3A_1009, %broadcast_in_dim3A_992] : memref<128x128xf32, #tpu.memory_space<vmem>>[vector<16xi32>, vector<16xi32>], vector<16xf32>,
    %add3A_1011 = arith.constant 32 : i32
    %add3A_1012 = vector.broadcast %add3A_1011 : i32 to vector<16xi32>
    %add3A_1013 = arith.addi %iota3A, %add3A_1012 : vector<16xi32>
    tpu.vector_store_idx %arg7[%broadcast_in_dim3A_992, %add3A_1013], %gather3A_1010 : memref<32x128xf32, #tpu.memory_space<vmem>>[vector<16xi32>, vector<16xi32>], vector<16xf32>,
    %add3A_1014 = arith.constant 48 : i32
    %add3A_1015 = vector.broadcast %add3A_1014 : i32 to vector<16xi32>
    %add3A_1016 = arith.addi %iota3A, %add3A_1015 : vector<16xi32>
    %gather3A_1017 = tpu.vector_load_idx %arg6[%add3A_1016, %broadcast_in_dim3A_992] : memref<128x128xf32, #tpu.memory_space<vmem>>[vector<16xi32>, vector<16xi32>], vector<16xf32>,
    %add3A_1018 = arith.constant 48 : i32
    %add3A_1019 = vector.broadcast %add3A_1018 : i32 to vector<16xi32>
    %add3A_1020 = arith.addi %iota3A, %add3A_1019 : vector<16xi32>
    tpu.vector_store_idx %arg7[%broadcast_in_dim3A_992, %add3A_1020], %gather3A_1017 : memref<32x128xf32, #tpu.memory_space<vmem>>[vector<16xi32>, vector<16xi32>], vector<16xf32>,
    %add3A_1021 = arith.constant 64 : i32
    %add3A_1022 = vector.broadcast %add3A_1021 : i32 to vector<16xi32>
    %add3A_1023 = arith.addi %iota3A, %add3A_1022 : vector<16xi32>
    %gather3A_1024 = tpu.vector_load_idx %arg6[%add3A_1023, %broadcast_in_dim3A_992] : memref<128x128xf32, #tpu.memory_space<vmem>>[vector<16xi32>, vector<16xi32>], vector<16xf32>,
    %add3A_1025 = arith.constant 64 : i32
    %add3A_1026 = vector.broadcast %add3A_1025 : i32 to vector<16xi32>
    %add3A_1027 = arith.addi %iota3A, %add3A_1026 : vector<16xi32>
    tpu.vector_store_idx %arg7[%broadcast_in_dim3A_992, %add3A_1027], %gather3A_1024 : memref<32x128xf32, #tpu.memory_space<vmem>>[vector<16xi32>, vector<16xi32>], vector<16xf32>,
    %add3A_1028 = arith.constant 80 : i32
    %add3A_1029 = vector.broadcast %add3A_1028 : i32 to vector<16xi32>
    %add3A_1030 = arith.addi %iota3A, %add3A_1029 : vector<16xi32>
    %gather3A_1031 = tpu.vector_load_idx %arg6[%add3A_1030, %broadcast_in_dim3A_992] : memref<128x128xf32, #tpu.memory_space<vmem>>[vector<16xi32>, vector<16xi32>], vector<16xf32>,
    %add3A_1032 = arith.constant 80 : i32
    %add3A_1033 = vector.broadcast %add3A_1032 : i32 to vector<16xi32>
    %add3A_1034 = arith.addi %iota3A, %add3A_1033 : vector<16xi32>
    tpu.vector_store_idx %arg7[%broadcast_in_dim3A_992, %add3A_1034], %gather3A_1031 : memref<32x128xf32, #tpu.memory_space<vmem>>[vector<16xi32>, vector<16xi32>], vector<16xf32>,
    %add3A_1035 = arith.constant 96 : i32
    %add3A_1036 = vector.broadcast %add3A_1035 : i32 to vector<16xi32>
    %add3A_1037 = arith.addi %iota3A, %add3A_1036 : vector<16xi32>
    %gather3A_1038 = tpu.vector_load_idx %arg6[%add3A_1037, %broadcast_in_dim3A_992] : memref<128x128xf32, #tpu.memory_space<vmem>>[vector<16xi32>, vector<16xi32>], vector<16xf32>,
    %add3A_1039 = arith.constant 96 : i32
    %add3A_1040 = vector.broadcast %add3A_1039 : i32 to vector<16xi32>
    %add3A_1041 = arith.addi %iota3A, %add3A_1040 : vector<16xi32>
    tpu.vector_store_idx %arg7[%broadcast_in_dim3A_992, %add3A_1041], %gather3A_1038 : memref<32x128xf32, #tpu.memory_space<vmem>>[vector<16xi32>, vector<16xi32>], vector<16xf32>,
    %add3A_1042 = arith.constant 112 : i32
    %add3A_1043 = vector.broadcast %add3A_1042 : i32 to vector<16xi32>
    %add3A_1044 = arith.addi %iota3A, %add3A_1043 : vector<16xi32>
    %gather3A_1045 = tpu.vector_load_idx %arg6[%add3A_1044, %broadcast_in_dim3A_992] : memref<128x128xf32, #tpu.memory_space<vmem>>[vector<16xi32>, vector<16xi32>], vector<16xf32>,
    %add3A_1046 = arith.constant 112 : i32
    %add3A_1047 = vector.broadcast %add3A_1046 : i32 to vector<16xi32>
    %add3A_1048 = arith.addi %iota3A, %add3A_1047 : vector<16xi32>
    tpu.vector_store_idx %arg7[%broadcast_in_dim3A_992, %add3A_1048], %gather3A_1045 : memref<32x128xf32, #tpu.memory_space<vmem>>[vector<16xi32>, vector<16xi32>], vector<16xf32>,
    %broadcast_in_dim3A_1049 = arith.constant 18 : i32
    %broadcast_in_dim3A_1050 = vector.broadcast %broadcast_in_dim3A_1049 : i32 to vector<16xi32>
    %add3A_1051 = arith.constant 0 : i32
    %add3A_1052 = vector.broadcast %add3A_1051 : i32 to vector<16xi32>
    %add3A_1053 = arith.addi %iota3A, %add3A_1052 : vector<16xi32>
    %gather3A_1054 = tpu.vector_load_idx %arg6[%add3A_1053, %broadcast_in_dim3A_1050] : memref<128x128xf32, #tpu.memory_space<vmem>>[vector<16xi32>, vector<16xi32>], vector<16xf32>,
    %add3A_1055 = arith.constant 0 : i32
    %add3A_1056 = vector.broadcast %add3A_1055 : i32 to vector<16xi32>
    %add3A_1057 = arith.addi %iota3A, %add3A_1056 : vector<16xi32>
    tpu.vector_store_idx %arg7[%broadcast_in_dim3A_1050, %add3A_1057], %gather3A_1054 : memref<32x128xf32, #tpu.memory_space<vmem>>[vector<16xi32>, vector<16xi32>], vector<16xf32>,
    %add3A_1058 = arith.constant 16 : i32
    %add3A_1059 = vector.broadcast %add3A_1058 : i32 to vector<16xi32>
    %add3A_1060 = arith.addi %iota3A, %add3A_1059 : vector<16xi32>
    %gather3A_1061 = tpu.vector_load_idx %arg6[%add3A_1060, %broadcast_in_dim3A_1050] : memref<128x128xf32, #tpu.memory_space<vmem>>[vector<16xi32>, vector<16xi32>], vector<16xf32>,
    %add3A_1062 = arith.constant 16 : i32
    %add3A_1063 = vector.broadcast %add3A_1062 : i32 to vector<16xi32>
    %add3A_1064 = arith.addi %iota3A, %add3A_1063 : vector<16xi32>
    tpu.vector_store_idx %arg7[%broadcast_in_dim3A_1050, %add3A_1064], %gather3A_1061 : memref<32x128xf32, #tpu.memory_space<vmem>>[vector<16xi32>, vector<16xi32>], vector<16xf32>,
    %add3A_1065 = arith.constant 32 : i32
    %add3A_1066 = vector.broadcast %add3A_1065 : i32 to vector<16xi32>
    %add3A_1067 = arith.addi %iota3A, %add3A_1066 : vector<16xi32>
    %gather3A_1068 = tpu.vector_load_idx %arg6[%add3A_1067, %broadcast_in_dim3A_1050] : memref<128x128xf32, #tpu.memory_space<vmem>>[vector<16xi32>, vector<16xi32>], vector<16xf32>,
    %add3A_1069 = arith.constant 32 : i32
    %add3A_1070 = vector.broadcast %add3A_1069 : i32 to vector<16xi32>
    %add3A_1071 = arith.addi %iota3A, %add3A_1070 : vector<16xi32>
    tpu.vector_store_idx %arg7[%broadcast_in_dim3A_1050, %add3A_1071], %gather3A_1068 : memref<32x128xf32, #tpu.memory_space<vmem>>[vector<16xi32>, vector<16xi32>], vector<16xf32>,
    %add3A_1072 = arith.constant 48 : i32
    %add3A_1073 = vector.broadcast %add3A_1072 : i32 to vector<16xi32>
    %add3A_1074 = arith.addi %iota3A, %add3A_1073 : vector<16xi32>
    %gather3A_1075 = tpu.vector_load_idx %arg6[%add3A_1074, %broadcast_in_dim3A_1050] : memref<128x128xf32, #tpu.memory_space<vmem>>[vector<16xi32>, vector<16xi32>], vector<16xf32>,
    %add3A_1076 = arith.constant 48 : i32
    %add3A_1077 = vector.broadcast %add3A_1076 : i32 to vector<16xi32>
    %add3A_1078 = arith.addi %iota3A, %add3A_1077 : vector<16xi32>
    tpu.vector_store_idx %arg7[%broadcast_in_dim3A_1050, %add3A_1078], %gather3A_1075 : memref<32x128xf32, #tpu.memory_space<vmem>>[vector<16xi32>, vector<16xi32>], vector<16xf32>,
    %add3A_1079 = arith.constant 64 : i32
    %add3A_1080 = vector.broadcast %add3A_1079 : i32 to vector<16xi32>
    %add3A_1081 = arith.addi %iota3A, %add3A_1080 : vector<16xi32>
    %gather3A_1082 = tpu.vector_load_idx %arg6[%add3A_1081, %broadcast_in_dim3A_1050] : memref<128x128xf32, #tpu.memory_space<vmem>>[vector<16xi32>, vector<16xi32>], vector<16xf32>,
    %add3A_1083 = arith.constant 64 : i32
    %add3A_1084 = vector.broadcast %add3A_1083 : i32 to vector<16xi32>
    %add3A_1085 = arith.addi %iota3A, %add3A_1084 : vector<16xi32>
    tpu.vector_store_idx %arg7[%broadcast_in_dim3A_1050, %add3A_1085], %gather3A_1082 : memref<32x128xf32, #tpu.memory_space<vmem>>[vector<16xi32>, vector<16xi32>], vector<16xf32>,
    %add3A_1086 = arith.constant 80 : i32
    %add3A_1087 = vector.broadcast %add3A_1086 : i32 to vector<16xi32>
    %add3A_1088 = arith.addi %iota3A, %add3A_1087 : vector<16xi32>
    %gather3A_1089 = tpu.vector_load_idx %arg6[%add3A_1088, %broadcast_in_dim3A_1050] : memref<128x128xf32, #tpu.memory_space<vmem>>[vector<16xi32>, vector<16xi32>], vector<16xf32>,
    %add3A_1090 = arith.constant 80 : i32
    %add3A_1091 = vector.broadcast %add3A_1090 : i32 to vector<16xi32>
    %add3A_1092 = arith.addi %iota3A, %add3A_1091 : vector<16xi32>
    tpu.vector_store_idx %arg7[%broadcast_in_dim3A_1050, %add3A_1092], %gather3A_1089 : memref<32x128xf32, #tpu.memory_space<vmem>>[vector<16xi32>, vector<16xi32>], vector<16xf32>,
    %add3A_1093 = arith.constant 96 : i32
    %add3A_1094 = vector.broadcast %add3A_1093 : i32 to vector<16xi32>
    %add3A_1095 = arith.addi %iota3A, %add3A_1094 : vector<16xi32>
    %gather3A_1096 = tpu.vector_load_idx %arg6[%add3A_1095, %broadcast_in_dim3A_1050] : memref<128x128xf32, #tpu.memory_space<vmem>>[vector<16xi32>, vector<16xi32>], vector<16xf32>,
    %add3A_1097 = arith.constant 96 : i32
    %add3A_1098 = vector.broadcast %add3A_1097 : i32 to vector<16xi32>
    %add3A_1099 = arith.addi %iota3A, %add3A_1098 : vector<16xi32>
    tpu.vector_store_idx %arg7[%broadcast_in_dim3A_1050, %add3A_1099], %gather3A_1096 : memref<32x128xf32, #tpu.memory_space<vmem>>[vector<16xi32>, vector<16xi32>], vector<16xf32>,
    %add3A_1100 = arith.constant 112 : i32
    %add3A_1101 = vector.broadcast %add3A_1100 : i32 to vector<16xi32>
    %add3A_1102 = arith.addi %iota3A, %add3A_1101 : vector<16xi32>
    %gather3A_1103 = tpu.vector_load_idx %arg6[%add3A_1102, %broadcast_in_dim3A_1050] : memref<128x128xf32, #tpu.memory_space<vmem>>[vector<16xi32>, vector<16xi32>], vector<16xf32>,
    %add3A_1104 = arith.constant 112 : i32
    %add3A_1105 = vector.broadcast %add3A_1104 : i32 to vector<16xi32>
    %add3A_1106 = arith.addi %iota3A, %add3A_1105 : vector<16xi32>
    tpu.vector_store_idx %arg7[%broadcast_in_dim3A_1050, %add3A_1106], %gather3A_1103 : memref<32x128xf32, #tpu.memory_space<vmem>>[vector<16xi32>, vector<16xi32>], vector<16xf32>,
    %broadcast_in_dim3A_1107 = arith.constant 19 : i32
    %broadcast_in_dim3A_1108 = vector.broadcast %broadcast_in_dim3A_1107 : i32 to vector<16xi32>
    %add3A_1109 = arith.constant 0 : i32
    %add3A_1110 = vector.broadcast %add3A_1109 : i32 to vector<16xi32>
    %add3A_1111 = arith.addi %iota3A, %add3A_1110 : vector<16xi32>
    %gather3A_1112 = tpu.vector_load_idx %arg6[%add3A_1111, %broadcast_in_dim3A_1108] : memref<128x128xf32, #tpu.memory_space<vmem>>[vector<16xi32>, vector<16xi32>], vector<16xf32>,
    %add3A_1113 = arith.constant 0 : i32
    %add3A_1114 = vector.broadcast %add3A_1113 : i32 to vector<16xi32>
    %add3A_1115 = arith.addi %iota3A, %add3A_1114 : vector<16xi32>
    tpu.vector_store_idx %arg7[%broadcast_in_dim3A_1108, %add3A_1115], %gather3A_1112 : memref<32x128xf32, #tpu.memory_space<vmem>>[vector<16xi32>, vector<16xi32>], vector<16xf32>,
    %add3A_1116 = arith.constant 16 : i32
    %add3A_1117 = vector.broadcast %add3A_1116 : i32 to vector<16xi32>
    %add3A_1118 = arith.addi %iota3A, %add3A_1117 : vector<16xi32>
    %gather3A_1119 = tpu.vector_load_idx %arg6[%add3A_1118, %broadcast_in_dim3A_1108] : memref<128x128xf32, #tpu.memory_space<vmem>>[vector<16xi32>, vector<16xi32>], vector<16xf32>,
    %add3A_1120 = arith.constant 16 : i32
    %add3A_1121 = vector.broadcast %add3A_1120 : i32 to vector<16xi32>
    %add3A_1122 = arith.addi %iota3A, %add3A_1121 : vector<16xi32>
    tpu.vector_store_idx %arg7[%broadcast_in_dim3A_1108, %add3A_1122], %gather3A_1119 : memref<32x128xf32, #tpu.memory_space<vmem>>[vector<16xi32>, vector<16xi32>], vector<16xf32>,
    %add3A_1123 = arith.constant 32 : i32
    %add3A_1124 = vector.broadcast %add3A_1123 : i32 to vector<16xi32>
    %add3A_1125 = arith.addi %iota3A, %add3A_1124 : vector<16xi32>
    %gather3A_1126 = tpu.vector_load_idx %arg6[%add3A_1125, %broadcast_in_dim3A_1108] : memref<128x128xf32, #tpu.memory_space<vmem>>[vector<16xi32>, vector<16xi32>], vector<16xf32>,
    %add3A_1127 = arith.constant 32 : i32
    %add3A_1128 = vector.broadcast %add3A_1127 : i32 to vector<16xi32>
    %add3A_1129 = arith.addi %iota3A, %add3A_1128 : vector<16xi32>
    tpu.vector_store_idx %arg7[%broadcast_in_dim3A_1108, %add3A_1129], %gather3A_1126 : memref<32x128xf32, #tpu.memory_space<vmem>>[vector<16xi32>, vector<16xi32>], vector<16xf32>,
    %add3A_1130 = arith.constant 48 : i32
    %add3A_1131 = vector.broadcast %add3A_1130 : i32 to vector<16xi32>
    %add3A_1132 = arith.addi %iota3A, %add3A_1131 : vector<16xi32>
    %gather3A_1133 = tpu.vector_load_idx %arg6[%add3A_1132, %broadcast_in_dim3A_1108] : memref<128x128xf32, #tpu.memory_space<vmem>>[vector<16xi32>, vector<16xi32>], vector<16xf32>,
    %add3A_1134 = arith.constant 48 : i32
    %add3A_1135 = vector.broadcast %add3A_1134 : i32 to vector<16xi32>
    %add3A_1136 = arith.addi %iota3A, %add3A_1135 : vector<16xi32>
    tpu.vector_store_idx %arg7[%broadcast_in_dim3A_1108, %add3A_1136], %gather3A_1133 : memref<32x128xf32, #tpu.memory_space<vmem>>[vector<16xi32>, vector<16xi32>], vector<16xf32>,
    %add3A_1137 = arith.constant 64 : i32
    %add3A_1138 = vector.broadcast %add3A_1137 : i32 to vector<16xi32>
    %add3A_1139 = arith.addi %iota3A, %add3A_1138 : vector<16xi32>
    %gather3A_1140 = tpu.vector_load_idx %arg6[%add3A_1139, %broadcast_in_dim3A_1108] : memref<128x128xf32, #tpu.memory_space<vmem>>[vector<16xi32>, vector<16xi32>], vector<16xf32>,
    %add3A_1141 = arith.constant 64 : i32
    %add3A_1142 = vector.broadcast %add3A_1141 : i32 to vector<16xi32>
    %add3A_1143 = arith.addi %iota3A, %add3A_1142 : vector<16xi32>
    tpu.vector_store_idx %arg7[%broadcast_in_dim3A_1108, %add3A_1143], %gather3A_1140 : memref<32x128xf32, #tpu.memory_space<vmem>>[vector<16xi32>, vector<16xi32>], vector<16xf32>,
    %add3A_1144 = arith.constant 80 : i32
    %add3A_1145 = vector.broadcast %add3A_1144 : i32 to vector<16xi32>
    %add3A_1146 = arith.addi %iota3A, %add3A_1145 : vector<16xi32>
    %gather3A_1147 = tpu.vector_load_idx %arg6[%add3A_1146, %broadcast_in_dim3A_1108] : memref<128x128xf32, #tpu.memory_space<vmem>>[vector<16xi32>, vector<16xi32>], vector<16xf32>,
    %add3A_1148 = arith.constant 80 : i32
    %add3A_1149 = vector.broadcast %add3A_1148 : i32 to vector<16xi32>
    %add3A_1150 = arith.addi %iota3A, %add3A_1149 : vector<16xi32>
    tpu.vector_store_idx %arg7[%broadcast_in_dim3A_1108, %add3A_1150], %gather3A_1147 : memref<32x128xf32, #tpu.memory_space<vmem>>[vector<16xi32>, vector<16xi32>], vector<16xf32>,
    %add3A_1151 = arith.constant 96 : i32
    %add3A_1152 = vector.broadcast %add3A_1151 : i32 to vector<16xi32>
    %add3A_1153 = arith.addi %iota3A, %add3A_1152 : vector<16xi32>
    %gather3A_1154 = tpu.vector_load_idx %arg6[%add3A_1153, %broadcast_in_dim3A_1108] : memref<128x128xf32, #tpu.memory_space<vmem>>[vector<16xi32>, vector<16xi32>], vector<16xf32>,
    %add3A_1155 = arith.constant 96 : i32
    %add3A_1156 = vector.broadcast %add3A_1155 : i32 to vector<16xi32>
    %add3A_1157 = arith.addi %iota3A, %add3A_1156 : vector<16xi32>
    tpu.vector_store_idx %arg7[%broadcast_in_dim3A_1108, %add3A_1157], %gather3A_1154 : memref<32x128xf32, #tpu.memory_space<vmem>>[vector<16xi32>, vector<16xi32>], vector<16xf32>,
    %add3A_1158 = arith.constant 112 : i32
    %add3A_1159 = vector.broadcast %add3A_1158 : i32 to vector<16xi32>
    %add3A_1160 = arith.addi %iota3A, %add3A_1159 : vector<16xi32>
    %gather3A_1161 = tpu.vector_load_idx %arg6[%add3A_1160, %broadcast_in_dim3A_1108] : memref<128x128xf32, #tpu.memory_space<vmem>>[vector<16xi32>, vector<16xi32>], vector<16xf32>,
    %add3A_1162 = arith.constant 112 : i32
    %add3A_1163 = vector.broadcast %add3A_1162 : i32 to vector<16xi32>
    %add3A_1164 = arith.addi %iota3A, %add3A_1163 : vector<16xi32>
    tpu.vector_store_idx %arg7[%broadcast_in_dim3A_1108, %add3A_1164], %gather3A_1161 : memref<32x128xf32, #tpu.memory_space<vmem>>[vector<16xi32>, vector<16xi32>], vector<16xf32>,
    %broadcast_in_dim3A_1165 = arith.constant 20 : i32
    %broadcast_in_dim3A_1166 = vector.broadcast %broadcast_in_dim3A_1165 : i32 to vector<16xi32>
    %add3A_1167 = arith.constant 0 : i32
    %add3A_1168 = vector.broadcast %add3A_1167 : i32 to vector<16xi32>
    %add3A_1169 = arith.addi %iota3A, %add3A_1168 : vector<16xi32>
    %gather3A_1170 = tpu.vector_load_idx %arg6[%add3A_1169, %broadcast_in_dim3A_1166] : memref<128x128xf32, #tpu.memory_space<vmem>>[vector<16xi32>, vector<16xi32>], vector<16xf32>,
    %add3A_1171 = arith.constant 0 : i32
    %add3A_1172 = vector.broadcast %add3A_1171 : i32 to vector<16xi32>
    %add3A_1173 = arith.addi %iota3A, %add3A_1172 : vector<16xi32>
    tpu.vector_store_idx %arg7[%broadcast_in_dim3A_1166, %add3A_1173], %gather3A_1170 : memref<32x128xf32, #tpu.memory_space<vmem>>[vector<16xi32>, vector<16xi32>], vector<16xf32>,
    %add3A_1174 = arith.constant 16 : i32
    %add3A_1175 = vector.broadcast %add3A_1174 : i32 to vector<16xi32>
    %add3A_1176 = arith.addi %iota3A, %add3A_1175 : vector<16xi32>
    %gather3A_1177 = tpu.vector_load_idx %arg6[%add3A_1176, %broadcast_in_dim3A_1166] : memref<128x128xf32, #tpu.memory_space<vmem>>[vector<16xi32>, vector<16xi32>], vector<16xf32>,
    %add3A_1178 = arith.constant 16 : i32
    %add3A_1179 = vector.broadcast %add3A_1178 : i32 to vector<16xi32>
    %add3A_1180 = arith.addi %iota3A, %add3A_1179 : vector<16xi32>
    tpu.vector_store_idx %arg7[%broadcast_in_dim3A_1166, %add3A_1180], %gather3A_1177 : memref<32x128xf32, #tpu.memory_space<vmem>>[vector<16xi32>, vector<16xi32>], vector<16xf32>,
    %add3A_1181 = arith.constant 32 : i32
    %add3A_1182 = vector.broadcast %add3A_1181 : i32 to vector<16xi32>
    %add3A_1183 = arith.addi %iota3A, %add3A_1182 : vector<16xi32>
    %gather3A_1184 = tpu.vector_load_idx %arg6[%add3A_1183, %broadcast_in_dim3A_1166] : memref<128x128xf32, #tpu.memory_space<vmem>>[vector<16xi32>, vector<16xi32>], vector<16xf32>,
    %add3A_1185 = arith.constant 32 : i32
    %add3A_1186 = vector.broadcast %add3A_1185 : i32 to vector<16xi32>
    %add3A_1187 = arith.addi %iota3A, %add3A_1186 : vector<16xi32>
    tpu.vector_store_idx %arg7[%broadcast_in_dim3A_1166, %add3A_1187], %gather3A_1184 : memref<32x128xf32, #tpu.memory_space<vmem>>[vector<16xi32>, vector<16xi32>], vector<16xf32>,
    %add3A_1188 = arith.constant 48 : i32
    %add3A_1189 = vector.broadcast %add3A_1188 : i32 to vector<16xi32>
    %add3A_1190 = arith.addi %iota3A, %add3A_1189 : vector<16xi32>
    %gather3A_1191 = tpu.vector_load_idx %arg6[%add3A_1190, %broadcast_in_dim3A_1166] : memref<128x128xf32, #tpu.memory_space<vmem>>[vector<16xi32>, vector<16xi32>], vector<16xf32>,
    %add3A_1192 = arith.constant 48 : i32
    %add3A_1193 = vector.broadcast %add3A_1192 : i32 to vector<16xi32>
    %add3A_1194 = arith.addi %iota3A, %add3A_1193 : vector<16xi32>
    tpu.vector_store_idx %arg7[%broadcast_in_dim3A_1166, %add3A_1194], %gather3A_1191 : memref<32x128xf32, #tpu.memory_space<vmem>>[vector<16xi32>, vector<16xi32>], vector<16xf32>,
    %add3A_1195 = arith.constant 64 : i32
    %add3A_1196 = vector.broadcast %add3A_1195 : i32 to vector<16xi32>
    %add3A_1197 = arith.addi %iota3A, %add3A_1196 : vector<16xi32>
    %gather3A_1198 = tpu.vector_load_idx %arg6[%add3A_1197, %broadcast_in_dim3A_1166] : memref<128x128xf32, #tpu.memory_space<vmem>>[vector<16xi32>, vector<16xi32>], vector<16xf32>,
    %add3A_1199 = arith.constant 64 : i32
    %add3A_1200 = vector.broadcast %add3A_1199 : i32 to vector<16xi32>
    %add3A_1201 = arith.addi %iota3A, %add3A_1200 : vector<16xi32>
    tpu.vector_store_idx %arg7[%broadcast_in_dim3A_1166, %add3A_1201], %gather3A_1198 : memref<32x128xf32, #tpu.memory_space<vmem>>[vector<16xi32>, vector<16xi32>], vector<16xf32>,
    %add3A_1202 = arith.constant 80 : i32
    %add3A_1203 = vector.broadcast %add3A_1202 : i32 to vector<16xi32>
    %add3A_1204 = arith.addi %iota3A, %add3A_1203 : vector<16xi32>
    %gather3A_1205 = tpu.vector_load_idx %arg6[%add3A_1204, %broadcast_in_dim3A_1166] : memref<128x128xf32, #tpu.memory_space<vmem>>[vector<16xi32>, vector<16xi32>], vector<16xf32>,
    %add3A_1206 = arith.constant 80 : i32
    %add3A_1207 = vector.broadcast %add3A_1206 : i32 to vector<16xi32>
    %add3A_1208 = arith.addi %iota3A, %add3A_1207 : vector<16xi32>
    tpu.vector_store_idx %arg7[%broadcast_in_dim3A_1166, %add3A_1208], %gather3A_1205 : memref<32x128xf32, #tpu.memory_space<vmem>>[vector<16xi32>, vector<16xi32>], vector<16xf32>,
    %add3A_1209 = arith.constant 96 : i32
    %add3A_1210 = vector.broadcast %add3A_1209 : i32 to vector<16xi32>
    %add3A_1211 = arith.addi %iota3A, %add3A_1210 : vector<16xi32>
    %gather3A_1212 = tpu.vector_load_idx %arg6[%add3A_1211, %broadcast_in_dim3A_1166] : memref<128x128xf32, #tpu.memory_space<vmem>>[vector<16xi32>, vector<16xi32>], vector<16xf32>,
    %add3A_1213 = arith.constant 96 : i32
    %add3A_1214 = vector.broadcast %add3A_1213 : i32 to vector<16xi32>
    %add3A_1215 = arith.addi %iota3A, %add3A_1214 : vector<16xi32>
    tpu.vector_store_idx %arg7[%broadcast_in_dim3A_1166, %add3A_1215], %gather3A_1212 : memref<32x128xf32, #tpu.memory_space<vmem>>[vector<16xi32>, vector<16xi32>], vector<16xf32>,
    %add3A_1216 = arith.constant 112 : i32
    %add3A_1217 = vector.broadcast %add3A_1216 : i32 to vector<16xi32>
    %add3A_1218 = arith.addi %iota3A, %add3A_1217 : vector<16xi32>
    %gather3A_1219 = tpu.vector_load_idx %arg6[%add3A_1218, %broadcast_in_dim3A_1166] : memref<128x128xf32, #tpu.memory_space<vmem>>[vector<16xi32>, vector<16xi32>], vector<16xf32>,
    %add3A_1220 = arith.constant 112 : i32
    %add3A_1221 = vector.broadcast %add3A_1220 : i32 to vector<16xi32>
    %add3A_1222 = arith.addi %iota3A, %add3A_1221 : vector<16xi32>
    tpu.vector_store_idx %arg7[%broadcast_in_dim3A_1166, %add3A_1222], %gather3A_1219 : memref<32x128xf32, #tpu.memory_space<vmem>>[vector<16xi32>, vector<16xi32>], vector<16xf32>,
    %broadcast_in_dim3A_1223 = arith.constant 21 : i32
    %broadcast_in_dim3A_1224 = vector.broadcast %broadcast_in_dim3A_1223 : i32 to vector<16xi32>
    %add3A_1225 = arith.constant 0 : i32
    %add3A_1226 = vector.broadcast %add3A_1225 : i32 to vector<16xi32>
    %add3A_1227 = arith.addi %iota3A, %add3A_1226 : vector<16xi32>
    %gather3A_1228 = tpu.vector_load_idx %arg6[%add3A_1227, %broadcast_in_dim3A_1224] : memref<128x128xf32, #tpu.memory_space<vmem>>[vector<16xi32>, vector<16xi32>], vector<16xf32>,
    %add3A_1229 = arith.constant 0 : i32
    %add3A_1230 = vector.broadcast %add3A_1229 : i32 to vector<16xi32>
    %add3A_1231 = arith.addi %iota3A, %add3A_1230 : vector<16xi32>
    tpu.vector_store_idx %arg7[%broadcast_in_dim3A_1224, %add3A_1231], %gather3A_1228 : memref<32x128xf32, #tpu.memory_space<vmem>>[vector<16xi32>, vector<16xi32>], vector<16xf32>,
    %add3A_1232 = arith.constant 16 : i32
    %add3A_1233 = vector.broadcast %add3A_1232 : i32 to vector<16xi32>
    %add3A_1234 = arith.addi %iota3A, %add3A_1233 : vector<16xi32>
    %gather3A_1235 = tpu.vector_load_idx %arg6[%add3A_1234, %broadcast_in_dim3A_1224] : memref<128x128xf32, #tpu.memory_space<vmem>>[vector<16xi32>, vector<16xi32>], vector<16xf32>,
    %add3A_1236 = arith.constant 16 : i32
    %add3A_1237 = vector.broadcast %add3A_1236 : i32 to vector<16xi32>
    %add3A_1238 = arith.addi %iota3A, %add3A_1237 : vector<16xi32>
    tpu.vector_store_idx %arg7[%broadcast_in_dim3A_1224, %add3A_1238], %gather3A_1235 : memref<32x128xf32, #tpu.memory_space<vmem>>[vector<16xi32>, vector<16xi32>], vector<16xf32>,
    %add3A_1239 = arith.constant 32 : i32
    %add3A_1240 = vector.broadcast %add3A_1239 : i32 to vector<16xi32>
    %add3A_1241 = arith.addi %iota3A, %add3A_1240 : vector<16xi32>
    %gather3A_1242 = tpu.vector_load_idx %arg6[%add3A_1241, %broadcast_in_dim3A_1224] : memref<128x128xf32, #tpu.memory_space<vmem>>[vector<16xi32>, vector<16xi32>], vector<16xf32>,
    %add3A_1243 = arith.constant 32 : i32
    %add3A_1244 = vector.broadcast %add3A_1243 : i32 to vector<16xi32>
    %add3A_1245 = arith.addi %iota3A, %add3A_1244 : vector<16xi32>
    tpu.vector_store_idx %arg7[%broadcast_in_dim3A_1224, %add3A_1245], %gather3A_1242 : memref<32x128xf32, #tpu.memory_space<vmem>>[vector<16xi32>, vector<16xi32>], vector<16xf32>,
    %add3A_1246 = arith.constant 48 : i32
    %add3A_1247 = vector.broadcast %add3A_1246 : i32 to vector<16xi32>
    %add3A_1248 = arith.addi %iota3A, %add3A_1247 : vector<16xi32>
    %gather3A_1249 = tpu.vector_load_idx %arg6[%add3A_1248, %broadcast_in_dim3A_1224] : memref<128x128xf32, #tpu.memory_space<vmem>>[vector<16xi32>, vector<16xi32>], vector<16xf32>,
    %add3A_1250 = arith.constant 48 : i32
    %add3A_1251 = vector.broadcast %add3A_1250 : i32 to vector<16xi32>
    %add3A_1252 = arith.addi %iota3A, %add3A_1251 : vector<16xi32>
    tpu.vector_store_idx %arg7[%broadcast_in_dim3A_1224, %add3A_1252], %gather3A_1249 : memref<32x128xf32, #tpu.memory_space<vmem>>[vector<16xi32>, vector<16xi32>], vector<16xf32>,
    %add3A_1253 = arith.constant 64 : i32
    %add3A_1254 = vector.broadcast %add3A_1253 : i32 to vector<16xi32>
    %add3A_1255 = arith.addi %iota3A, %add3A_1254 : vector<16xi32>
    %gather3A_1256 = tpu.vector_load_idx %arg6[%add3A_1255, %broadcast_in_dim3A_1224] : memref<128x128xf32, #tpu.memory_space<vmem>>[vector<16xi32>, vector<16xi32>], vector<16xf32>,
    %add3A_1257 = arith.constant 64 : i32
    %add3A_1258 = vector.broadcast %add3A_1257 : i32 to vector<16xi32>
    %add3A_1259 = arith.addi %iota3A, %add3A_1258 : vector<16xi32>
    tpu.vector_store_idx %arg7[%broadcast_in_dim3A_1224, %add3A_1259], %gather3A_1256 : memref<32x128xf32, #tpu.memory_space<vmem>>[vector<16xi32>, vector<16xi32>], vector<16xf32>,
    %add3A_1260 = arith.constant 80 : i32
    %add3A_1261 = vector.broadcast %add3A_1260 : i32 to vector<16xi32>
    %add3A_1262 = arith.addi %iota3A, %add3A_1261 : vector<16xi32>
    %gather3A_1263 = tpu.vector_load_idx %arg6[%add3A_1262, %broadcast_in_dim3A_1224] : memref<128x128xf32, #tpu.memory_space<vmem>>[vector<16xi32>, vector<16xi32>], vector<16xf32>,
    %add3A_1264 = arith.constant 80 : i32
    %add3A_1265 = vector.broadcast %add3A_1264 : i32 to vector<16xi32>
    %add3A_1266 = arith.addi %iota3A, %add3A_1265 : vector<16xi32>
    tpu.vector_store_idx %arg7[%broadcast_in_dim3A_1224, %add3A_1266], %gather3A_1263 : memref<32x128xf32, #tpu.memory_space<vmem>>[vector<16xi32>, vector<16xi32>], vector<16xf32>,
    %add3A_1267 = arith.constant 96 : i32
    %add3A_1268 = vector.broadcast %add3A_1267 : i32 to vector<16xi32>
    %add3A_1269 = arith.addi %iota3A, %add3A_1268 : vector<16xi32>
    %gather3A_1270 = tpu.vector_load_idx %arg6[%add3A_1269, %broadcast_in_dim3A_1224] : memref<128x128xf32, #tpu.memory_space<vmem>>[vector<16xi32>, vector<16xi32>], vector<16xf32>,
    %add3A_1271 = arith.constant 96 : i32
    %add3A_1272 = vector.broadcast %add3A_1271 : i32 to vector<16xi32>
    %add3A_1273 = arith.addi %iota3A, %add3A_1272 : vector<16xi32>
    tpu.vector_store_idx %arg7[%broadcast_in_dim3A_1224, %add3A_1273], %gather3A_1270 : memref<32x128xf32, #tpu.memory_space<vmem>>[vector<16xi32>, vector<16xi32>], vector<16xf32>,
    %add3A_1274 = arith.constant 112 : i32
    %add3A_1275 = vector.broadcast %add3A_1274 : i32 to vector<16xi32>
    %add3A_1276 = arith.addi %iota3A, %add3A_1275 : vector<16xi32>
    %gather3A_1277 = tpu.vector_load_idx %arg6[%add3A_1276, %broadcast_in_dim3A_1224] : memref<128x128xf32, #tpu.memory_space<vmem>>[vector<16xi32>, vector<16xi32>], vector<16xf32>,
    %add3A_1278 = arith.constant 112 : i32
    %add3A_1279 = vector.broadcast %add3A_1278 : i32 to vector<16xi32>
    %add3A_1280 = arith.addi %iota3A, %add3A_1279 : vector<16xi32>
    tpu.vector_store_idx %arg7[%broadcast_in_dim3A_1224, %add3A_1280], %gather3A_1277 : memref<32x128xf32, #tpu.memory_space<vmem>>[vector<16xi32>, vector<16xi32>], vector<16xf32>,
    %broadcast_in_dim3A_1281 = arith.constant 22 : i32
    %broadcast_in_dim3A_1282 = vector.broadcast %broadcast_in_dim3A_1281 : i32 to vector<16xi32>
    %add3A_1283 = arith.constant 0 : i32
    %add3A_1284 = vector.broadcast %add3A_1283 : i32 to vector<16xi32>
    %add3A_1285 = arith.addi %iota3A, %add3A_1284 : vector<16xi32>
    %gather3A_1286 = tpu.vector_load_idx %arg6[%add3A_1285, %broadcast_in_dim3A_1282] : memref<128x128xf32, #tpu.memory_space<vmem>>[vector<16xi32>, vector<16xi32>], vector<16xf32>,
    %add3A_1287 = arith.constant 0 : i32
    %add3A_1288 = vector.broadcast %add3A_1287 : i32 to vector<16xi32>
    %add3A_1289 = arith.addi %iota3A, %add3A_1288 : vector<16xi32>
    tpu.vector_store_idx %arg7[%broadcast_in_dim3A_1282, %add3A_1289], %gather3A_1286 : memref<32x128xf32, #tpu.memory_space<vmem>>[vector<16xi32>, vector<16xi32>], vector<16xf32>,
    %add3A_1290 = arith.constant 16 : i32
    %add3A_1291 = vector.broadcast %add3A_1290 : i32 to vector<16xi32>
    %add3A_1292 = arith.addi %iota3A, %add3A_1291 : vector<16xi32>
    %gather3A_1293 = tpu.vector_load_idx %arg6[%add3A_1292, %broadcast_in_dim3A_1282] : memref<128x128xf32, #tpu.memory_space<vmem>>[vector<16xi32>, vector<16xi32>], vector<16xf32>,
    %add3A_1294 = arith.constant 16 : i32
    %add3A_1295 = vector.broadcast %add3A_1294 : i32 to vector<16xi32>
    %add3A_1296 = arith.addi %iota3A, %add3A_1295 : vector<16xi32>
    tpu.vector_store_idx %arg7[%broadcast_in_dim3A_1282, %add3A_1296], %gather3A_1293 : memref<32x128xf32, #tpu.memory_space<vmem>>[vector<16xi32>, vector<16xi32>], vector<16xf32>,
    %add3A_1297 = arith.constant 32 : i32
    %add3A_1298 = vector.broadcast %add3A_1297 : i32 to vector<16xi32>
    %add3A_1299 = arith.addi %iota3A, %add3A_1298 : vector<16xi32>
    %gather3A_1300 = tpu.vector_load_idx %arg6[%add3A_1299, %broadcast_in_dim3A_1282] : memref<128x128xf32, #tpu.memory_space<vmem>>[vector<16xi32>, vector<16xi32>], vector<16xf32>,
    %add3A_1301 = arith.constant 32 : i32
    %add3A_1302 = vector.broadcast %add3A_1301 : i32 to vector<16xi32>
    %add3A_1303 = arith.addi %iota3A, %add3A_1302 : vector<16xi32>
    tpu.vector_store_idx %arg7[%broadcast_in_dim3A_1282, %add3A_1303], %gather3A_1300 : memref<32x128xf32, #tpu.memory_space<vmem>>[vector<16xi32>, vector<16xi32>], vector<16xf32>,
    %add3A_1304 = arith.constant 48 : i32
    %add3A_1305 = vector.broadcast %add3A_1304 : i32 to vector<16xi32>
    %add3A_1306 = arith.addi %iota3A, %add3A_1305 : vector<16xi32>
    %gather3A_1307 = tpu.vector_load_idx %arg6[%add3A_1306, %broadcast_in_dim3A_1282] : memref<128x128xf32, #tpu.memory_space<vmem>>[vector<16xi32>, vector<16xi32>], vector<16xf32>,
    %add3A_1308 = arith.constant 48 : i32
    %add3A_1309 = vector.broadcast %add3A_1308 : i32 to vector<16xi32>
    %add3A_1310 = arith.addi %iota3A, %add3A_1309 : vector<16xi32>
    tpu.vector_store_idx %arg7[%broadcast_in_dim3A_1282, %add3A_1310], %gather3A_1307 : memref<32x128xf32, #tpu.memory_space<vmem>>[vector<16xi32>, vector<16xi32>], vector<16xf32>,
    %add3A_1311 = arith.constant 64 : i32
    %add3A_1312 = vector.broadcast %add3A_1311 : i32 to vector<16xi32>
    %add3A_1313 = arith.addi %iota3A, %add3A_1312 : vector<16xi32>
    %gather3A_1314 = tpu.vector_load_idx %arg6[%add3A_1313, %broadcast_in_dim3A_1282] : memref<128x128xf32, #tpu.memory_space<vmem>>[vector<16xi32>, vector<16xi32>], vector<16xf32>,
    %add3A_1315 = arith.constant 64 : i32
    %add3A_1316 = vector.broadcast %add3A_1315 : i32 to vector<16xi32>
    %add3A_1317 = arith.addi %iota3A, %add3A_1316 : vector<16xi32>
    tpu.vector_store_idx %arg7[%broadcast_in_dim3A_1282, %add3A_1317], %gather3A_1314 : memref<32x128xf32, #tpu.memory_space<vmem>>[vector<16xi32>, vector<16xi32>], vector<16xf32>,
    %add3A_1318 = arith.constant 80 : i32
    %add3A_1319 = vector.broadcast %add3A_1318 : i32 to vector<16xi32>
    %add3A_1320 = arith.addi %iota3A, %add3A_1319 : vector<16xi32>
    %gather3A_1321 = tpu.vector_load_idx %arg6[%add3A_1320, %broadcast_in_dim3A_1282] : memref<128x128xf32, #tpu.memory_space<vmem>>[vector<16xi32>, vector<16xi32>], vector<16xf32>,
    %add3A_1322 = arith.constant 80 : i32
    %add3A_1323 = vector.broadcast %add3A_1322 : i32 to vector<16xi32>
    %add3A_1324 = arith.addi %iota3A, %add3A_1323 : vector<16xi32>
    tpu.vector_store_idx %arg7[%broadcast_in_dim3A_1282, %add3A_1324], %gather3A_1321 : memref<32x128xf32, #tpu.memory_space<vmem>>[vector<16xi32>, vector<16xi32>], vector<16xf32>,
    %add3A_1325 = arith.constant 96 : i32
    %add3A_1326 = vector.broadcast %add3A_1325 : i32 to vector<16xi32>
    %add3A_1327 = arith.addi %iota3A, %add3A_1326 : vector<16xi32>
    %gather3A_1328 = tpu.vector_load_idx %arg6[%add3A_1327, %broadcast_in_dim3A_1282] : memref<128x128xf32, #tpu.memory_space<vmem>>[vector<16xi32>, vector<16xi32>], vector<16xf32>,
    %add3A_1329 = arith.constant 96 : i32
    %add3A_1330 = vector.broadcast %add3A_1329 : i32 to vector<16xi32>
    %add3A_1331 = arith.addi %iota3A, %add3A_1330 : vector<16xi32>
    tpu.vector_store_idx %arg7[%broadcast_in_dim3A_1282, %add3A_1331], %gather3A_1328 : memref<32x128xf32, #tpu.memory_space<vmem>>[vector<16xi32>, vector<16xi32>], vector<16xf32>,
    %add3A_1332 = arith.constant 112 : i32
    %add3A_1333 = vector.broadcast %add3A_1332 : i32 to vector<16xi32>
    %add3A_1334 = arith.addi %iota3A, %add3A_1333 : vector<16xi32>
    %gather3A_1335 = tpu.vector_load_idx %arg6[%add3A_1334, %broadcast_in_dim3A_1282] : memref<128x128xf32, #tpu.memory_space<vmem>>[vector<16xi32>, vector<16xi32>], vector<16xf32>,
    %add3A_1336 = arith.constant 112 : i32
    %add3A_1337 = vector.broadcast %add3A_1336 : i32 to vector<16xi32>
    %add3A_1338 = arith.addi %iota3A, %add3A_1337 : vector<16xi32>
    tpu.vector_store_idx %arg7[%broadcast_in_dim3A_1282, %add3A_1338], %gather3A_1335 : memref<32x128xf32, #tpu.memory_space<vmem>>[vector<16xi32>, vector<16xi32>], vector<16xf32>,
    %broadcast_in_dim3A_1339 = arith.constant 23 : i32
    %broadcast_in_dim3A_1340 = vector.broadcast %broadcast_in_dim3A_1339 : i32 to vector<16xi32>
    %add3A_1341 = arith.constant 0 : i32
    %add3A_1342 = vector.broadcast %add3A_1341 : i32 to vector<16xi32>
    %add3A_1343 = arith.addi %iota3A, %add3A_1342 : vector<16xi32>
    %gather3A_1344 = tpu.vector_load_idx %arg6[%add3A_1343, %broadcast_in_dim3A_1340] : memref<128x128xf32, #tpu.memory_space<vmem>>[vector<16xi32>, vector<16xi32>], vector<16xf32>,
    %add3A_1345 = arith.constant 0 : i32
    %add3A_1346 = vector.broadcast %add3A_1345 : i32 to vector<16xi32>
    %add3A_1347 = arith.addi %iota3A, %add3A_1346 : vector<16xi32>
    tpu.vector_store_idx %arg7[%broadcast_in_dim3A_1340, %add3A_1347], %gather3A_1344 : memref<32x128xf32, #tpu.memory_space<vmem>>[vector<16xi32>, vector<16xi32>], vector<16xf32>,
    %add3A_1348 = arith.constant 16 : i32
    %add3A_1349 = vector.broadcast %add3A_1348 : i32 to vector<16xi32>
    %add3A_1350 = arith.addi %iota3A, %add3A_1349 : vector<16xi32>
    %gather3A_1351 = tpu.vector_load_idx %arg6[%add3A_1350, %broadcast_in_dim3A_1340] : memref<128x128xf32, #tpu.memory_space<vmem>>[vector<16xi32>, vector<16xi32>], vector<16xf32>,
    %add3A_1352 = arith.constant 16 : i32
    %add3A_1353 = vector.broadcast %add3A_1352 : i32 to vector<16xi32>
    %add3A_1354 = arith.addi %iota3A, %add3A_1353 : vector<16xi32>
    tpu.vector_store_idx %arg7[%broadcast_in_dim3A_1340, %add3A_1354], %gather3A_1351 : memref<32x128xf32, #tpu.memory_space<vmem>>[vector<16xi32>, vector<16xi32>], vector<16xf32>,
    %add3A_1355 = arith.constant 32 : i32
    %add3A_1356 = vector.broadcast %add3A_1355 : i32 to vector<16xi32>
    %add3A_1357 = arith.addi %iota3A, %add3A_1356 : vector<16xi32>
    %gather3A_1358 = tpu.vector_load_idx %arg6[%add3A_1357, %broadcast_in_dim3A_1340] : memref<128x128xf32, #tpu.memory_space<vmem>>[vector<16xi32>, vector<16xi32>], vector<16xf32>,
    %add3A_1359 = arith.constant 32 : i32
    %add3A_1360 = vector.broadcast %add3A_1359 : i32 to vector<16xi32>
    %add3A_1361 = arith.addi %iota3A, %add3A_1360 : vector<16xi32>
    tpu.vector_store_idx %arg7[%broadcast_in_dim3A_1340, %add3A_1361], %gather3A_1358 : memref<32x128xf32, #tpu.memory_space<vmem>>[vector<16xi32>, vector<16xi32>], vector<16xf32>,
    %add3A_1362 = arith.constant 48 : i32
    %add3A_1363 = vector.broadcast %add3A_1362 : i32 to vector<16xi32>
    %add3A_1364 = arith.addi %iota3A, %add3A_1363 : vector<16xi32>
    %gather3A_1365 = tpu.vector_load_idx %arg6[%add3A_1364, %broadcast_in_dim3A_1340] : memref<128x128xf32, #tpu.memory_space<vmem>>[vector<16xi32>, vector<16xi32>], vector<16xf32>,
    %add3A_1366 = arith.constant 48 : i32
    %add3A_1367 = vector.broadcast %add3A_1366 : i32 to vector<16xi32>
    %add3A_1368 = arith.addi %iota3A, %add3A_1367 : vector<16xi32>
    tpu.vector_store_idx %arg7[%broadcast_in_dim3A_1340, %add3A_1368], %gather3A_1365 : memref<32x128xf32, #tpu.memory_space<vmem>>[vector<16xi32>, vector<16xi32>], vector<16xf32>,
    %add3A_1369 = arith.constant 64 : i32
    %add3A_1370 = vector.broadcast %add3A_1369 : i32 to vector<16xi32>
    %add3A_1371 = arith.addi %iota3A, %add3A_1370 : vector<16xi32>
    %gather3A_1372 = tpu.vector_load_idx %arg6[%add3A_1371, %broadcast_in_dim3A_1340] : memref<128x128xf32, #tpu.memory_space<vmem>>[vector<16xi32>, vector<16xi32>], vector<16xf32>,
    %add3A_1373 = arith.constant 64 : i32
    %add3A_1374 = vector.broadcast %add3A_1373 : i32 to vector<16xi32>
    %add3A_1375 = arith.addi %iota3A, %add3A_1374 : vector<16xi32>
    tpu.vector_store_idx %arg7[%broadcast_in_dim3A_1340, %add3A_1375], %gather3A_1372 : memref<32x128xf32, #tpu.memory_space<vmem>>[vector<16xi32>, vector<16xi32>], vector<16xf32>,
    %add3A_1376 = arith.constant 80 : i32
    %add3A_1377 = vector.broadcast %add3A_1376 : i32 to vector<16xi32>
    %add3A_1378 = arith.addi %iota3A, %add3A_1377 : vector<16xi32>
    %gather3A_1379 = tpu.vector_load_idx %arg6[%add3A_1378, %broadcast_in_dim3A_1340] : memref<128x128xf32, #tpu.memory_space<vmem>>[vector<16xi32>, vector<16xi32>], vector<16xf32>,
    %add3A_1380 = arith.constant 80 : i32
    %add3A_1381 = vector.broadcast %add3A_1380 : i32 to vector<16xi32>
    %add3A_1382 = arith.addi %iota3A, %add3A_1381 : vector<16xi32>
    tpu.vector_store_idx %arg7[%broadcast_in_dim3A_1340, %add3A_1382], %gather3A_1379 : memref<32x128xf32, #tpu.memory_space<vmem>>[vector<16xi32>, vector<16xi32>], vector<16xf32>,
    %add3A_1383 = arith.constant 96 : i32
    %add3A_1384 = vector.broadcast %add3A_1383 : i32 to vector<16xi32>
    %add3A_1385 = arith.addi %iota3A, %add3A_1384 : vector<16xi32>
    %gather3A_1386 = tpu.vector_load_idx %arg6[%add3A_1385, %broadcast_in_dim3A_1340] : memref<128x128xf32, #tpu.memory_space<vmem>>[vector<16xi32>, vector<16xi32>], vector<16xf32>,
    %add3A_1387 = arith.constant 96 : i32
    %add3A_1388 = vector.broadcast %add3A_1387 : i32 to vector<16xi32>
    %add3A_1389 = arith.addi %iota3A, %add3A_1388 : vector<16xi32>
    tpu.vector_store_idx %arg7[%broadcast_in_dim3A_1340, %add3A_1389], %gather3A_1386 : memref<32x128xf32, #tpu.memory_space<vmem>>[vector<16xi32>, vector<16xi32>], vector<16xf32>,
    %add3A_1390 = arith.constant 112 : i32
    %add3A_1391 = vector.broadcast %add3A_1390 : i32 to vector<16xi32>
    %add3A_1392 = arith.addi %iota3A, %add3A_1391 : vector<16xi32>
    %gather3A_1393 = tpu.vector_load_idx %arg6[%add3A_1392, %broadcast_in_dim3A_1340] : memref<128x128xf32, #tpu.memory_space<vmem>>[vector<16xi32>, vector<16xi32>], vector<16xf32>,
    %add3A_1394 = arith.constant 112 : i32
    %add3A_1395 = vector.broadcast %add3A_1394 : i32 to vector<16xi32>
    %add3A_1396 = arith.addi %iota3A, %add3A_1395 : vector<16xi32>
    tpu.vector_store_idx %arg7[%broadcast_in_dim3A_1340, %add3A_1396], %gather3A_1393 : memref<32x128xf32, #tpu.memory_space<vmem>>[vector<16xi32>, vector<16xi32>], vector<16xf32>,
    %broadcast_in_dim3A_1397 = arith.constant 24 : i32
    %broadcast_in_dim3A_1398 = vector.broadcast %broadcast_in_dim3A_1397 : i32 to vector<16xi32>
    %add3A_1399 = arith.constant 0 : i32
    %add3A_1400 = vector.broadcast %add3A_1399 : i32 to vector<16xi32>
    %add3A_1401 = arith.addi %iota3A, %add3A_1400 : vector<16xi32>
    %gather3A_1402 = tpu.vector_load_idx %arg6[%add3A_1401, %broadcast_in_dim3A_1398] : memref<128x128xf32, #tpu.memory_space<vmem>>[vector<16xi32>, vector<16xi32>], vector<16xf32>,
    %add3A_1403 = arith.constant 0 : i32
    %add3A_1404 = vector.broadcast %add3A_1403 : i32 to vector<16xi32>
    %add3A_1405 = arith.addi %iota3A, %add3A_1404 : vector<16xi32>
    tpu.vector_store_idx %arg7[%broadcast_in_dim3A_1398, %add3A_1405], %gather3A_1402 : memref<32x128xf32, #tpu.memory_space<vmem>>[vector<16xi32>, vector<16xi32>], vector<16xf32>,
    %add3A_1406 = arith.constant 16 : i32
    %add3A_1407 = vector.broadcast %add3A_1406 : i32 to vector<16xi32>
    %add3A_1408 = arith.addi %iota3A, %add3A_1407 : vector<16xi32>
    %gather3A_1409 = tpu.vector_load_idx %arg6[%add3A_1408, %broadcast_in_dim3A_1398] : memref<128x128xf32, #tpu.memory_space<vmem>>[vector<16xi32>, vector<16xi32>], vector<16xf32>,
    %add3A_1410 = arith.constant 16 : i32
    %add3A_1411 = vector.broadcast %add3A_1410 : i32 to vector<16xi32>
    %add3A_1412 = arith.addi %iota3A, %add3A_1411 : vector<16xi32>
    tpu.vector_store_idx %arg7[%broadcast_in_dim3A_1398, %add3A_1412], %gather3A_1409 : memref<32x128xf32, #tpu.memory_space<vmem>>[vector<16xi32>, vector<16xi32>], vector<16xf32>,
    %add3A_1413 = arith.constant 32 : i32
    %add3A_1414 = vector.broadcast %add3A_1413 : i32 to vector<16xi32>
    %add3A_1415 = arith.addi %iota3A, %add3A_1414 : vector<16xi32>
    %gather3A_1416 = tpu.vector_load_idx %arg6[%add3A_1415, %broadcast_in_dim3A_1398] : memref<128x128xf32, #tpu.memory_space<vmem>>[vector<16xi32>, vector<16xi32>], vector<16xf32>,
    %add3A_1417 = arith.constant 32 : i32
    %add3A_1418 = vector.broadcast %add3A_1417 : i32 to vector<16xi32>
    %add3A_1419 = arith.addi %iota3A, %add3A_1418 : vector<16xi32>
    tpu.vector_store_idx %arg7[%broadcast_in_dim3A_1398, %add3A_1419], %gather3A_1416 : memref<32x128xf32, #tpu.memory_space<vmem>>[vector<16xi32>, vector<16xi32>], vector<16xf32>,
    %add3A_1420 = arith.constant 48 : i32
    %add3A_1421 = vector.broadcast %add3A_1420 : i32 to vector<16xi32>
    %add3A_1422 = arith.addi %iota3A, %add3A_1421 : vector<16xi32>
    %gather3A_1423 = tpu.vector_load_idx %arg6[%add3A_1422, %broadcast_in_dim3A_1398] : memref<128x128xf32, #tpu.memory_space<vmem>>[vector<16xi32>, vector<16xi32>], vector<16xf32>,
    %add3A_1424 = arith.constant 48 : i32
    %add3A_1425 = vector.broadcast %add3A_1424 : i32 to vector<16xi32>
    %add3A_1426 = arith.addi %iota3A, %add3A_1425 : vector<16xi32>
    tpu.vector_store_idx %arg7[%broadcast_in_dim3A_1398, %add3A_1426], %gather3A_1423 : memref<32x128xf32, #tpu.memory_space<vmem>>[vector<16xi32>, vector<16xi32>], vector<16xf32>,
    %add3A_1427 = arith.constant 64 : i32
    %add3A_1428 = vector.broadcast %add3A_1427 : i32 to vector<16xi32>
    %add3A_1429 = arith.addi %iota3A, %add3A_1428 : vector<16xi32>
    %gather3A_1430 = tpu.vector_load_idx %arg6[%add3A_1429, %broadcast_in_dim3A_1398] : memref<128x128xf32, #tpu.memory_space<vmem>>[vector<16xi32>, vector<16xi32>], vector<16xf32>,
    %add3A_1431 = arith.constant 64 : i32
    %add3A_1432 = vector.broadcast %add3A_1431 : i32 to vector<16xi32>
    %add3A_1433 = arith.addi %iota3A, %add3A_1432 : vector<16xi32>
    tpu.vector_store_idx %arg7[%broadcast_in_dim3A_1398, %add3A_1433], %gather3A_1430 : memref<32x128xf32, #tpu.memory_space<vmem>>[vector<16xi32>, vector<16xi32>], vector<16xf32>,
    %add3A_1434 = arith.constant 80 : i32
    %add3A_1435 = vector.broadcast %add3A_1434 : i32 to vector<16xi32>
    %add3A_1436 = arith.addi %iota3A, %add3A_1435 : vector<16xi32>
    %gather3A_1437 = tpu.vector_load_idx %arg6[%add3A_1436, %broadcast_in_dim3A_1398] : memref<128x128xf32, #tpu.memory_space<vmem>>[vector<16xi32>, vector<16xi32>], vector<16xf32>,
    %add3A_1438 = arith.constant 80 : i32
    %add3A_1439 = vector.broadcast %add3A_1438 : i32 to vector<16xi32>
    %add3A_1440 = arith.addi %iota3A, %add3A_1439 : vector<16xi32>
    tpu.vector_store_idx %arg7[%broadcast_in_dim3A_1398, %add3A_1440], %gather3A_1437 : memref<32x128xf32, #tpu.memory_space<vmem>>[vector<16xi32>, vector<16xi32>], vector<16xf32>,
    %add3A_1441 = arith.constant 96 : i32
    %add3A_1442 = vector.broadcast %add3A_1441 : i32 to vector<16xi32>
    %add3A_1443 = arith.addi %iota3A, %add3A_1442 : vector<16xi32>
    %gather3A_1444 = tpu.vector_load_idx %arg6[%add3A_1443, %broadcast_in_dim3A_1398] : memref<128x128xf32, #tpu.memory_space<vmem>>[vector<16xi32>, vector<16xi32>], vector<16xf32>,
    %add3A_1445 = arith.constant 96 : i32
    %add3A_1446 = vector.broadcast %add3A_1445 : i32 to vector<16xi32>
    %add3A_1447 = arith.addi %iota3A, %add3A_1446 : vector<16xi32>
    tpu.vector_store_idx %arg7[%broadcast_in_dim3A_1398, %add3A_1447], %gather3A_1444 : memref<32x128xf32, #tpu.memory_space<vmem>>[vector<16xi32>, vector<16xi32>], vector<16xf32>,
    %add3A_1448 = arith.constant 112 : i32
    %add3A_1449 = vector.broadcast %add3A_1448 : i32 to vector<16xi32>
    %add3A_1450 = arith.addi %iota3A, %add3A_1449 : vector<16xi32>
    %gather3A_1451 = tpu.vector_load_idx %arg6[%add3A_1450, %broadcast_in_dim3A_1398] : memref<128x128xf32, #tpu.memory_space<vmem>>[vector<16xi32>, vector<16xi32>], vector<16xf32>,
    %add3A_1452 = arith.constant 112 : i32
    %add3A_1453 = vector.broadcast %add3A_1452 : i32 to vector<16xi32>
    %add3A_1454 = arith.addi %iota3A, %add3A_1453 : vector<16xi32>
    tpu.vector_store_idx %arg7[%broadcast_in_dim3A_1398, %add3A_1454], %gather3A_1451 : memref<32x128xf32, #tpu.memory_space<vmem>>[vector<16xi32>, vector<16xi32>], vector<16xf32>,
    %broadcast_in_dim3A_1455 = arith.constant 25 : i32
    %broadcast_in_dim3A_1456 = vector.broadcast %broadcast_in_dim3A_1455 : i32 to vector<16xi32>
    %add3A_1457 = arith.constant 0 : i32
    %add3A_1458 = vector.broadcast %add3A_1457 : i32 to vector<16xi32>
    %add3A_1459 = arith.addi %iota3A, %add3A_1458 : vector<16xi32>
    %gather3A_1460 = tpu.vector_load_idx %arg6[%add3A_1459, %broadcast_in_dim3A_1456] : memref<128x128xf32, #tpu.memory_space<vmem>>[vector<16xi32>, vector<16xi32>], vector<16xf32>,
    %add3A_1461 = arith.constant 0 : i32
    %add3A_1462 = vector.broadcast %add3A_1461 : i32 to vector<16xi32>
    %add3A_1463 = arith.addi %iota3A, %add3A_1462 : vector<16xi32>
    tpu.vector_store_idx %arg7[%broadcast_in_dim3A_1456, %add3A_1463], %gather3A_1460 : memref<32x128xf32, #tpu.memory_space<vmem>>[vector<16xi32>, vector<16xi32>], vector<16xf32>,
    %add3A_1464 = arith.constant 16 : i32
    %add3A_1465 = vector.broadcast %add3A_1464 : i32 to vector<16xi32>
    %add3A_1466 = arith.addi %iota3A, %add3A_1465 : vector<16xi32>
    %gather3A_1467 = tpu.vector_load_idx %arg6[%add3A_1466, %broadcast_in_dim3A_1456] : memref<128x128xf32, #tpu.memory_space<vmem>>[vector<16xi32>, vector<16xi32>], vector<16xf32>,
    %add3A_1468 = arith.constant 16 : i32
    %add3A_1469 = vector.broadcast %add3A_1468 : i32 to vector<16xi32>
    %add3A_1470 = arith.addi %iota3A, %add3A_1469 : vector<16xi32>
    tpu.vector_store_idx %arg7[%broadcast_in_dim3A_1456, %add3A_1470], %gather3A_1467 : memref<32x128xf32, #tpu.memory_space<vmem>>[vector<16xi32>, vector<16xi32>], vector<16xf32>,
    %add3A_1471 = arith.constant 32 : i32
    %add3A_1472 = vector.broadcast %add3A_1471 : i32 to vector<16xi32>
    %add3A_1473 = arith.addi %iota3A, %add3A_1472 : vector<16xi32>
    %gather3A_1474 = tpu.vector_load_idx %arg6[%add3A_1473, %broadcast_in_dim3A_1456] : memref<128x128xf32, #tpu.memory_space<vmem>>[vector<16xi32>, vector<16xi32>], vector<16xf32>,
    %add3A_1475 = arith.constant 32 : i32
    %add3A_1476 = vector.broadcast %add3A_1475 : i32 to vector<16xi32>
    %add3A_1477 = arith.addi %iota3A, %add3A_1476 : vector<16xi32>
    tpu.vector_store_idx %arg7[%broadcast_in_dim3A_1456, %add3A_1477], %gather3A_1474 : memref<32x128xf32, #tpu.memory_space<vmem>>[vector<16xi32>, vector<16xi32>], vector<16xf32>,
    %add3A_1478 = arith.constant 48 : i32
    %add3A_1479 = vector.broadcast %add3A_1478 : i32 to vector<16xi32>
    %add3A_1480 = arith.addi %iota3A, %add3A_1479 : vector<16xi32>
    %gather3A_1481 = tpu.vector_load_idx %arg6[%add3A_1480, %broadcast_in_dim3A_1456] : memref<128x128xf32, #tpu.memory_space<vmem>>[vector<16xi32>, vector<16xi32>], vector<16xf32>,
    %add3A_1482 = arith.constant 48 : i32
    %add3A_1483 = vector.broadcast %add3A_1482 : i32 to vector<16xi32>
    %add3A_1484 = arith.addi %iota3A, %add3A_1483 : vector<16xi32>
    tpu.vector_store_idx %arg7[%broadcast_in_dim3A_1456, %add3A_1484], %gather3A_1481 : memref<32x128xf32, #tpu.memory_space<vmem>>[vector<16xi32>, vector<16xi32>], vector<16xf32>,
    %add3A_1485 = arith.constant 64 : i32
    %add3A_1486 = vector.broadcast %add3A_1485 : i32 to vector<16xi32>
    %add3A_1487 = arith.addi %iota3A, %add3A_1486 : vector<16xi32>
    %gather3A_1488 = tpu.vector_load_idx %arg6[%add3A_1487, %broadcast_in_dim3A_1456] : memref<128x128xf32, #tpu.memory_space<vmem>>[vector<16xi32>, vector<16xi32>], vector<16xf32>,
    %add3A_1489 = arith.constant 64 : i32
    %add3A_1490 = vector.broadcast %add3A_1489 : i32 to vector<16xi32>
    %add3A_1491 = arith.addi %iota3A, %add3A_1490 : vector<16xi32>
    tpu.vector_store_idx %arg7[%broadcast_in_dim3A_1456, %add3A_1491], %gather3A_1488 : memref<32x128xf32, #tpu.memory_space<vmem>>[vector<16xi32>, vector<16xi32>], vector<16xf32>,
    %add3A_1492 = arith.constant 80 : i32
    %add3A_1493 = vector.broadcast %add3A_1492 : i32 to vector<16xi32>
    %add3A_1494 = arith.addi %iota3A, %add3A_1493 : vector<16xi32>
    %gather3A_1495 = tpu.vector_load_idx %arg6[%add3A_1494, %broadcast_in_dim3A_1456] : memref<128x128xf32, #tpu.memory_space<vmem>>[vector<16xi32>, vector<16xi32>], vector<16xf32>,
    %add3A_1496 = arith.constant 80 : i32
    %add3A_1497 = vector.broadcast %add3A_1496 : i32 to vector<16xi32>
    %add3A_1498 = arith.addi %iota3A, %add3A_1497 : vector<16xi32>
    tpu.vector_store_idx %arg7[%broadcast_in_dim3A_1456, %add3A_1498], %gather3A_1495 : memref<32x128xf32, #tpu.memory_space<vmem>>[vector<16xi32>, vector<16xi32>], vector<16xf32>,
    %add3A_1499 = arith.constant 96 : i32
    %add3A_1500 = vector.broadcast %add3A_1499 : i32 to vector<16xi32>
    %add3A_1501 = arith.addi %iota3A, %add3A_1500 : vector<16xi32>
    %gather3A_1502 = tpu.vector_load_idx %arg6[%add3A_1501, %broadcast_in_dim3A_1456] : memref<128x128xf32, #tpu.memory_space<vmem>>[vector<16xi32>, vector<16xi32>], vector<16xf32>,
    %add3A_1503 = arith.constant 96 : i32
    %add3A_1504 = vector.broadcast %add3A_1503 : i32 to vector<16xi32>
    %add3A_1505 = arith.addi %iota3A, %add3A_1504 : vector<16xi32>
    tpu.vector_store_idx %arg7[%broadcast_in_dim3A_1456, %add3A_1505], %gather3A_1502 : memref<32x128xf32, #tpu.memory_space<vmem>>[vector<16xi32>, vector<16xi32>], vector<16xf32>,
    %add3A_1506 = arith.constant 112 : i32
    %add3A_1507 = vector.broadcast %add3A_1506 : i32 to vector<16xi32>
    %add3A_1508 = arith.addi %iota3A, %add3A_1507 : vector<16xi32>
    %gather3A_1509 = tpu.vector_load_idx %arg6[%add3A_1508, %broadcast_in_dim3A_1456] : memref<128x128xf32, #tpu.memory_space<vmem>>[vector<16xi32>, vector<16xi32>], vector<16xf32>,
    %add3A_1510 = arith.constant 112 : i32
    %add3A_1511 = vector.broadcast %add3A_1510 : i32 to vector<16xi32>
    %add3A_1512 = arith.addi %iota3A, %add3A_1511 : vector<16xi32>
    tpu.vector_store_idx %arg7[%broadcast_in_dim3A_1456, %add3A_1512], %gather3A_1509 : memref<32x128xf32, #tpu.memory_space<vmem>>[vector<16xi32>, vector<16xi32>], vector<16xf32>,
    %broadcast_in_dim3A_1513 = arith.constant 26 : i32
    %broadcast_in_dim3A_1514 = vector.broadcast %broadcast_in_dim3A_1513 : i32 to vector<16xi32>
    %add3A_1515 = arith.constant 0 : i32
    %add3A_1516 = vector.broadcast %add3A_1515 : i32 to vector<16xi32>
    %add3A_1517 = arith.addi %iota3A, %add3A_1516 : vector<16xi32>
    %gather3A_1518 = tpu.vector_load_idx %arg6[%add3A_1517, %broadcast_in_dim3A_1514] : memref<128x128xf32, #tpu.memory_space<vmem>>[vector<16xi32>, vector<16xi32>], vector<16xf32>,
    %add3A_1519 = arith.constant 0 : i32
    %add3A_1520 = vector.broadcast %add3A_1519 : i32 to vector<16xi32>
    %add3A_1521 = arith.addi %iota3A, %add3A_1520 : vector<16xi32>
    tpu.vector_store_idx %arg7[%broadcast_in_dim3A_1514, %add3A_1521], %gather3A_1518 : memref<32x128xf32, #tpu.memory_space<vmem>>[vector<16xi32>, vector<16xi32>], vector<16xf32>,
    %add3A_1522 = arith.constant 16 : i32
    %add3A_1523 = vector.broadcast %add3A_1522 : i32 to vector<16xi32>
    %add3A_1524 = arith.addi %iota3A, %add3A_1523 : vector<16xi32>
    %gather3A_1525 = tpu.vector_load_idx %arg6[%add3A_1524, %broadcast_in_dim3A_1514] : memref<128x128xf32, #tpu.memory_space<vmem>>[vector<16xi32>, vector<16xi32>], vector<16xf32>,
    %add3A_1526 = arith.constant 16 : i32
    %add3A_1527 = vector.broadcast %add3A_1526 : i32 to vector<16xi32>
    %add3A_1528 = arith.addi %iota3A, %add3A_1527 : vector<16xi32>
    tpu.vector_store_idx %arg7[%broadcast_in_dim3A_1514, %add3A_1528], %gather3A_1525 : memref<32x128xf32, #tpu.memory_space<vmem>>[vector<16xi32>, vector<16xi32>], vector<16xf32>,
    %add3A_1529 = arith.constant 32 : i32
    %add3A_1530 = vector.broadcast %add3A_1529 : i32 to vector<16xi32>
    %add3A_1531 = arith.addi %iota3A, %add3A_1530 : vector<16xi32>
    %gather3A_1532 = tpu.vector_load_idx %arg6[%add3A_1531, %broadcast_in_dim3A_1514] : memref<128x128xf32, #tpu.memory_space<vmem>>[vector<16xi32>, vector<16xi32>], vector<16xf32>,
    %add3A_1533 = arith.constant 32 : i32
    %add3A_1534 = vector.broadcast %add3A_1533 : i32 to vector<16xi32>
    %add3A_1535 = arith.addi %iota3A, %add3A_1534 : vector<16xi32>
    tpu.vector_store_idx %arg7[%broadcast_in_dim3A_1514, %add3A_1535], %gather3A_1532 : memref<32x128xf32, #tpu.memory_space<vmem>>[vector<16xi32>, vector<16xi32>], vector<16xf32>,
    %add3A_1536 = arith.constant 48 : i32
    %add3A_1537 = vector.broadcast %add3A_1536 : i32 to vector<16xi32>
    %add3A_1538 = arith.addi %iota3A, %add3A_1537 : vector<16xi32>
    %gather3A_1539 = tpu.vector_load_idx %arg6[%add3A_1538, %broadcast_in_dim3A_1514] : memref<128x128xf32, #tpu.memory_space<vmem>>[vector<16xi32>, vector<16xi32>], vector<16xf32>,
    %add3A_1540 = arith.constant 48 : i32
    %add3A_1541 = vector.broadcast %add3A_1540 : i32 to vector<16xi32>
    %add3A_1542 = arith.addi %iota3A, %add3A_1541 : vector<16xi32>
    tpu.vector_store_idx %arg7[%broadcast_in_dim3A_1514, %add3A_1542], %gather3A_1539 : memref<32x128xf32, #tpu.memory_space<vmem>>[vector<16xi32>, vector<16xi32>], vector<16xf32>,
    %add3A_1543 = arith.constant 64 : i32
    %add3A_1544 = vector.broadcast %add3A_1543 : i32 to vector<16xi32>
    %add3A_1545 = arith.addi %iota3A, %add3A_1544 : vector<16xi32>
    %gather3A_1546 = tpu.vector_load_idx %arg6[%add3A_1545, %broadcast_in_dim3A_1514] : memref<128x128xf32, #tpu.memory_space<vmem>>[vector<16xi32>, vector<16xi32>], vector<16xf32>,
    %add3A_1547 = arith.constant 64 : i32
    %add3A_1548 = vector.broadcast %add3A_1547 : i32 to vector<16xi32>
    %add3A_1549 = arith.addi %iota3A, %add3A_1548 : vector<16xi32>
    tpu.vector_store_idx %arg7[%broadcast_in_dim3A_1514, %add3A_1549], %gather3A_1546 : memref<32x128xf32, #tpu.memory_space<vmem>>[vector<16xi32>, vector<16xi32>], vector<16xf32>,
    %add3A_1550 = arith.constant 80 : i32
    %add3A_1551 = vector.broadcast %add3A_1550 : i32 to vector<16xi32>
    %add3A_1552 = arith.addi %iota3A, %add3A_1551 : vector<16xi32>
    %gather3A_1553 = tpu.vector_load_idx %arg6[%add3A_1552, %broadcast_in_dim3A_1514] : memref<128x128xf32, #tpu.memory_space<vmem>>[vector<16xi32>, vector<16xi32>], vector<16xf32>,
    %add3A_1554 = arith.constant 80 : i32
    %add3A_1555 = vector.broadcast %add3A_1554 : i32 to vector<16xi32>
    %add3A_1556 = arith.addi %iota3A, %add3A_1555 : vector<16xi32>
    tpu.vector_store_idx %arg7[%broadcast_in_dim3A_1514, %add3A_1556], %gather3A_1553 : memref<32x128xf32, #tpu.memory_space<vmem>>[vector<16xi32>, vector<16xi32>], vector<16xf32>,
    %add3A_1557 = arith.constant 96 : i32
    %add3A_1558 = vector.broadcast %add3A_1557 : i32 to vector<16xi32>
    %add3A_1559 = arith.addi %iota3A, %add3A_1558 : vector<16xi32>
    %gather3A_1560 = tpu.vector_load_idx %arg6[%add3A_1559, %broadcast_in_dim3A_1514] : memref<128x128xf32, #tpu.memory_space<vmem>>[vector<16xi32>, vector<16xi32>], vector<16xf32>,
    %add3A_1561 = arith.constant 96 : i32
    %add3A_1562 = vector.broadcast %add3A_1561 : i32 to vector<16xi32>
    %add3A_1563 = arith.addi %iota3A, %add3A_1562 : vector<16xi32>
    tpu.vector_store_idx %arg7[%broadcast_in_dim3A_1514, %add3A_1563], %gather3A_1560 : memref<32x128xf32, #tpu.memory_space<vmem>>[vector<16xi32>, vector<16xi32>], vector<16xf32>,
    %add3A_1564 = arith.constant 112 : i32
    %add3A_1565 = vector.broadcast %add3A_1564 : i32 to vector<16xi32>
    %add3A_1566 = arith.addi %iota3A, %add3A_1565 : vector<16xi32>
    %gather3A_1567 = tpu.vector_load_idx %arg6[%add3A_1566, %broadcast_in_dim3A_1514] : memref<128x128xf32, #tpu.memory_space<vmem>>[vector<16xi32>, vector<16xi32>], vector<16xf32>,
    %add3A_1568 = arith.constant 112 : i32
    %add3A_1569 = vector.broadcast %add3A_1568 : i32 to vector<16xi32>
    %add3A_1570 = arith.addi %iota3A, %add3A_1569 : vector<16xi32>
    tpu.vector_store_idx %arg7[%broadcast_in_dim3A_1514, %add3A_1570], %gather3A_1567 : memref<32x128xf32, #tpu.memory_space<vmem>>[vector<16xi32>, vector<16xi32>], vector<16xf32>,
    %broadcast_in_dim3A_1571 = arith.constant 27 : i32
    %broadcast_in_dim3A_1572 = vector.broadcast %broadcast_in_dim3A_1571 : i32 to vector<16xi32>
    %add3A_1573 = arith.constant 0 : i32
    %add3A_1574 = vector.broadcast %add3A_1573 : i32 to vector<16xi32>
    %add3A_1575 = arith.addi %iota3A, %add3A_1574 : vector<16xi32>
    %gather3A_1576 = tpu.vector_load_idx %arg6[%add3A_1575, %broadcast_in_dim3A_1572] : memref<128x128xf32, #tpu.memory_space<vmem>>[vector<16xi32>, vector<16xi32>], vector<16xf32>,
    %add3A_1577 = arith.constant 0 : i32
    %add3A_1578 = vector.broadcast %add3A_1577 : i32 to vector<16xi32>
    %add3A_1579 = arith.addi %iota3A, %add3A_1578 : vector<16xi32>
    tpu.vector_store_idx %arg7[%broadcast_in_dim3A_1572, %add3A_1579], %gather3A_1576 : memref<32x128xf32, #tpu.memory_space<vmem>>[vector<16xi32>, vector<16xi32>], vector<16xf32>,
    %add3A_1580 = arith.constant 16 : i32
    %add3A_1581 = vector.broadcast %add3A_1580 : i32 to vector<16xi32>
    %add3A_1582 = arith.addi %iota3A, %add3A_1581 : vector<16xi32>
    %gather3A_1583 = tpu.vector_load_idx %arg6[%add3A_1582, %broadcast_in_dim3A_1572] : memref<128x128xf32, #tpu.memory_space<vmem>>[vector<16xi32>, vector<16xi32>], vector<16xf32>,
    %add3A_1584 = arith.constant 16 : i32
    %add3A_1585 = vector.broadcast %add3A_1584 : i32 to vector<16xi32>
    %add3A_1586 = arith.addi %iota3A, %add3A_1585 : vector<16xi32>
    tpu.vector_store_idx %arg7[%broadcast_in_dim3A_1572, %add3A_1586], %gather3A_1583 : memref<32x128xf32, #tpu.memory_space<vmem>>[vector<16xi32>, vector<16xi32>], vector<16xf32>,
    %add3A_1587 = arith.constant 32 : i32
    %add3A_1588 = vector.broadcast %add3A_1587 : i32 to vector<16xi32>
    %add3A_1589 = arith.addi %iota3A, %add3A_1588 : vector<16xi32>
    %gather3A_1590 = tpu.vector_load_idx %arg6[%add3A_1589, %broadcast_in_dim3A_1572] : memref<128x128xf32, #tpu.memory_space<vmem>>[vector<16xi32>, vector<16xi32>], vector<16xf32>,
    %add3A_1591 = arith.constant 32 : i32
    %add3A_1592 = vector.broadcast %add3A_1591 : i32 to vector<16xi32>
    %add3A_1593 = arith.addi %iota3A, %add3A_1592 : vector<16xi32>
    tpu.vector_store_idx %arg7[%broadcast_in_dim3A_1572, %add3A_1593], %gather3A_1590 : memref<32x128xf32, #tpu.memory_space<vmem>>[vector<16xi32>, vector<16xi32>], vector<16xf32>,
    %add3A_1594 = arith.constant 48 : i32
    %add3A_1595 = vector.broadcast %add3A_1594 : i32 to vector<16xi32>
    %add3A_1596 = arith.addi %iota3A, %add3A_1595 : vector<16xi32>
    %gather3A_1597 = tpu.vector_load_idx %arg6[%add3A_1596, %broadcast_in_dim3A_1572] : memref<128x128xf32, #tpu.memory_space<vmem>>[vector<16xi32>, vector<16xi32>], vector<16xf32>,
    %add3A_1598 = arith.constant 48 : i32
    %add3A_1599 = vector.broadcast %add3A_1598 : i32 to vector<16xi32>
    %add3A_1600 = arith.addi %iota3A, %add3A_1599 : vector<16xi32>
    tpu.vector_store_idx %arg7[%broadcast_in_dim3A_1572, %add3A_1600], %gather3A_1597 : memref<32x128xf32, #tpu.memory_space<vmem>>[vector<16xi32>, vector<16xi32>], vector<16xf32>,
    %add3A_1601 = arith.constant 64 : i32
    %add3A_1602 = vector.broadcast %add3A_1601 : i32 to vector<16xi32>
    %add3A_1603 = arith.addi %iota3A, %add3A_1602 : vector<16xi32>
    %gather3A_1604 = tpu.vector_load_idx %arg6[%add3A_1603, %broadcast_in_dim3A_1572] : memref<128x128xf32, #tpu.memory_space<vmem>>[vector<16xi32>, vector<16xi32>], vector<16xf32>,
    %add3A_1605 = arith.constant 64 : i32
    %add3A_1606 = vector.broadcast %add3A_1605 : i32 to vector<16xi32>
    %add3A_1607 = arith.addi %iota3A, %add3A_1606 : vector<16xi32>
    tpu.vector_store_idx %arg7[%broadcast_in_dim3A_1572, %add3A_1607], %gather3A_1604 : memref<32x128xf32, #tpu.memory_space<vmem>>[vector<16xi32>, vector<16xi32>], vector<16xf32>,
    %add3A_1608 = arith.constant 80 : i32
    %add3A_1609 = vector.broadcast %add3A_1608 : i32 to vector<16xi32>
    %add3A_1610 = arith.addi %iota3A, %add3A_1609 : vector<16xi32>
    %gather3A_1611 = tpu.vector_load_idx %arg6[%add3A_1610, %broadcast_in_dim3A_1572] : memref<128x128xf32, #tpu.memory_space<vmem>>[vector<16xi32>, vector<16xi32>], vector<16xf32>,
    %add3A_1612 = arith.constant 80 : i32
    %add3A_1613 = vector.broadcast %add3A_1612 : i32 to vector<16xi32>
    %add3A_1614 = arith.addi %iota3A, %add3A_1613 : vector<16xi32>
    tpu.vector_store_idx %arg7[%broadcast_in_dim3A_1572, %add3A_1614], %gather3A_1611 : memref<32x128xf32, #tpu.memory_space<vmem>>[vector<16xi32>, vector<16xi32>], vector<16xf32>,
    %add3A_1615 = arith.constant 96 : i32
    %add3A_1616 = vector.broadcast %add3A_1615 : i32 to vector<16xi32>
    %add3A_1617 = arith.addi %iota3A, %add3A_1616 : vector<16xi32>
    %gather3A_1618 = tpu.vector_load_idx %arg6[%add3A_1617, %broadcast_in_dim3A_1572] : memref<128x128xf32, #tpu.memory_space<vmem>>[vector<16xi32>, vector<16xi32>], vector<16xf32>,
    %add3A_1619 = arith.constant 96 : i32
    %add3A_1620 = vector.broadcast %add3A_1619 : i32 to vector<16xi32>
    %add3A_1621 = arith.addi %iota3A, %add3A_1620 : vector<16xi32>
    tpu.vector_store_idx %arg7[%broadcast_in_dim3A_1572, %add3A_1621], %gather3A_1618 : memref<32x128xf32, #tpu.memory_space<vmem>>[vector<16xi32>, vector<16xi32>], vector<16xf32>,
    %add3A_1622 = arith.constant 112 : i32
    %add3A_1623 = vector.broadcast %add3A_1622 : i32 to vector<16xi32>
    %add3A_1624 = arith.addi %iota3A, %add3A_1623 : vector<16xi32>
    %gather3A_1625 = tpu.vector_load_idx %arg6[%add3A_1624, %broadcast_in_dim3A_1572] : memref<128x128xf32, #tpu.memory_space<vmem>>[vector<16xi32>, vector<16xi32>], vector<16xf32>,
    %add3A_1626 = arith.constant 112 : i32
    %add3A_1627 = vector.broadcast %add3A_1626 : i32 to vector<16xi32>
    %add3A_1628 = arith.addi %iota3A, %add3A_1627 : vector<16xi32>
    tpu.vector_store_idx %arg7[%broadcast_in_dim3A_1572, %add3A_1628], %gather3A_1625 : memref<32x128xf32, #tpu.memory_space<vmem>>[vector<16xi32>, vector<16xi32>], vector<16xf32>,
    %broadcast_in_dim3A_1629 = arith.constant 28 : i32
    %broadcast_in_dim3A_1630 = vector.broadcast %broadcast_in_dim3A_1629 : i32 to vector<16xi32>
    %add3A_1631 = arith.constant 0 : i32
    %add3A_1632 = vector.broadcast %add3A_1631 : i32 to vector<16xi32>
    %add3A_1633 = arith.addi %iota3A, %add3A_1632 : vector<16xi32>
    %gather3A_1634 = tpu.vector_load_idx %arg6[%add3A_1633, %broadcast_in_dim3A_1630] : memref<128x128xf32, #tpu.memory_space<vmem>>[vector<16xi32>, vector<16xi32>], vector<16xf32>,
    %add3A_1635 = arith.constant 0 : i32
    %add3A_1636 = vector.broadcast %add3A_1635 : i32 to vector<16xi32>
    %add3A_1637 = arith.addi %iota3A, %add3A_1636 : vector<16xi32>
    tpu.vector_store_idx %arg7[%broadcast_in_dim3A_1630, %add3A_1637], %gather3A_1634 : memref<32x128xf32, #tpu.memory_space<vmem>>[vector<16xi32>, vector<16xi32>], vector<16xf32>,
    %add3A_1638 = arith.constant 16 : i32
    %add3A_1639 = vector.broadcast %add3A_1638 : i32 to vector<16xi32>
    %add3A_1640 = arith.addi %iota3A, %add3A_1639 : vector<16xi32>
    %gather3A_1641 = tpu.vector_load_idx %arg6[%add3A_1640, %broadcast_in_dim3A_1630] : memref<128x128xf32, #tpu.memory_space<vmem>>[vector<16xi32>, vector<16xi32>], vector<16xf32>,
    %add3A_1642 = arith.constant 16 : i32
    %add3A_1643 = vector.broadcast %add3A_1642 : i32 to vector<16xi32>
    %add3A_1644 = arith.addi %iota3A, %add3A_1643 : vector<16xi32>
    tpu.vector_store_idx %arg7[%broadcast_in_dim3A_1630, %add3A_1644], %gather3A_1641 : memref<32x128xf32, #tpu.memory_space<vmem>>[vector<16xi32>, vector<16xi32>], vector<16xf32>,
    %add3A_1645 = arith.constant 32 : i32
    %add3A_1646 = vector.broadcast %add3A_1645 : i32 to vector<16xi32>
    %add3A_1647 = arith.addi %iota3A, %add3A_1646 : vector<16xi32>
    %gather3A_1648 = tpu.vector_load_idx %arg6[%add3A_1647, %broadcast_in_dim3A_1630] : memref<128x128xf32, #tpu.memory_space<vmem>>[vector<16xi32>, vector<16xi32>], vector<16xf32>,
    %add3A_1649 = arith.constant 32 : i32
    %add3A_1650 = vector.broadcast %add3A_1649 : i32 to vector<16xi32>
    %add3A_1651 = arith.addi %iota3A, %add3A_1650 : vector<16xi32>
    tpu.vector_store_idx %arg7[%broadcast_in_dim3A_1630, %add3A_1651], %gather3A_1648 : memref<32x128xf32, #tpu.memory_space<vmem>>[vector<16xi32>, vector<16xi32>], vector<16xf32>,
    %add3A_1652 = arith.constant 48 : i32
    %add3A_1653 = vector.broadcast %add3A_1652 : i32 to vector<16xi32>
    %add3A_1654 = arith.addi %iota3A, %add3A_1653 : vector<16xi32>
    %gather3A_1655 = tpu.vector_load_idx %arg6[%add3A_1654, %broadcast_in_dim3A_1630] : memref<128x128xf32, #tpu.memory_space<vmem>>[vector<16xi32>, vector<16xi32>], vector<16xf32>,
    %add3A_1656 = arith.constant 48 : i32
    %add3A_1657 = vector.broadcast %add3A_1656 : i32 to vector<16xi32>
    %add3A_1658 = arith.addi %iota3A, %add3A_1657 : vector<16xi32>
    tpu.vector_store_idx %arg7[%broadcast_in_dim3A_1630, %add3A_1658], %gather3A_1655 : memref<32x128xf32, #tpu.memory_space<vmem>>[vector<16xi32>, vector<16xi32>], vector<16xf32>,
    %add3A_1659 = arith.constant 64 : i32
    %add3A_1660 = vector.broadcast %add3A_1659 : i32 to vector<16xi32>
    %add3A_1661 = arith.addi %iota3A, %add3A_1660 : vector<16xi32>
    %gather3A_1662 = tpu.vector_load_idx %arg6[%add3A_1661, %broadcast_in_dim3A_1630] : memref<128x128xf32, #tpu.memory_space<vmem>>[vector<16xi32>, vector<16xi32>], vector<16xf32>,
    %add3A_1663 = arith.constant 64 : i32
    %add3A_1664 = vector.broadcast %add3A_1663 : i32 to vector<16xi32>
    %add3A_1665 = arith.addi %iota3A, %add3A_1664 : vector<16xi32>
    tpu.vector_store_idx %arg7[%broadcast_in_dim3A_1630, %add3A_1665], %gather3A_1662 : memref<32x128xf32, #tpu.memory_space<vmem>>[vector<16xi32>, vector<16xi32>], vector<16xf32>,
    %add3A_1666 = arith.constant 80 : i32
    %add3A_1667 = vector.broadcast %add3A_1666 : i32 to vector<16xi32>
    %add3A_1668 = arith.addi %iota3A, %add3A_1667 : vector<16xi32>
    %gather3A_1669 = tpu.vector_load_idx %arg6[%add3A_1668, %broadcast_in_dim3A_1630] : memref<128x128xf32, #tpu.memory_space<vmem>>[vector<16xi32>, vector<16xi32>], vector<16xf32>,
    %add3A_1670 = arith.constant 80 : i32
    %add3A_1671 = vector.broadcast %add3A_1670 : i32 to vector<16xi32>
    %add3A_1672 = arith.addi %iota3A, %add3A_1671 : vector<16xi32>
    tpu.vector_store_idx %arg7[%broadcast_in_dim3A_1630, %add3A_1672], %gather3A_1669 : memref<32x128xf32, #tpu.memory_space<vmem>>[vector<16xi32>, vector<16xi32>], vector<16xf32>,
    %add3A_1673 = arith.constant 96 : i32
    %add3A_1674 = vector.broadcast %add3A_1673 : i32 to vector<16xi32>
    %add3A_1675 = arith.addi %iota3A, %add3A_1674 : vector<16xi32>
    %gather3A_1676 = tpu.vector_load_idx %arg6[%add3A_1675, %broadcast_in_dim3A_1630] : memref<128x128xf32, #tpu.memory_space<vmem>>[vector<16xi32>, vector<16xi32>], vector<16xf32>,
    %add3A_1677 = arith.constant 96 : i32
    %add3A_1678 = vector.broadcast %add3A_1677 : i32 to vector<16xi32>
    %add3A_1679 = arith.addi %iota3A, %add3A_1678 : vector<16xi32>
    tpu.vector_store_idx %arg7[%broadcast_in_dim3A_1630, %add3A_1679], %gather3A_1676 : memref<32x128xf32, #tpu.memory_space<vmem>>[vector<16xi32>, vector<16xi32>], vector<16xf32>,
    %add3A_1680 = arith.constant 112 : i32
    %add3A_1681 = vector.broadcast %add3A_1680 : i32 to vector<16xi32>
    %add3A_1682 = arith.addi %iota3A, %add3A_1681 : vector<16xi32>
    %gather3A_1683 = tpu.vector_load_idx %arg6[%add3A_1682, %broadcast_in_dim3A_1630] : memref<128x128xf32, #tpu.memory_space<vmem>>[vector<16xi32>, vector<16xi32>], vector<16xf32>,
    %add3A_1684 = arith.constant 112 : i32
    %add3A_1685 = vector.broadcast %add3A_1684 : i32 to vector<16xi32>
    %add3A_1686 = arith.addi %iota3A, %add3A_1685 : vector<16xi32>
    tpu.vector_store_idx %arg7[%broadcast_in_dim3A_1630, %add3A_1686], %gather3A_1683 : memref<32x128xf32, #tpu.memory_space<vmem>>[vector<16xi32>, vector<16xi32>], vector<16xf32>,
    %broadcast_in_dim3A_1687 = arith.constant 29 : i32
    %broadcast_in_dim3A_1688 = vector.broadcast %broadcast_in_dim3A_1687 : i32 to vector<16xi32>
    %add3A_1689 = arith.constant 0 : i32
    %add3A_1690 = vector.broadcast %add3A_1689 : i32 to vector<16xi32>
    %add3A_1691 = arith.addi %iota3A, %add3A_1690 : vector<16xi32>
    %gather3A_1692 = tpu.vector_load_idx %arg6[%add3A_1691, %broadcast_in_dim3A_1688] : memref<128x128xf32, #tpu.memory_space<vmem>>[vector<16xi32>, vector<16xi32>], vector<16xf32>,
    %add3A_1693 = arith.constant 0 : i32
    %add3A_1694 = vector.broadcast %add3A_1693 : i32 to vector<16xi32>
    %add3A_1695 = arith.addi %iota3A, %add3A_1694 : vector<16xi32>
    tpu.vector_store_idx %arg7[%broadcast_in_dim3A_1688, %add3A_1695], %gather3A_1692 : memref<32x128xf32, #tpu.memory_space<vmem>>[vector<16xi32>, vector<16xi32>], vector<16xf32>,
    %add3A_1696 = arith.constant 16 : i32
    %add3A_1697 = vector.broadcast %add3A_1696 : i32 to vector<16xi32>
    %add3A_1698 = arith.addi %iota3A, %add3A_1697 : vector<16xi32>
    %gather3A_1699 = tpu.vector_load_idx %arg6[%add3A_1698, %broadcast_in_dim3A_1688] : memref<128x128xf32, #tpu.memory_space<vmem>>[vector<16xi32>, vector<16xi32>], vector<16xf32>,
    %add3A_1700 = arith.constant 16 : i32
    %add3A_1701 = vector.broadcast %add3A_1700 : i32 to vector<16xi32>
    %add3A_1702 = arith.addi %iota3A, %add3A_1701 : vector<16xi32>
    tpu.vector_store_idx %arg7[%broadcast_in_dim3A_1688, %add3A_1702], %gather3A_1699 : memref<32x128xf32, #tpu.memory_space<vmem>>[vector<16xi32>, vector<16xi32>], vector<16xf32>,
    %add3A_1703 = arith.constant 32 : i32
    %add3A_1704 = vector.broadcast %add3A_1703 : i32 to vector<16xi32>
    %add3A_1705 = arith.addi %iota3A, %add3A_1704 : vector<16xi32>
    %gather3A_1706 = tpu.vector_load_idx %arg6[%add3A_1705, %broadcast_in_dim3A_1688] : memref<128x128xf32, #tpu.memory_space<vmem>>[vector<16xi32>, vector<16xi32>], vector<16xf32>,
    %add3A_1707 = arith.constant 32 : i32
    %add3A_1708 = vector.broadcast %add3A_1707 : i32 to vector<16xi32>
    %add3A_1709 = arith.addi %iota3A, %add3A_1708 : vector<16xi32>
    tpu.vector_store_idx %arg7[%broadcast_in_dim3A_1688, %add3A_1709], %gather3A_1706 : memref<32x128xf32, #tpu.memory_space<vmem>>[vector<16xi32>, vector<16xi32>], vector<16xf32>,
    %add3A_1710 = arith.constant 48 : i32
    %add3A_1711 = vector.broadcast %add3A_1710 : i32 to vector<16xi32>
    %add3A_1712 = arith.addi %iota3A, %add3A_1711 : vector<16xi32>
    %gather3A_1713 = tpu.vector_load_idx %arg6[%add3A_1712, %broadcast_in_dim3A_1688] : memref<128x128xf32, #tpu.memory_space<vmem>>[vector<16xi32>, vector<16xi32>], vector<16xf32>,
    %add3A_1714 = arith.constant 48 : i32
    %add3A_1715 = vector.broadcast %add3A_1714 : i32 to vector<16xi32>
    %add3A_1716 = arith.addi %iota3A, %add3A_1715 : vector<16xi32>
    tpu.vector_store_idx %arg7[%broadcast_in_dim3A_1688, %add3A_1716], %gather3A_1713 : memref<32x128xf32, #tpu.memory_space<vmem>>[vector<16xi32>, vector<16xi32>], vector<16xf32>,
    %add3A_1717 = arith.constant 64 : i32
    %add3A_1718 = vector.broadcast %add3A_1717 : i32 to vector<16xi32>
    %add3A_1719 = arith.addi %iota3A, %add3A_1718 : vector<16xi32>
    %gather3A_1720 = tpu.vector_load_idx %arg6[%add3A_1719, %broadcast_in_dim3A_1688] : memref<128x128xf32, #tpu.memory_space<vmem>>[vector<16xi32>, vector<16xi32>], vector<16xf32>,
    %add3A_1721 = arith.constant 64 : i32
    %add3A_1722 = vector.broadcast %add3A_1721 : i32 to vector<16xi32>
    %add3A_1723 = arith.addi %iota3A, %add3A_1722 : vector<16xi32>
    tpu.vector_store_idx %arg7[%broadcast_in_dim3A_1688, %add3A_1723], %gather3A_1720 : memref<32x128xf32, #tpu.memory_space<vmem>>[vector<16xi32>, vector<16xi32>], vector<16xf32>,
    %add3A_1724 = arith.constant 80 : i32
    %add3A_1725 = vector.broadcast %add3A_1724 : i32 to vector<16xi32>
    %add3A_1726 = arith.addi %iota3A, %add3A_1725 : vector<16xi32>
    %gather3A_1727 = tpu.vector_load_idx %arg6[%add3A_1726, %broadcast_in_dim3A_1688] : memref<128x128xf32, #tpu.memory_space<vmem>>[vector<16xi32>, vector<16xi32>], vector<16xf32>,
    %add3A_1728 = arith.constant 80 : i32
    %add3A_1729 = vector.broadcast %add3A_1728 : i32 to vector<16xi32>
    %add3A_1730 = arith.addi %iota3A, %add3A_1729 : vector<16xi32>
    tpu.vector_store_idx %arg7[%broadcast_in_dim3A_1688, %add3A_1730], %gather3A_1727 : memref<32x128xf32, #tpu.memory_space<vmem>>[vector<16xi32>, vector<16xi32>], vector<16xf32>,
    %add3A_1731 = arith.constant 96 : i32
    %add3A_1732 = vector.broadcast %add3A_1731 : i32 to vector<16xi32>
    %add3A_1733 = arith.addi %iota3A, %add3A_1732 : vector<16xi32>
    %gather3A_1734 = tpu.vector_load_idx %arg6[%add3A_1733, %broadcast_in_dim3A_1688] : memref<128x128xf32, #tpu.memory_space<vmem>>[vector<16xi32>, vector<16xi32>], vector<16xf32>,
    %add3A_1735 = arith.constant 96 : i32
    %add3A_1736 = vector.broadcast %add3A_1735 : i32 to vector<16xi32>
    %add3A_1737 = arith.addi %iota3A, %add3A_1736 : vector<16xi32>
    tpu.vector_store_idx %arg7[%broadcast_in_dim3A_1688, %add3A_1737], %gather3A_1734 : memref<32x128xf32, #tpu.memory_space<vmem>>[vector<16xi32>, vector<16xi32>], vector<16xf32>,
    %add3A_1738 = arith.constant 112 : i32
    %add3A_1739 = vector.broadcast %add3A_1738 : i32 to vector<16xi32>
    %add3A_1740 = arith.addi %iota3A, %add3A_1739 : vector<16xi32>
    %gather3A_1741 = tpu.vector_load_idx %arg6[%add3A_1740, %broadcast_in_dim3A_1688] : memref<128x128xf32, #tpu.memory_space<vmem>>[vector<16xi32>, vector<16xi32>], vector<16xf32>,
    %add3A_1742 = arith.constant 112 : i32
    %add3A_1743 = vector.broadcast %add3A_1742 : i32 to vector<16xi32>
    %add3A_1744 = arith.addi %iota3A, %add3A_1743 : vector<16xi32>
    tpu.vector_store_idx %arg7[%broadcast_in_dim3A_1688, %add3A_1744], %gather3A_1741 : memref<32x128xf32, #tpu.memory_space<vmem>>[vector<16xi32>, vector<16xi32>], vector<16xf32>,
    %broadcast_in_dim3A_1745 = arith.constant 30 : i32
    %broadcast_in_dim3A_1746 = vector.broadcast %broadcast_in_dim3A_1745 : i32 to vector<16xi32>
    %add3A_1747 = arith.constant 0 : i32
    %add3A_1748 = vector.broadcast %add3A_1747 : i32 to vector<16xi32>
    %add3A_1749 = arith.addi %iota3A, %add3A_1748 : vector<16xi32>
    %gather3A_1750 = tpu.vector_load_idx %arg6[%add3A_1749, %broadcast_in_dim3A_1746] : memref<128x128xf32, #tpu.memory_space<vmem>>[vector<16xi32>, vector<16xi32>], vector<16xf32>,
    %add3A_1751 = arith.constant 0 : i32
    %add3A_1752 = vector.broadcast %add3A_1751 : i32 to vector<16xi32>
    %add3A_1753 = arith.addi %iota3A, %add3A_1752 : vector<16xi32>
    tpu.vector_store_idx %arg7[%broadcast_in_dim3A_1746, %add3A_1753], %gather3A_1750 : memref<32x128xf32, #tpu.memory_space<vmem>>[vector<16xi32>, vector<16xi32>], vector<16xf32>,
    %add3A_1754 = arith.constant 16 : i32
    %add3A_1755 = vector.broadcast %add3A_1754 : i32 to vector<16xi32>
    %add3A_1756 = arith.addi %iota3A, %add3A_1755 : vector<16xi32>
    %gather3A_1757 = tpu.vector_load_idx %arg6[%add3A_1756, %broadcast_in_dim3A_1746] : memref<128x128xf32, #tpu.memory_space<vmem>>[vector<16xi32>, vector<16xi32>], vector<16xf32>,
    %add3A_1758 = arith.constant 16 : i32
    %add3A_1759 = vector.broadcast %add3A_1758 : i32 to vector<16xi32>
    %add3A_1760 = arith.addi %iota3A, %add3A_1759 : vector<16xi32>
    tpu.vector_store_idx %arg7[%broadcast_in_dim3A_1746, %add3A_1760], %gather3A_1757 : memref<32x128xf32, #tpu.memory_space<vmem>>[vector<16xi32>, vector<16xi32>], vector<16xf32>,
    %add3A_1761 = arith.constant 32 : i32
    %add3A_1762 = vector.broadcast %add3A_1761 : i32 to vector<16xi32>
    %add3A_1763 = arith.addi %iota3A, %add3A_1762 : vector<16xi32>
    %gather3A_1764 = tpu.vector_load_idx %arg6[%add3A_1763, %broadcast_in_dim3A_1746] : memref<128x128xf32, #tpu.memory_space<vmem>>[vector<16xi32>, vector<16xi32>], vector<16xf32>,
    %add3A_1765 = arith.constant 32 : i32
    %add3A_1766 = vector.broadcast %add3A_1765 : i32 to vector<16xi32>
    %add3A_1767 = arith.addi %iota3A, %add3A_1766 : vector<16xi32>
    tpu.vector_store_idx %arg7[%broadcast_in_dim3A_1746, %add3A_1767], %gather3A_1764 : memref<32x128xf32, #tpu.memory_space<vmem>>[vector<16xi32>, vector<16xi32>], vector<16xf32>,
    %add3A_1768 = arith.constant 48 : i32
    %add3A_1769 = vector.broadcast %add3A_1768 : i32 to vector<16xi32>
    %add3A_1770 = arith.addi %iota3A, %add3A_1769 : vector<16xi32>
    %gather3A_1771 = tpu.vector_load_idx %arg6[%add3A_1770, %broadcast_in_dim3A_1746] : memref<128x128xf32, #tpu.memory_space<vmem>>[vector<16xi32>, vector<16xi32>], vector<16xf32>,
    %add3A_1772 = arith.constant 48 : i32
    %add3A_1773 = vector.broadcast %add3A_1772 : i32 to vector<16xi32>
    %add3A_1774 = arith.addi %iota3A, %add3A_1773 : vector<16xi32>
    tpu.vector_store_idx %arg7[%broadcast_in_dim3A_1746, %add3A_1774], %gather3A_1771 : memref<32x128xf32, #tpu.memory_space<vmem>>[vector<16xi32>, vector<16xi32>], vector<16xf32>,
    %add3A_1775 = arith.constant 64 : i32
    %add3A_1776 = vector.broadcast %add3A_1775 : i32 to vector<16xi32>
    %add3A_1777 = arith.addi %iota3A, %add3A_1776 : vector<16xi32>
    %gather3A_1778 = tpu.vector_load_idx %arg6[%add3A_1777, %broadcast_in_dim3A_1746] : memref<128x128xf32, #tpu.memory_space<vmem>>[vector<16xi32>, vector<16xi32>], vector<16xf32>,
    %add3A_1779 = arith.constant 64 : i32
    %add3A_1780 = vector.broadcast %add3A_1779 : i32 to vector<16xi32>
    %add3A_1781 = arith.addi %iota3A, %add3A_1780 : vector<16xi32>
    tpu.vector_store_idx %arg7[%broadcast_in_dim3A_1746, %add3A_1781], %gather3A_1778 : memref<32x128xf32, #tpu.memory_space<vmem>>[vector<16xi32>, vector<16xi32>], vector<16xf32>,
    %add3A_1782 = arith.constant 80 : i32
    %add3A_1783 = vector.broadcast %add3A_1782 : i32 to vector<16xi32>
    %add3A_1784 = arith.addi %iota3A, %add3A_1783 : vector<16xi32>
    %gather3A_1785 = tpu.vector_load_idx %arg6[%add3A_1784, %broadcast_in_dim3A_1746] : memref<128x128xf32, #tpu.memory_space<vmem>>[vector<16xi32>, vector<16xi32>], vector<16xf32>,
    %add3A_1786 = arith.constant 80 : i32
    %add3A_1787 = vector.broadcast %add3A_1786 : i32 to vector<16xi32>
    %add3A_1788 = arith.addi %iota3A, %add3A_1787 : vector<16xi32>
    tpu.vector_store_idx %arg7[%broadcast_in_dim3A_1746, %add3A_1788], %gather3A_1785 : memref<32x128xf32, #tpu.memory_space<vmem>>[vector<16xi32>, vector<16xi32>], vector<16xf32>,
    %add3A_1789 = arith.constant 96 : i32
    %add3A_1790 = vector.broadcast %add3A_1789 : i32 to vector<16xi32>
    %add3A_1791 = arith.addi %iota3A, %add3A_1790 : vector<16xi32>
    %gather3A_1792 = tpu.vector_load_idx %arg6[%add3A_1791, %broadcast_in_dim3A_1746] : memref<128x128xf32, #tpu.memory_space<vmem>>[vector<16xi32>, vector<16xi32>], vector<16xf32>,
    %add3A_1793 = arith.constant 96 : i32
    %add3A_1794 = vector.broadcast %add3A_1793 : i32 to vector<16xi32>
    %add3A_1795 = arith.addi %iota3A, %add3A_1794 : vector<16xi32>
    tpu.vector_store_idx %arg7[%broadcast_in_dim3A_1746, %add3A_1795], %gather3A_1792 : memref<32x128xf32, #tpu.memory_space<vmem>>[vector<16xi32>, vector<16xi32>], vector<16xf32>,
    %add3A_1796 = arith.constant 112 : i32
    %add3A_1797 = vector.broadcast %add3A_1796 : i32 to vector<16xi32>
    %add3A_1798 = arith.addi %iota3A, %add3A_1797 : vector<16xi32>
    %gather3A_1799 = tpu.vector_load_idx %arg6[%add3A_1798, %broadcast_in_dim3A_1746] : memref<128x128xf32, #tpu.memory_space<vmem>>[vector<16xi32>, vector<16xi32>], vector<16xf32>,
    %add3A_1800 = arith.constant 112 : i32
    %add3A_1801 = vector.broadcast %add3A_1800 : i32 to vector<16xi32>
    %add3A_1802 = arith.addi %iota3A, %add3A_1801 : vector<16xi32>
    tpu.vector_store_idx %arg7[%broadcast_in_dim3A_1746, %add3A_1802], %gather3A_1799 : memref<32x128xf32, #tpu.memory_space<vmem>>[vector<16xi32>, vector<16xi32>], vector<16xf32>,
    %broadcast_in_dim3A_1803 = arith.constant 31 : i32
    %broadcast_in_dim3A_1804 = vector.broadcast %broadcast_in_dim3A_1803 : i32 to vector<16xi32>
    %add3A_1805 = arith.constant 0 : i32
    %add3A_1806 = vector.broadcast %add3A_1805 : i32 to vector<16xi32>
    %add3A_1807 = arith.addi %iota3A, %add3A_1806 : vector<16xi32>
    %gather3A_1808 = tpu.vector_load_idx %arg6[%add3A_1807, %broadcast_in_dim3A_1804] : memref<128x128xf32, #tpu.memory_space<vmem>>[vector<16xi32>, vector<16xi32>], vector<16xf32>,
    %add3A_1809 = arith.constant 0 : i32
    %add3A_1810 = vector.broadcast %add3A_1809 : i32 to vector<16xi32>
    %add3A_1811 = arith.addi %iota3A, %add3A_1810 : vector<16xi32>
    tpu.vector_store_idx %arg7[%broadcast_in_dim3A_1804, %add3A_1811], %gather3A_1808 : memref<32x128xf32, #tpu.memory_space<vmem>>[vector<16xi32>, vector<16xi32>], vector<16xf32>,
    %add3A_1812 = arith.constant 16 : i32
    %add3A_1813 = vector.broadcast %add3A_1812 : i32 to vector<16xi32>
    %add3A_1814 = arith.addi %iota3A, %add3A_1813 : vector<16xi32>
    %gather3A_1815 = tpu.vector_load_idx %arg6[%add3A_1814, %broadcast_in_dim3A_1804] : memref<128x128xf32, #tpu.memory_space<vmem>>[vector<16xi32>, vector<16xi32>], vector<16xf32>,
    %add3A_1816 = arith.constant 16 : i32
    %add3A_1817 = vector.broadcast %add3A_1816 : i32 to vector<16xi32>
    %add3A_1818 = arith.addi %iota3A, %add3A_1817 : vector<16xi32>
    tpu.vector_store_idx %arg7[%broadcast_in_dim3A_1804, %add3A_1818], %gather3A_1815 : memref<32x128xf32, #tpu.memory_space<vmem>>[vector<16xi32>, vector<16xi32>], vector<16xf32>,
    %add3A_1819 = arith.constant 32 : i32
    %add3A_1820 = vector.broadcast %add3A_1819 : i32 to vector<16xi32>
    %add3A_1821 = arith.addi %iota3A, %add3A_1820 : vector<16xi32>
    %gather3A_1822 = tpu.vector_load_idx %arg6[%add3A_1821, %broadcast_in_dim3A_1804] : memref<128x128xf32, #tpu.memory_space<vmem>>[vector<16xi32>, vector<16xi32>], vector<16xf32>,
    %add3A_1823 = arith.constant 32 : i32
    %add3A_1824 = vector.broadcast %add3A_1823 : i32 to vector<16xi32>
    %add3A_1825 = arith.addi %iota3A, %add3A_1824 : vector<16xi32>
    tpu.vector_store_idx %arg7[%broadcast_in_dim3A_1804, %add3A_1825], %gather3A_1822 : memref<32x128xf32, #tpu.memory_space<vmem>>[vector<16xi32>, vector<16xi32>], vector<16xf32>,
    %add3A_1826 = arith.constant 48 : i32
    %add3A_1827 = vector.broadcast %add3A_1826 : i32 to vector<16xi32>
    %add3A_1828 = arith.addi %iota3A, %add3A_1827 : vector<16xi32>
    %gather3A_1829 = tpu.vector_load_idx %arg6[%add3A_1828, %broadcast_in_dim3A_1804] : memref<128x128xf32, #tpu.memory_space<vmem>>[vector<16xi32>, vector<16xi32>], vector<16xf32>,
    %add3A_1830 = arith.constant 48 : i32
    %add3A_1831 = vector.broadcast %add3A_1830 : i32 to vector<16xi32>
    %add3A_1832 = arith.addi %iota3A, %add3A_1831 : vector<16xi32>
    tpu.vector_store_idx %arg7[%broadcast_in_dim3A_1804, %add3A_1832], %gather3A_1829 : memref<32x128xf32, #tpu.memory_space<vmem>>[vector<16xi32>, vector<16xi32>], vector<16xf32>,
    %add3A_1833 = arith.constant 64 : i32
    %add3A_1834 = vector.broadcast %add3A_1833 : i32 to vector<16xi32>
    %add3A_1835 = arith.addi %iota3A, %add3A_1834 : vector<16xi32>
    %gather3A_1836 = tpu.vector_load_idx %arg6[%add3A_1835, %broadcast_in_dim3A_1804] : memref<128x128xf32, #tpu.memory_space<vmem>>[vector<16xi32>, vector<16xi32>], vector<16xf32>,
    %add3A_1837 = arith.constant 64 : i32
    %add3A_1838 = vector.broadcast %add3A_1837 : i32 to vector<16xi32>
    %add3A_1839 = arith.addi %iota3A, %add3A_1838 : vector<16xi32>
    tpu.vector_store_idx %arg7[%broadcast_in_dim3A_1804, %add3A_1839], %gather3A_1836 : memref<32x128xf32, #tpu.memory_space<vmem>>[vector<16xi32>, vector<16xi32>], vector<16xf32>,
    %add3A_1840 = arith.constant 80 : i32
    %add3A_1841 = vector.broadcast %add3A_1840 : i32 to vector<16xi32>
    %add3A_1842 = arith.addi %iota3A, %add3A_1841 : vector<16xi32>
    %gather3A_1843 = tpu.vector_load_idx %arg6[%add3A_1842, %broadcast_in_dim3A_1804] : memref<128x128xf32, #tpu.memory_space<vmem>>[vector<16xi32>, vector<16xi32>], vector<16xf32>,
    %add3A_1844 = arith.constant 80 : i32
    %add3A_1845 = vector.broadcast %add3A_1844 : i32 to vector<16xi32>
    %add3A_1846 = arith.addi %iota3A, %add3A_1845 : vector<16xi32>
    tpu.vector_store_idx %arg7[%broadcast_in_dim3A_1804, %add3A_1846], %gather3A_1843 : memref<32x128xf32, #tpu.memory_space<vmem>>[vector<16xi32>, vector<16xi32>], vector<16xf32>,
    %add3A_1847 = arith.constant 96 : i32
    %add3A_1848 = vector.broadcast %add3A_1847 : i32 to vector<16xi32>
    %add3A_1849 = arith.addi %iota3A, %add3A_1848 : vector<16xi32>
    %gather3A_1850 = tpu.vector_load_idx %arg6[%add3A_1849, %broadcast_in_dim3A_1804] : memref<128x128xf32, #tpu.memory_space<vmem>>[vector<16xi32>, vector<16xi32>], vector<16xf32>,
    %add3A_1851 = arith.constant 96 : i32
    %add3A_1852 = vector.broadcast %add3A_1851 : i32 to vector<16xi32>
    %add3A_1853 = arith.addi %iota3A, %add3A_1852 : vector<16xi32>
    tpu.vector_store_idx %arg7[%broadcast_in_dim3A_1804, %add3A_1853], %gather3A_1850 : memref<32x128xf32, #tpu.memory_space<vmem>>[vector<16xi32>, vector<16xi32>], vector<16xf32>,
    %add3A_1854 = arith.constant 112 : i32
    %add3A_1855 = vector.broadcast %add3A_1854 : i32 to vector<16xi32>
    %add3A_1856 = arith.addi %iota3A, %add3A_1855 : vector<16xi32>
    %gather3A_1857 = tpu.vector_load_idx %arg6[%add3A_1856, %broadcast_in_dim3A_1804] : memref<128x128xf32, #tpu.memory_space<vmem>>[vector<16xi32>, vector<16xi32>], vector<16xf32>,
    %add3A_1858 = arith.constant 112 : i32
    %add3A_1859 = vector.broadcast %add3A_1858 : i32 to vector<16xi32>
    %add3A_1860 = arith.addi %iota3A, %add3A_1859 : vector<16xi32>
    tpu.vector_store_idx %arg7[%broadcast_in_dim3A_1804, %add3A_1860], %gather3A_1857 : memref<32x128xf32, #tpu.memory_space<vmem>>[vector<16xi32>, vector<16xi32>], vector<16xf32>,
    "tpu.region"() ({
      %run_scoped3A = tpu.sem_alloc : memref<!tpu.dma_semaphore, #tpu.memory_space<semaphore_mem>>
      %dma_start3A_1861 = arith.constant 0 : i32
      %dma_start3A_1862 = tpu.memref_slice %arg4[%dma_start3A_1861, %mul3A_2] : memref<32x4096xf32, #tpu.memory_space<hbm>> -> memref<32x128xf32, #tpu.memory_space<hbm>>
      %dma_start3A_1863 = arith.constant 0 : i32
      %dma_start3A_1864 = tpu.memref_slice %arg4[%dma_start3A_1863, %mul3A_2] : memref<32x4096xf32, #tpu.memory_space<hbm>> -> memref<32x128xf32, #tpu.memory_space<hbm>>
      tpu.enqueue_dma source(%arg7 : memref<32x128xf32, #tpu.memory_space<vmem>>) target(%dma_start3A_1864 : memref<32x128xf32, #tpu.memory_space<hbm>>) target_semaphore(%run_scoped3A : memref<!tpu.dma_semaphore, #tpu.memory_space<semaphore_mem>>)
      %dma_wait3A_1865 = arith.constant 0 : i32
      %dma_wait3A_1866 = tpu.memref_slice %arg4[%dma_wait3A_1865, %mul3A_2] : memref<32x4096xf32, #tpu.memory_space<hbm>> -> memref<32x128xf32, #tpu.memory_space<hbm>>
      %dma_wait3A_1867 = arith.constant 0 : i32
      %dma_wait3A_1868 = tpu.memref_slice %arg4[%dma_wait3A_1867, %mul3A_2] : memref<32x4096xf32, #tpu.memory_space<hbm>> -> memref<32x128xf32, #tpu.memory_space<hbm>>
      tpu.wait_dma2 semaphore(%run_scoped3A : memref<!tpu.dma_semaphore, #tpu.memory_space<semaphore_mem>>) src(%arg7 : memref<32x128xf32, #tpu.memory_space<vmem>>) dst(%dma_wait3A_1868 : memref<32x128xf32, #tpu.memory_space<hbm>>)
      tpu.yield
    }) : () -> ()
    return
  }
}

module attributes {stable_mosaic.version = 14 : i64} {
  func.func @_precompute_body(%arg0: i32, %arg1: memref<1000x100xf32, #tpu.memory_space<vmem>>, %arg2: memref<100x32xf32, #tpu.memory_space<vmem>>, %arg3: memref<1000x128xf32, #tpu.memory_space<vmem>>) attributes {dimension_semantics = [#tpu.dimension_semantics<arbitrary>], iteration_bounds = array<i64: 7>, scalar_prefetch = 0 : i64, scratch_operands = 0 : i64, tpu.core_type = #tpu.core_type<tc>, window_params = [{transform_indices = @transform_0, window_bounds = array<i64: 1000, 100>}, {pipeline_mode = #tpu.pipeline_mode<synchronous>, transform_indices = @transform_1, window_bounds = array<i64: 100, 32>}, {transform_indices = @transform_2, window_bounds = array<i64: 1000, 128>}]} {
    %get3A = arith.constant 0 : index
    %get3A_0 = arith.constant 0 : index
    %get3A_1 = vector.load %arg1[%get3A, %get3A_0] : memref<1000x100xf32, #tpu.memory_space<vmem>>, vector<1000x100xf32>
    %exp3A = math.exp %get3A_1 : vector<1000x100xf32>
    %get3A_2 = arith.constant 0 : index
    %get3A_3 = arith.constant 0 : index
    %get3A_4 = vector.load %arg2[%get3A_2, %get3A_3] : memref<100x32xf32, #tpu.memory_space<vmem>>, vector<100x32xf32>
    %dot_general3A = arith.constant dense<0.000000e+00> : vector<1000x32xf32>
    %dot_general3A_5 = tpu.matmul %exp3A, %get3A_4, %dot_general3A {dimension_numbers = #tpu.dot_dimension_numbers<[1], [0], [0], [1], [0, 0, 1, 1], [], []>, transpose_lhs_hint = false} : vector<1000x100xf32>, vector<100x32xf32>, vector<1000x32xf32> -> vector<1000x32xf32>
    %mul3A = arith.mulf %dot_general3A_5, %dot_general3A_5 : vector<1000x32xf32>
    %reduce_sum3A = arith.constant dense<0.000000e+00> : vector<1000xf32>
    %reduce_sum3A_6 = vector.multi_reduction <add>, %mul3A, %reduce_sum3A [1] : vector<1000x32xf32> to vector<1000xf32>
    %broadcast_in_dim3A = vector.shape_cast %reduce_sum3A_6 : vector<1000xf32> to vector<1000x1xf32>
    %sqrt3A = math.sqrt %broadcast_in_dim3A : vector<1000x1xf32>
    %max3A = arith.constant 9.99999996E-13 : f32
    %max3A_7 = vector.broadcast %max3A : f32 to vector<1000x1xf32>
    %max3A_8 = arith.maximumf %sqrt3A, %max3A_7 : vector<1000x1xf32>
    %div3A = vector.broadcast %max3A_8 : vector<1000x1xf32> to vector<1000x32xf32>
    %div3A_9 = arith.divf %dot_general3A_5, %div3A : vector<1000x32xf32>
    %swap3A = arith.constant 0 : index
    %swap3A_10 = arith.constant 0 : index
    %swap3A_11 = vector.load %arg3[%swap3A, %swap3A_10] : memref<1000x128xf32, #tpu.memory_space<vmem>>, vector<1000x32xf32>
    tpu.vector_store %arg3[%swap3A, %swap3A_10], %div3A_9 {strides = array<i32>} : memref<1000x128xf32, #tpu.memory_space<vmem>>, vector<1000x32xf32>,
    return
  }
  func.func @transform_0(%arg0: i32) -> (i32, i32) {
    %c0_i32 = arith.constant 0 : i32
    %c0_i32_0 = arith.constant 0 : i32
    return %arg0, %c0_i32 : i32, i32
  }
  func.func @transform_1(%arg0: i32) -> (i32, i32) {
    %c0_i32 = arith.constant 0 : i32
    %c0_i32_0 = arith.constant 0 : i32
    %c0_i32_1 = arith.constant 0 : i32
    return %c0_i32, %c0_i32_0 : i32, i32
  }
  func.func @transform_2(%arg0: i32) -> (i32, i32) {
    %c0_i32 = arith.constant 0 : i32
    %c0_i32_0 = arith.constant 0 : i32
    return %arg0, %c0_i32 : i32, i32
  }
}

</mosaic_0001>

<sc_bundles>
// kernel: kernel.4.cloned.1.call-start
scs
__scs_entry_jumppad:
0x0: {  	(pc) =	sbr.rel $0x88, $3  }
0x1: {  	(tag) =	ssettag $0x0;
	lr =	simm.s32 $0x1  }
0x2: {  	[smem:$0x3F9E] =	sst lr;
	_ =	strace $0xD0000000  }
0x3: {  	_ = 	snop  }
0x4: {  	_ = 	snop  }
0x5: {  	_ = 	snop  }
0x6: {  	_ = 	snop  }
0x7: {  	_ = 	snop  }
__scs_overlays_trampoline_lowered:
0x8: {  	[smem:$0x3FAD] =	sst s0  }
0x9: {  	[smem:$0x3FAE] =	sst s1  }
0xa: {  	[smem:$0x3FAF] =	sst s2  }
0xb: {  	[smem:$0x3FB0] =	sst s3  }
0xc: {  	[smem:$0x3FB1] =	sst s4  }
0xd: {  	[smem:$0x3FB2] =	sst s5  }
0xe: {  	[smem:$0x3FB3] =	sst s6  }
0xf: {  	[smem:$0x3FB4] =	sst s7  }
0x10: {  	[smem:$0x3FB5] =	sst s8  }
0x11: {  	[smem:$0x3FB6] =	sst s9;
	s0 =	simm.s32 @!p0 $0x0  }
0x12: {  	s1 =	sld [smem:$0x3F9C];
	s0 =	simm.s32 @p0 $0x1  }
0x13: {  	[smem:$0x3FB7] =	sst s0;
	s0 =	simm.s32 @!p1 $0x0  }
0x14: {  	s2 =	sld [smem:$0x3F9B];
	s0 =	simm.s32 @p1 $0x1  }
0x15: {  	[smem:$0x3FB8] =	sst s0;
	s0 =	simm.s32 @!p2 $0x0  }
0x16: {  	s3 =	sld [smem:$0x3FDB];
	s0 =	simm.s32 @p2 $0x1  }
0x17: {  	s4 =	simm.s32 $0x1BF5;
	[smem:$0x3FBA] =	sst s0  }
0x18: {  	s0 =	sld [smem:$0x3F9D];
	_ =	swait.ge [sflag:s4], $0x0  }
0x19: {  	s7 =	sld [smem:$0x3F9E]  }
0x1a: {  	s8 =	sadd.s32 $0xFFFFE003, lr  }
0x1b: {  	s9 =	sadd.s32 $0xFFFFFEF7, lr;
	s5 =	simm.s32 $0xFFFFFFFF;
	p2 =	slt.u32 s8, $0xFFFFF086  }
0x1c: {  	p1 =	slt.u32 s9, $0xF7A;
	s5 =	simm.s32 @!p2 $0x0  }
0x1d: {  	s5 =	simm.s32 @p1 $0x1;
	p0 =	seq.s32 s7, s2  }
0x1e: {  	s7 =	smul.u32 @!p0 $0xF7A, s2;
	p2 =	seq.s32 @!p0 s5, $0x0  }
0x1f: {  	s9 =	smul.u32 $0xF7A, s1;
	s8 =	simm.s32 @!p0 $0x1BF5;
	p2 =	por !p2, p0  }
0x20: {  	[sflag:s8] =	ssyncset.s32 @!p0 $0xFFFFF086;
	s6 =	sadd.s32 @!p0 s3, s7;
	s7 =	simm.s32 @!p0 $0x108  }
0x21: {  	s3 =	sadd.s32 s3, s9;
	s6 =	sadd.s32 @!p0 $0x88, s6;
	s7 =	simm.s32 @p2 $0x1082  }
0x22: {  	[simem:s7], [sflag:s8] =	dma.local @!p0 [hbm:s6], $0xF7A  }
0x23: {  	s9 =	sor.u32 $0xD0000000, s2;
	s6 =	simm.s32 $0x108;
	_ =	swait.ge @!p0 [sflag:s8], $0x0  }
0x24: {  	s3 =	sadd.s32 $0x88, s3;
	s6 =	simm.s32 @!p1 $0x1082;
	[sflag:s4] =	ssyncset.s32 $0xFFFFF086  }
0x25: {  	[simem:s6], [sflag:s4] =	dma.local [hbm:s3], $0xF7A  }
0x26: {  	[smem:$0x3F9E] =	sst s1;
	(tag) =	ssettag s2;
	_ =	strace s9  }
0x27: {  	s1 =	sld [smem:$0x3FAE]  }
0x28: {  	s2 =	sld [smem:$0x3FAF]  }
0x29: {  	s4 =	sld [smem:$0x3FB1]  }
0x2a: {  	p0 =	seq.s32 s5, $0x0;
	s5 =	sld [smem:$0x3FB2]  }
0x2b: {  	s6 =	sld [smem:$0x3FB3]  }
0x2c: {  	s7 =	sld [smem:$0x3FB4]  }
0x2d: {  	s3 =	simm.s32 $0x108;
	s8 =	sld [smem:$0x3FB5]  }
0x2e: {  	s3 =	simm.s32 @!p0 $0x1082;
	s9 =	sld [smem:$0x3FB6]  }
0x2f: {  	lr =	sadd.s32 s0, s3;
	s0 =	sld [smem:$0x3FAD]  }
0x30: {  	s3 =	sld [smem:$0x3FB0]  }
0x31: {  	[smem:$0x3FB9] =	sst s10  }
0x32: {  	s10 =	sld [smem:$0x3FB7];
	_ =	sdelay $0x3  }
0x33: {  	p0 =	seq.s32 s10, $0x1;
	s10 =	sld [smem:$0x3FB9];
	_ =	sdelay $0x3  }
0x34: {  	[smem:$0x3FB9] =	sst s10  }
0x35: {  	s10 =	sld [smem:$0x3FB8];
	_ =	sdelay $0x3  }
0x36: {  	p1 =	seq.s32 s10, $0x1;
	s10 =	sld [smem:$0x3FB9];
	_ =	sdelay $0x3  }
0x37: {  	[smem:$0x3FB9] =	sst s10  }
0x38: {  	s10 =	sld [smem:$0x3FBA]  }
0x39: {  	_ = 	snop;
	(pc) =	sbr.ind lr, $3  }
0x3a: {  	_ = 	snop  }
0x3b: {  	_ = 	snop  }
0x3c: {  	p2 =	seq.s32 s10, $0x1;
	s10 =	sld [smem:$0x3FB9]  }
0x3d: {  	_ =	shalt  }
0x3e: {  	_ =	shalt  }
0x3f: {  	_ =	shalt  }
0x40: {  	_ =	shalt  }
0x41: {  	_ =	shalt  }
0x42: {  	_ =	shalt  }
0x43: {  	_ =	shalt  }
0x44: {  	_ =	shalt  }
0x45: {  	_ =	shalt  }
0x46: {  	_ =	shalt  }
0x47: {  	_ =	shalt  }
0x48: {  	_ =	shalt  }
0x49: {  	_ =	shalt  }
0x4a: {  	_ =	shalt  }
0x4b: {  	_ =	shalt  }
0x4c: {  	_ =	shalt  }
0x4d: {  	_ =	shalt  }
0x4e: {  	_ =	shalt  }
0x4f: {  	_ =	shalt  }
0x50: {  	_ =	shalt  }
0x51: {  	_ =	shalt  }
0x52: {  	_ =	shalt  }
0x53: {  	_ =	shalt  }
0x54: {  	_ =	shalt  }
0x55: {  	_ =	shalt  }
0x56: {  	_ =	shalt  }
0x57: {  	_ =	shalt  }
0x58: {  	_ =	shalt  }
0x59: {  	_ =	shalt  }
0x5a: {  	_ =	shalt  }
0x5b: {  	_ =	shalt  }
0x5c: {  	_ =	shalt  }
0x5d: {  	_ =	shalt  }
0x5e: {  	_ =	shalt  }
0x5f: {  	_ =	shalt  }
0x60: {  	_ =	shalt  }
0x61: {  	_ =	shalt  }
0x62: {  	_ =	shalt  }
0x63: {  	_ =	shalt  }
0x64: {  	_ =	shalt  }
0x65: {  	_ =	shalt  }
0x66: {  	_ =	shalt  }
0x67: {  	_ =	shalt  }
0x68: {  	_ =	shalt  }
0x69: {  	_ =	shalt  }
0x6a: {  	_ =	shalt  }
0x6b: {  	_ =	shalt  }
0x6c: {  	_ =	shalt  }
0x6d: {  	_ =	shalt  }
0x6e: {  	_ =	shalt  }
0x6f: {  	_ =	shalt  }
0x70: {  	_ =	shalt  }
0x71: {  	_ =	shalt  }
0x72: {  	_ =	shalt  }
0x73: {  	_ =	shalt  }
0x74: {  	_ =	shalt  }
0x75: {  	_ =	shalt  }
0x76: {  	_ =	shalt  }
0x77: {  	_ =	shalt  }
0x78: {  	_ =	shalt  }
0x79: {  	_ =	shalt  }
0x7a: {  	_ =	shalt  }
0x7b: {  	_ =	shalt  }
0x7c: {  	_ =	shalt  }
0x7d: {  	_ =	shalt  }
0x7e: {  	_ =	shalt  }
0x7f: {  	_ =	shalt  }
0x80: {  	_ =	shalt  }
0x81: {  	_ =	shalt  }
0x82: {  	_ =	shalt  }
0x83: {  	_ =	shalt  }
0x84: {  	_ =	shalt  }
0x85: {  	_ =	shalt  }
0x86: {  	_ =	shalt  }
0x87: {  	_ =	shalt  }
.Lfunc_end0:
.L_simem_size_0:
called_computation_lowered:
.L_overlay_start_0:
0x88: {  	s2 =	sld [smem:$0x3FD9]  }
0x89: {  	s3 =	sld [smem:$0x3FFE];
	_ =	sdelay $0x1  }
0x8a: {  	s1 =	srdreg.scid  }
0x8b: {  	s0 =	sand.u32 $0x1, s1  }
0x8c: {  	s17 =	sshll.u32 s0, $0xA;
	s2 =	sadd.s32 s3, s2  }
0x8d: {  	s2 =	sadd.s32 s2, s17  }
0x8e: {  	[smem:$0x3FC5] =	sst s2  }
0x8f: {  	_ = 	snop  }
0x90: {  	s2 =	sld [smem:$0x3FC9]  }
0x91: {  	s18 =	sld [smem:$0x3FD0];
	(tm) =	ssettm $0x1  }
0x92: {  	s4 =	sld [smem:$0x3FFB];
	_ =	sdelay $0x3  }
0x93: {  	_ =	strace s4  }
0x94: {  	s4 =	sld [smem:$0x3FFC];
	_ =	sdelay $0x3  }
0x95: {  	_ =	strace s4  }
0x96: {  	s4 =	sld [smem:$0x3FFD];
	_ =	sdelay $0x3  }
0x97: {  	_ =	strace s4  }
0x98: {  	_ =	strace $0x8FFFFFFF  }
0x99: {  	s19 =	sld [smem:$0x3FDB];
	_ =	sdelay $0x1  }
0x9a: {  	s5 =	simm.s32 $_scs_section_size  }
0x9b: {  	s6 =	simm.s32 $_size__tile_overlayer_lowered;
	s7 =	simm.s32 $_tile_overlayer_lowered  }
0x9c: {  	s22 =	simm.s32 $0x1BFF;
	s21 =	sshll.u32 s7, $0x1;
	s4 =	sadd.s32 s5, s19  }
0x9d: {  	s8 =	simm.s32 $0x0;
	s20 =	sshll.u32 s6, $0x1;
	s6 =	sadd.s32 s21, s4  }
0x9e: {  	[timem:s8], [sflag:s22] =	dma.local [hbm:s6], s20  }
0x9f: {  	_ =	swait.ge [sflag:s22], s20  }
0xa0: {  	s5 =	ssub.s32 $0x0, s20;
	[sflag:s22] =	ssyncset.done $0x0  }
0xa1: {  	[sflag:s22] =	ssyncadd.s32 s5;
	_ =	sdelay $0x1  }
0xa2: {  	s23 =	simm.s32 $0x1B8B  }
0xa3: {  	_ =	swait.ge [sflag:s23], $0x1  }
0xa4: {  	[sflag:s23] =	ssyncset.done $0x0  }
0xa5: {  	s25 =	simm.s32 $0x1B8E;
	s24 =	sld [smem:$0x3FFE];
	[sflag:s23] =	ssyncadd.s32 $0xFFFFFFFF  }
0xa6: {  	s26 =	simm.s32 $execute0_lowered;
	[smem:$0x3FD2] =	sst s25  }
0xa7: {  	s6 =	sshll.u32 s26, $0x1;
	_ =	strace $0x80000046;
	[dreg:$0x1] =	wrdreg $0xFFFFFFFF  }
0xa8: {  	s28 =	simm.s32 $_size_execute0_lowered;
	s4 =	sadd.s32 s4, s6;
	[dreg:$0x0] =	wrdreg $0x0  }
0xa9: {  	s6 =	sshll.u32 s28, $0x1;
	[dreg:$0x2] =	wrdreg s4  }
0xaa: {  	[dreg:$0x3] =	wrdreg s6  }
0xab: {  	[dreg:$0x4] =	wrdreg $0xC0  }
0xac: {  	_ =	task [dreg:s8], $0x5FFFF  }
0xad: {  	[dreg:$0x1] =	wrdreg $0xFFFFFFFF  }
0xae: {  	[dreg:$0x0] =	wrdreg $0x60  }
0xaf: {  	[dreg:$0x2] =	wrdreg s2  }
0xb0: {  	[dreg:$0x3] =	wrdreg s24  }
0xb1: {  	[dreg:$0x4] =	wrdreg s18  }
0xb2: {  	[dreg:$0x5] =	wrdreg $0x9  }
0xb3: {  	_ =	task.clear_ibuf [dreg:s8], $0x6FFFF;
	_ =	strace $0x90000046  }
0xb4: {  	s29 =	simm.s32 $0x9;
	_ =	strace $0x80000048  }
0xb5: {  	_ =	swait.ge [sflag:s29], $0x1  }
0xb6: {  	[sflag:s29] =	ssyncadd.s32 $0xFFFFFFFF  }
0xb7: {  	_ =	strace $0x90000048  }
0xb8: {  	_ =	sfence  }
0xb9: {  	s30 =	sld [smem:$0x0];
	_ =	sdelay $0x2  }
0xba: {  	s31 =	sshll.u32 s1, $0xD;
	s1 =	sshrl.u32 s1, $0x2  }
0xbb: {  	s3 =	sand.u32 $0x4000, s31;
	s1 =	sadd.s32 s1, s30  }
0xbc: {  	s0 =	sor.u32 s3, s0;
	s1 =	sshll.u32 s1, $0x11  }
0xbd: {  	s0 =	sor.u32 s1, s0  }
0xbe: {  	s0 =	sadd.s32 $0x8F2B, s0  }
0xbf: {  	[sflag:s0] =	ssyncadd.remote.s32 $0x1  }
0xc0: {  	_ =	sfence.sel $0xFFFF  }
0xc1: {  	[dreg:$0x0] =	wrdreg $0xFFFFFFFF;
	(pc) =	sbr.abs _section_cstart, $3  }
0xc2: {  	[dreg:$0x1] =	wrdreg $0xFFFFFFFF  }
0xc3: {  	_ =	task.clear_ibuf [dreg:s8], $0x2FFFF;
	_ =	strace $0x9FFFFFFF  }
0xc4: {  	(tm) =	ssettm $0x7FFFFFFF  }
0xc5: {  	_ =	shalt  }
tec
execute0_lowered:
.L_overlay_start_1:
0x0: {  	(tag) =	ssettag $0x1  }
0x1: {  	v0 =	vlaneseq.u32  }
0x2: {  	v1 =	vmul.u32 $0x80, v0;
	v5 =	vor.u32 $0x20, v0;
	v7 =	vor.u32 $0x30, v0  }
0x3: {  	v9 =	vor.u32 $0x40, v0;
	v11 =	vor.u32 $0x50, v0;
	v13 =	vor.u32 $0x60, v0  }
0x4: {  	v15 =	vor.u32 $0x70, v0;
	v17 =	vor.u32 $0x80, v0;
	v19 =	vor.u32 $0x90, v0  }
0x5: {  	v21 =	vor.u32 $0xA0, v0;
	v23 =	vor.u32 $0xB0, v0;
	v25 =	vor.u32 $0xC0, v0  }
0x6: {  	v27 =	vor.u32 $0xD0, v0;
	v29 =	vor.u32 $0xE0, v0;
	v31 =	vor.u32 $0xF0, v0  }
0x7: {  	v33 =	vor.u32 $0x100, v0;
	v35 =	vor.u32 $0x110, v0;
	v37 =	vor.u32 $0x120, v0  }
0x8: {  	v39 =	vor.u32 $0x130, v0;
	v41 =	vor.u32 $0x140, v0;
	v43 =	vor.u32 $0x150, v0  }
0x9: {  	v45 =	vor.u32 $0x160, v0;
	v47 =	vor.u32 $0x170, v0;
	v49 =	vor.u32 $0x180, v0  }
0xa: {  	v51 =	vor.u32 $0x190, v0;
	v53 =	vor.u32 $0x1A0, v0;
	v55 =	vor.u32 $0x1B0, v0  }
0xb: {  	v57 =	vor.u32 $0x1C0, v0;
	v59 =	vor.u32 $0x1D0, v0;
	v61 =	vor.u32 $0x1E0, v0  }
0xc: {  	s4 =	rddreg [dreg:$0x0];
	v63 =	vor.u32 $0x1F0, v0;
	v2 =	vor.u32 $0x800, v1;
	v6 =	vor.u32 $0x1800, v1  }
0xd: {  	s3 =	rddreg [dreg:$0x1];
	v8 =	vor.u32 $0x2000, v1;
	v10 =	vor.u32 $0x2800, v1;
	v12 =	vor.u32 $0x3000, v1  }
0xe: {  	s5 =	rddreg [dreg:$0x2];
	v14 =	vor.u32 $0x3800, v1;
	v16 =	vor.u32 $0x1, v1;
	v18 =	vor.u32 $0x801, v1  }
0xf: {  	s0 =	rddreg [dreg:$0x3];
	s1 =	simm.s32 $0x0;
	s6 =	srdreg.scid;
	v20 =	vor.u32 $0x1001, v1;
	v22 =	vor.u32 $0x1801, v1;
	v24 =	vor.u32 $0x2001, v1  }
0x10: {  	s2 =	stileid.u32;
	s10 =	simm.s32 $0x4080;
	s11 =	simm.s32 $0x400;
	v26 =	vor.u32 $0x2801, v1;
	v28 =	vor.u32 $0x3001, v1;
	v30 =	vor.u32 $0x3801, v1  }
0x11: {  	s12 =	simm.s32 $0x8000;
	s6 =	sand.u32 $0x1, s6;
	s8 =	sshll.u32 s2, $0x1;
	v32 =	vor.u32 $0x2, v1;
	v34 =	vor.u32 $0x802, v1;
	v36 =	vor.u32 $0x1002, v1  }
0x12: {  	[smem:$0x7FF] =	sst s1;
	s7 =	ssub.s32 $0x2, s6;
	s6 =	sor.u32 s6, s8;
	v38 =	vor.u32 $0x1802, v1;
	v40 =	vor.u32 $0x2002, v1;
	v42 =	vor.u32 $0x2802, v1  }
0x13: {  	s3 =	sadd.s32 $0x600, s3;
	v44 =	vor.u32 $0x3002, v1;
	v46 =	vor.u32 $0x3802, v1;
	s9 =	sshrl.u32 s7, $0x1;
	s8 =	sshll.u32 s6, $0x4;
	[tilespmem:$0x1FFD0] =	vst v2;
	v2 =	vor.u32 $0x10, v0  }
0x14: {  	v48 =	vor.u32 $0x3, v1;
	v50 =	vor.u32 $0x803, v1;
	s6 =	sshll.u32 s6, $0x7;
	s7 =	ssub.s32 s7, s9;
	s4 =	sadd.s32 s4, s8;
	[tilespmem:$0x1FFE0] =	vst v2;
	v2 =	vor.u32 $0x1000, v1  }
0x15: {  	v52 =	vor.u32 $0x1003, v1;
	v54 =	vor.u32 $0x1803, v1;
	v56 =	vor.u32 $0x2003, v1;
	s5 =	sadd.s32 s5, s6;
	s8 =	simm.s32 $0x80;
	s9 =	simm.s32 $0x1;
	[tilespmem:$0x1FFF0] =	vst v2  }
0x16: {  	v58 =	vor.u32 $0x2803, v1;
	v60 =	vor.u32 $0x3003, v1;
	v62 =	vor.u32 $0x3803, v1;
	s6 =	smax.u32 s7, $0x1;
	s7 =	simm.s32 $0x2;
	_ =	strace $0x80000047  }
.LBB2_1:
0x17: {  	[tilespmem:s1], [sflag:$0x2] =	stream.linear.gather [hbm4b:s4+s1], $0x80, $0x38;
	[tilespmem:$0x5080] =	vst v63  }
0x18: {  	_ =	swait.ge [sflag:s7], $0x80  }
0x19: {  	[sflag:s7] =	ssyncset.done $0x0  }
0x1a: {  	[sflag:s7] =	ssyncadd.s32 $0xFFFFFF80  }
0x1b: {  	[tilespmem:s8], [sflag:$0x1] =	stream.indirect.gather [hbm4b:s3+s8], $0x80, s1, s8, $0xb8;
	[tilespmem:$0x5080] =	vst v63  }
0x1c: {  	_ =	swait.ge [sflag:s9], $0x4000  }
0x1d: {  	[sflag:s9] =	ssyncset.done $0x0  }
0x1e: {  	[sflag:s9] =	ssyncadd.s32 $0xFFFFC000  }
0x1f: {  	v2 =	vld.idx.msk [tilespmem:v1+s8+$0x0], $0xffff;
	_ =	sdelay $0x4  }
0x20: {  	[tilespmem:v0+s10+$0x0] =	vst.idx.msk $0xffff, v2;
	v2 =	vld [tilespmem:$0x1FFD0];
	_ =	sdelay $0x4  }
0x21: {  	v3 =	vld [tilespmem:$0x1FFE0];
	_ =	sdelay $0x2  }
0x22: {  	v2 =	vld.idx.msk [tilespmem:v2+s8+$0x0], $0xffff;
	_ =	sdelay $0x4  }
0x23: {  	[tilespmem:v3+s10+$0x0] =	vst.idx.msk $0xffff, v2;
	v2 =	vld [tilespmem:$0x1FFF0];
	_ =	sdelay $0x7  }
0x24: {  	v2 =	vld.idx.msk [tilespmem:v2+s8+$0x0], $0xffff;
	_ =	sdelay $0x4  }
0x25: {  	[tilespmem:v5+s10+$0x0] =	vst.idx.msk $0xffff, v2  }
0x26: {  	v2 =	vld.idx.msk [tilespmem:v6+s8+$0x0], $0xffff;
	_ =	sdelay $0x4  }
0x27: {  	[tilespmem:v7+s10+$0x0] =	vst.idx.msk $0xffff, v2  }
0x28: {  	v2 =	vld.idx.msk [tilespmem:v8+s8+$0x0], $0xffff;
	_ =	sdelay $0x4  }
0x29: {  	[tilespmem:v9+s10+$0x0] =	vst.idx.msk $0xffff, v2  }
0x2a: {  	v2 =	vld.idx.msk [tilespmem:v10+s8+$0x0], $0xffff;
	_ =	sdelay $0x4  }
0x2b: {  	[tilespmem:v11+s10+$0x0] =	vst.idx.msk $0xffff, v2  }
0x2c: {  	v2 =	vld.idx.msk [tilespmem:v12+s8+$0x0], $0xffff;
	_ =	sdelay $0x4  }
0x2d: {  	[tilespmem:v13+s10+$0x0] =	vst.idx.msk $0xffff, v2  }
0x2e: {  	v2 =	vld.idx.msk [tilespmem:v14+s8+$0x0], $0xffff;
	_ =	sdelay $0x4  }
0x2f: {  	[tilespmem:v15+s10+$0x0] =	vst.idx.msk $0xffff, v2  }
0x30: {  	v2 =	vld.idx.msk [tilespmem:v16+s8+$0x0], $0xffff;
	_ =	sdelay $0x4  }
0x31: {  	[tilespmem:v17+s10+$0x0] =	vst.idx.msk $0xffff, v2  }
0x32: {  	v2 =	vld.idx.msk [tilespmem:v18+s8+$0x0], $0xffff;
	_ =	sdelay $0x4  }
0x33: {  	[tilespmem:v19+s10+$0x0] =	vst.idx.msk $0xffff, v2  }
0x34: {  	v2 =	vld.idx.msk [tilespmem:v20+s8+$0x0], $0xffff;
	_ =	sdelay $0x4  }
0x35: {  	[tilespmem:v21+s10+$0x0] =	vst.idx.msk $0xffff, v2  }
0x36: {  	v2 =	vld.idx.msk [tilespmem:v22+s8+$0x0], $0xffff;
	_ =	sdelay $0x4  }
0x37: {  	[tilespmem:v23+s10+$0x0] =	vst.idx.msk $0xffff, v2  }
0x38: {  	v2 =	vld.idx.msk [tilespmem:v24+s8+$0x0], $0xffff;
	_ =	sdelay $0x4  }
0x39: {  	[tilespmem:v25+s10+$0x0] =	vst.idx.msk $0xffff, v2  }
0x3a: {  	v2 =	vld.idx.msk [tilespmem:v26+s8+$0x0], $0xffff;
	_ =	sdelay $0x4  }
0x3b: {  	[tilespmem:v27+s10+$0x0] =	vst.idx.msk $0xffff, v2  }
0x3c: {  	v2 =	vld.idx.msk [tilespmem:v28+s8+$0x0], $0xffff;
	_ =	sdelay $0x4  }
0x3d: {  	[tilespmem:v29+s10+$0x0] =	vst.idx.msk $0xffff, v2  }
0x3e: {  	v2 =	vld.idx.msk [tilespmem:v30+s8+$0x0], $0xffff;
	_ =	sdelay $0x4  }
0x3f: {  	[tilespmem:v31+s10+$0x0] =	vst.idx.msk $0xffff, v2  }
0x40: {  	v2 =	vld.idx.msk [tilespmem:v32+s8+$0x0], $0xffff;
	_ =	sdelay $0x4  }
0x41: {  	[tilespmem:v33+s10+$0x0] =	vst.idx.msk $0xffff, v2  }
0x42: {  	v2 =	vld.idx.msk [tilespmem:v34+s8+$0x0], $0xffff;
	_ =	sdelay $0x4  }
0x43: {  	[tilespmem:v35+s10+$0x0] =	vst.idx.msk $0xffff, v2  }
0x44: {  	v2 =	vld.idx.msk [tilespmem:v36+s8+$0x0], $0xffff;
	_ =	sdelay $0x4  }
0x45: {  	[tilespmem:v37+s10+$0x0] =	vst.idx.msk $0xffff, v2  }
0x46: {  	v2 =	vld.idx.msk [tilespmem:v38+s8+$0x0], $0xffff;
	_ =	sdelay $0x4  }
0x47: {  	[tilespmem:v39+s10+$0x0] =	vst.idx.msk $0xffff, v2  }
0x48: {  	v2 =	vld.idx.msk [tilespmem:v40+s8+$0x0], $0xffff;
	_ =	sdelay $0x4  }
0x49: {  	[tilespmem:v41+s10+$0x0] =	vst.idx.msk $0xffff, v2  }
0x4a: {  	v2 =	vld.idx.msk [tilespmem:v42+s8+$0x0], $0xffff;
	_ =	sdelay $0x4  }
0x4b: {  	[tilespmem:v43+s10+$0x0] =	vst.idx.msk $0xffff, v2  }
0x4c: {  	v2 =	vld.idx.msk [tilespmem:v44+s8+$0x0], $0xffff;
	_ =	sdelay $0x4  }
0x4d: {  	[tilespmem:v45+s10+$0x0] =	vst.idx.msk $0xffff, v2  }
0x4e: {  	v2 =	vld.idx.msk [tilespmem:v46+s8+$0x0], $0xffff;
	_ =	sdelay $0x4  }
0x4f: {  	[tilespmem:v47+s10+$0x0] =	vst.idx.msk $0xffff, v2  }
0x50: {  	v2 =	vld.idx.msk [tilespmem:v48+s8+$0x0], $0xffff;
	_ =	sdelay $0x4  }
0x51: {  	[tilespmem:v49+s10+$0x0] =	vst.idx.msk $0xffff, v2  }
0x52: {  	v2 =	vld.idx.msk [tilespmem:v50+s8+$0x0], $0xffff;
	_ =	sdelay $0x4  }
0x53: {  	[tilespmem:v51+s10+$0x0] =	vst.idx.msk $0xffff, v2  }
0x54: {  	v2 =	vld.idx.msk [tilespmem:v52+s8+$0x0], $0xffff;
	_ =	sdelay $0x4  }
0x55: {  	[tilespmem:v53+s10+$0x0] =	vst.idx.msk $0xffff, v2  }
0x56: {  	v2 =	vld.idx.msk [tilespmem:v54+s8+$0x0], $0xffff;
	_ =	sdelay $0x4  }
0x57: {  	[tilespmem:v55+s10+$0x0] =	vst.idx.msk $0xffff, v2  }
0x58: {  	v2 =	vld.idx.msk [tilespmem:v56+s8+$0x0], $0xffff;
	_ =	sdelay $0x4  }
0x59: {  	[tilespmem:v57+s10+$0x0] =	vst.idx.msk $0xffff, v2  }
0x5a: {  	v2 =	vld.idx.msk [tilespmem:v58+s8+$0x0], $0xffff;
	_ =	sdelay $0x4  }
0x5b: {  	[tilespmem:v59+s10+$0x0] =	vst.idx.msk $0xffff, v2  }
0x5c: {  	v2 =	vld.idx.msk [tilespmem:v60+s8+$0x0], $0xffff;
	_ =	sdelay $0x4  }
0x5d: {  	[tilespmem:v61+s10+$0x0] =	vst.idx.msk $0xffff, v2  }
0x5e: {  	v2 =	vld.idx.msk [tilespmem:v62+s8+$0x0], $0xffff  }
0x5f: {  	v3 =	vor.u32 $0x4, v1;
	_ =	sdelay $0x3  }
0x60: {  	[tilespmem:v63+s10+$0x0] =	vst.idx.msk $0xffff, v2  }
0x61: {  	v2 =	vld.idx.msk [tilespmem:v3+s8+$0x0], $0xffff;
	v3 =	vor.u32 $0x200, v0  }
0x62: {  	v4 =	vor.u32 $0x804, v1;
	_ =	sdelay $0x3  }
0x63: {  	[tilespmem:v3+s10+$0x0] =	vst.idx.msk $0xffff, v2  }
0x64: {  	v3 =	vor.u32 $0x210, v0;
	v2 =	vld.idx.msk [tilespmem:v4+s8+$0x0], $0xffff  }
0x65: {  	v4 =	vor.u32 $0x1004, v1;
	_ =	sdelay $0x3  }
0x66: {  	[tilespmem:v3+s10+$0x0] =	vst.idx.msk $0xffff, v2  }
0x67: {  	v3 =	vor.u32 $0x220, v0;
	v2 =	vld.idx.msk [tilespmem:v4+s8+$0x0], $0xffff  }
0x68: {  	v4 =	vor.u32 $0x1804, v1;
	_ =	sdelay $0x3  }
0x69: {  	[tilespmem:v3+s10+$0x0] =	vst.idx.msk $0xffff, v2  }
0x6a: {  	v3 =	vor.u32 $0x230, v0;
	v2 =	vld.idx.msk [tilespmem:v4+s8+$0x0], $0xffff  }
0x6b: {  	v4 =	vor.u32 $0x2004, v1;
	_ =	sdelay $0x3  }
0x6c: {  	[tilespmem:v3+s10+$0x0] =	vst.idx.msk $0xffff, v2  }
0x6d: {  	v3 =	vor.u32 $0x240, v0;
	v2 =	vld.idx.msk [tilespmem:v4+s8+$0x0], $0xffff  }
0x6e: {  	v4 =	vor.u32 $0x2804, v1;
	_ =	sdelay $0x3  }
0x6f: {  	[tilespmem:v3+s10+$0x0] =	vst.idx.msk $0xffff, v2  }
0x70: {  	v3 =	vor.u32 $0x250, v0;
	v2 =	vld.idx.msk [tilespmem:v4+s8+$0x0], $0xffff  }
0x71: {  	v4 =	vor.u32 $0x3004, v1;
	_ =	sdelay $0x3  }
0x72: {  	[tilespmem:v3+s10+$0x0] =	vst.idx.msk $0xffff, v2  }
0x73: {  	v3 =	vor.u32 $0x260, v0;
	v2 =	vld.idx.msk [tilespmem:v4+s8+$0x0], $0xffff  }
0x74: {  	v4 =	vor.u32 $0x3804, v1;
	_ =	sdelay $0x3  }
0x75: {  	[tilespmem:v3+s10+$0x0] =	vst.idx.msk $0xffff, v2  }
0x76: {  	v3 =	vor.u32 $0x270, v0;
	v2 =	vld.idx.msk [tilespmem:v4+s8+$0x0], $0xffff  }
0x77: {  	v4 =	vor.u32 $0x5, v1;
	_ =	sdelay $0x3  }
0x78: {  	[tilespmem:v3+s10+$0x0] =	vst.idx.msk $0xffff, v2  }
0x79: {  	v3 =	vor.u32 $0x280, v0;
	v2 =	vld.idx.msk [tilespmem:v4+s8+$0x0], $0xffff  }
0x7a: {  	v4 =	vor.u32 $0x805, v1;
	_ =	sdelay $0x3  }
0x7b: {  	[tilespmem:v3+s10+$0x0] =	vst.idx.msk $0xffff, v2  }
0x7c: {  	v3 =	vor.u32 $0x290, v0;
	v2 =	vld.idx.msk [tilespmem:v4+s8+$0x0], $0xffff  }
0x7d: {  	v4 =	vor.u32 $0x1005, v1;
	_ =	sdelay $0x3  }
0x7e: {  	[tilespmem:v3+s10+$0x0] =	vst.idx.msk $0xffff, v2  }
0x7f: {  	v3 =	vor.u32 $0x2A0, v0;
	v2 =	vld.idx.msk [tilespmem:v4+s8+$0x0], $0xffff  }
0x80: {  	v4 =	vor.u32 $0x1805, v1;
	_ =	sdelay $0x3  }
0x81: {  	[tilespmem:v3+s10+$0x0] =	vst.idx.msk $0xffff, v2  }
0x82: {  	v3 =	vor.u32 $0x2B0, v0;
	v2 =	vld.idx.msk [tilespmem:v4+s8+$0x0], $0xffff  }
0x83: {  	v4 =	vor.u32 $0x2005, v1;
	_ =	sdelay $0x3  }
0x84: {  	[tilespmem:v3+s10+$0x0] =	vst.idx.msk $0xffff, v2  }
0x85: {  	v3 =	vor.u32 $0x2C0, v0;
	v2 =	vld.idx.msk [tilespmem:v4+s8+$0x0], $0xffff  }
0x86: {  	v4 =	vor.u32 $0x2805, v1;
	_ =	sdelay $0x3  }
0x87: {  	[tilespmem:v3+s10+$0x0] =	vst.idx.msk $0xffff, v2  }
0x88: {  	v3 =	vor.u32 $0x2D0, v0;
	v2 =	vld.idx.msk [tilespmem:v4+s8+$0x0], $0xffff  }
0x89: {  	v4 =	vor.u32 $0x3005, v1;
	_ =	sdelay $0x3  }
0x8a: {  	[tilespmem:v3+s10+$0x0] =	vst.idx.msk $0xffff, v2  }
0x8b: {  	v3 =	vor.u32 $0x2E0, v0;
	v2 =	vld.idx.msk [tilespmem:v4+s8+$0x0], $0xffff  }
0x8c: {  	v4 =	vor.u32 $0x3805, v1;
	_ =	sdelay $0x3  }
0x8d: {  	[tilespmem:v3+s10+$0x0] =	vst.idx.msk $0xffff, v2  }
0x8e: {  	v3 =	vor.u32 $0x2F0, v0;
	v2 =	vld.idx.msk [tilespmem:v4+s8+$0x0], $0xffff  }
0x8f: {  	v4 =	vor.u32 $0x6, v1;
	_ =	sdelay $0x3  }
0x90: {  	[tilespmem:v3+s10+$0x0] =	vst.idx.msk $0xffff, v2  }
0x91: {  	v3 =	vor.u32 $0x300, v0;
	v2 =	vld.idx.msk [tilespmem:v4+s8+$0x0], $0xffff  }
0x92: {  	v4 =	vor.u32 $0x806, v1;
	_ =	sdelay $0x3  }
0x93: {  	[tilespmem:v3+s10+$0x0] =	vst.idx.msk $0xffff, v2  }
0x94: {  	v3 =	vor.u32 $0x310, v0;
	v2 =	vld.idx.msk [tilespmem:v4+s8+$0x0], $0xffff  }
0x95: {  	v4 =	vor.u32 $0x1006, v1;
	_ =	sdelay $0x3  }
0x96: {  	[tilespmem:v3+s10+$0x0] =	vst.idx.msk $0xffff, v2  }
0x97: {  	v3 =	vor.u32 $0x320, v0;
	v2 =	vld.idx.msk [tilespmem:v4+s8+$0x0], $0xffff  }
0x98: {  	v4 =	vor.u32 $0x1806, v1;
	_ =	sdelay $0x3  }
0x99: {  	[tilespmem:v3+s10+$0x0] =	vst.idx.msk $0xffff, v2  }
0x9a: {  	v3 =	vor.u32 $0x330, v0;
	v2 =	vld.idx.msk [tilespmem:v4+s8+$0x0], $0xffff  }
0x9b: {  	v4 =	vor.u32 $0x2006, v1;
	_ =	sdelay $0x3  }
0x9c: {  	[tilespmem:v3+s10+$0x0] =	vst.idx.msk $0xffff, v2  }
0x9d: {  	v3 =	vor.u32 $0x340, v0;
	v2 =	vld.idx.msk [tilespmem:v4+s8+$0x0], $0xffff  }
0x9e: {  	v4 =	vor.u32 $0x2806, v1;
	_ =	sdelay $0x3  }
0x9f: {  	[tilespmem:v3+s10+$0x0] =	vst.idx.msk $0xffff, v2  }
0xa0: {  	v3 =	vor.u32 $0x350, v0;
	v2 =	vld.idx.msk [tilespmem:v4+s8+$0x0], $0xffff  }
0xa1: {  	v4 =	vor.u32 $0x3006, v1;
	_ =	sdelay $0x3  }
0xa2: {  	[tilespmem:v3+s10+$0x0] =	vst.idx.msk $0xffff, v2  }
0xa3: {  	v3 =	vor.u32 $0x360, v0;
	v2 =	vld.idx.msk [tilespmem:v4+s8+$0x0], $0xffff  }
0xa4: {  	v4 =	vor.u32 $0x3806, v1;
	_ =	sdelay $0x3  }
0xa5: {  	[tilespmem:v3+s10+$0x0] =	vst.idx.msk $0xffff, v2  }
0xa6: {  	v3 =	vor.u32 $0x370, v0;
	v2 =	vld.idx.msk [tilespmem:v4+s8+$0x0], $0xffff  }
0xa7: {  	v4 =	vor.u32 $0x7, v1;
	_ =	sdelay $0x3  }
0xa8: {  	[tilespmem:v3+s10+$0x0] =	vst.idx.msk $0xffff, v2  }
0xa9: {  	v3 =	vor.u32 $0x380, v0;
	v2 =	vld.idx.msk [tilespmem:v4+s8+$0x0], $0xffff  }
0xaa: {  	v4 =	vor.u32 $0x807, v1;
	_ =	sdelay $0x3  }
0xab: {  	[tilespmem:v3+s10+$0x0] =	vst.idx.msk $0xffff, v2  }
0xac: {  	v3 =	vor.u32 $0x390, v0;
	v2 =	vld.idx.msk [tilespmem:v4+s8+$0x0], $0xffff  }
0xad: {  	v4 =	vor.u32 $0x1007, v1;
	_ =	sdelay $0x3  }
0xae: {  	[tilespmem:v3+s10+$0x0] =	vst.idx.msk $0xffff, v2  }
0xaf: {  	v3 =	vor.u32 $0x3A0, v0;
	v2 =	vld.idx.msk [tilespmem:v4+s8+$0x0], $0xffff  }
0xb0: {  	v4 =	vor.u32 $0x1807, v1;
	_ =	sdelay $0x3  }
0xb1: {  	[tilespmem:v3+s10+$0x0] =	vst.idx.msk $0xffff, v2  }
0xb2: {  	v3 =	vor.u32 $0x3B0, v0;
	v2 =	vld.idx.msk [tilespmem:v4+s8+$0x0], $0xffff  }
0xb3: {  	v4 =	vor.u32 $0x2007, v1;
	_ =	sdelay $0x3  }
0xb4: {  	[tilespmem:v3+s10+$0x0] =	vst.idx.msk $0xffff, v2  }
0xb5: {  	v3 =	vor.u32 $0x3C0, v0;
	v2 =	vld.idx.msk [tilespmem:v4+s8+$0x0], $0xffff  }
0xb6: {  	v4 =	vor.u32 $0x2807, v1;
	_ =	sdelay $0x3  }
0xb7: {  	[tilespmem:v3+s10+$0x0] =	vst.idx.msk $0xffff, v2  }
0xb8: {  	v3 =	vor.u32 $0x3D0, v0;
	v2 =	vld.idx.msk [tilespmem:v4+s8+$0x0], $0xffff  }
0xb9: {  	v4 =	vor.u32 $0x3007, v1;
	_ =	sdelay $0x3  }
0xba: {  	[tilespmem:v3+s10+$0x0] =	vst.idx.msk $0xffff, v2  }
0xbb: {  	v3 =	vor.u32 $0x3E0, v0;
	v2 =	vld.idx.msk [tilespmem:v4+s8+$0x0], $0xffff  }
0xbc: {  	v4 =	vor.u32 $0x3807, v1;
	_ =	sdelay $0x3  }
0xbd: {  	[tilespmem:v3+s10+$0x0] =	vst.idx.msk $0xffff, v2  }
0xbe: {  	v3 =	vor.u32 $0x3F0, v0;
	v2 =	vld.idx.msk [tilespmem:v4+s8+$0x0], $0xffff  }
0xbf: {  	v4 =	vor.u32 $0x8, v1;
	_ =	sdelay $0x3  }
0xc0: {  	[tilespmem:v3+s10+$0x0] =	vst.idx.msk $0xffff, v2  }
0xc1: {  	v3 =	vor.u32 $0x400, v0;
	v2 =	vld.idx.msk [tilespmem:v4+s8+$0x0], $0xffff  }
0xc2: {  	v4 =	vor.u32 $0x808, v1;
	_ =	sdelay $0x3  }
0xc3: {  	[tilespmem:v3+s10+$0x0] =	vst.idx.msk $0xffff, v2  }
0xc4: {  	v3 =	vor.u32 $0x410, v0;
	v2 =	vld.idx.msk [tilespmem:v4+s8+$0x0], $0xffff  }
0xc5: {  	v4 =	vor.u32 $0x1008, v1;
	_ =	sdelay $0x3  }
0xc6: {  	[tilespmem:v3+s10+$0x0] =	vst.idx.msk $0xffff, v2  }
0xc7: {  	v3 =	vor.u32 $0x420, v0;
	v2 =	vld.idx.msk [tilespmem:v4+s8+$0x0], $0xffff  }
0xc8: {  	v4 =	vor.u32 $0x1808, v1;
	_ =	sdelay $0x3  }
0xc9: {  	[tilespmem:v3+s10+$0x0] =	vst.idx.msk $0xffff, v2  }
0xca: {  	v3 =	vor.u32 $0x430, v0;
	v2 =	vld.idx.msk [tilespmem:v4+s8+$0x0], $0xffff  }
0xcb: {  	v4 =	vor.u32 $0x2008, v1;
	_ =	sdelay $0x3  }
0xcc: {  	[tilespmem:v3+s10+$0x0] =	vst.idx.msk $0xffff, v2  }
0xcd: {  	v3 =	vor.u32 $0x440, v0;
	v2 =	vld.idx.msk [tilespmem:v4+s8+$0x0], $0xffff  }
0xce: {  	v4 =	vor.u32 $0x2808, v1;
	_ =	sdelay $0x3  }
0xcf: {  	[tilespmem:v3+s10+$0x0] =	vst.idx.msk $0xffff, v2  }
0xd0: {  	v3 =	vor.u32 $0x450, v0;
	v2 =	vld.idx.msk [tilespmem:v4+s8+$0x0], $0xffff  }
0xd1: {  	v4 =	vor.u32 $0x3008, v1;
	_ =	sdelay $0x3  }
0xd2: {  	[tilespmem:v3+s10+$0x0] =	vst.idx.msk $0xffff, v2  }
0xd3: {  	v3 =	vor.u32 $0x460, v0;
	v2 =	vld.idx.msk [tilespmem:v4+s8+$0x0], $0xffff  }
0xd4: {  	v4 =	vor.u32 $0x3808, v1;
	_ =	sdelay $0x3  }
0xd5: {  	[tilespmem:v3+s10+$0x0] =	vst.idx.msk $0xffff, v2  }
0xd6: {  	v3 =	vor.u32 $0x470, v0;
	v2 =	vld.idx.msk [tilespmem:v4+s8+$0x0], $0xffff  }
0xd7: {  	v4 =	vor.u32 $0x9, v1;
	_ =	sdelay $0x3  }
0xd8: {  	[tilespmem:v3+s10+$0x0] =	vst.idx.msk $0xffff, v2  }
0xd9: {  	v3 =	vor.u32 $0x480, v0;
	v2 =	vld.idx.msk [tilespmem:v4+s8+$0x0], $0xffff  }
0xda: {  	v4 =	vor.u32 $0x809, v1;
	_ =	sdelay $0x3  }
0xdb: {  	[tilespmem:v3+s10+$0x0] =	vst.idx.msk $0xffff, v2  }
0xdc: {  	v3 =	vor.u32 $0x490, v0;
	v2 =	vld.idx.msk [tilespmem:v4+s8+$0x0], $0xffff  }
0xdd: {  	v4 =	vor.u32 $0x1009, v1;
	_ =	sdelay $0x3  }
0xde: {  	[tilespmem:v3+s10+$0x0] =	vst.idx.msk $0xffff, v2  }
0xdf: {  	v3 =	vor.u32 $0x4A0, v0;
	v2 =	vld.idx.msk [tilespmem:v4+s8+$0x0], $0xffff  }
0xe0: {  	v4 =	vor.u32 $0x1809, v1;
	_ =	sdelay $0x3  }
0xe1: {  	[tilespmem:v3+s10+$0x0] =	vst.idx.msk $0xffff, v2  }
0xe2: {  	v3 =	vor.u32 $0x4B0, v0;
	v2 =	vld.idx.msk [tilespmem:v4+s8+$0x0], $0xffff  }
0xe3: {  	v4 =	vor.u32 $0x2009, v1;
	_ =	sdelay $0x3  }
0xe4: {  	[tilespmem:v3+s10+$0x0] =	vst.idx.msk $0xffff, v2  }
0xe5: {  	v3 =	vor.u32 $0x4C0, v0;
	v2 =	vld.idx.msk [tilespmem:v4+s8+$0x0], $0xffff  }
0xe6: {  	v4 =	vor.u32 $0x2809, v1;
	_ =	sdelay $0x3  }
0xe7: {  	[tilespmem:v3+s10+$0x0] =	vst.idx.msk $0xffff, v2  }
0xe8: {  	v3 =	vor.u32 $0x4D0, v0;
	v2 =	vld.idx.msk [tilespmem:v4+s8+$0x0], $0xffff  }
0xe9: {  	v4 =	vor.u32 $0x3009, v1;
	_ =	sdelay $0x3  }
0xea: {  	[tilespmem:v3+s10+$0x0] =	vst.idx.msk $0xffff, v2  }
0xeb: {  	v3 =	vor.u32 $0x4E0, v0;
	v2 =	vld.idx.msk [tilespmem:v4+s8+$0x0], $0xffff  }
0xec: {  	v4 =	vor.u32 $0x3809, v1;
	_ =	sdelay $0x3  }
0xed: {  	[tilespmem:v3+s10+$0x0] =	vst.idx.msk $0xffff, v2  }
0xee: {  	v3 =	vor.u32 $0x4F0, v0;
	v2 =	vld.idx.msk [tilespmem:v4+s8+$0x0], $0xffff  }
0xef: {  	v4 =	vor.u32 $0xA, v1;
	_ =	sdelay $0x3  }
0xf0: {  	[tilespmem:v3+s10+$0x0] =	vst.idx.msk $0xffff, v2  }
0xf1: {  	v3 =	vor.u32 $0x500, v0;
	v2 =	vld.idx.msk [tilespmem:v4+s8+$0x0], $0xffff  }
0xf2: {  	v4 =	vor.u32 $0x80A, v1;
	_ =	sdelay $0x3  }
0xf3: {  	[tilespmem:v3+s10+$0x0] =	vst.idx.msk $0xffff, v2  }
0xf4: {  	v3 =	vor.u32 $0x510, v0;
	v2 =	vld.idx.msk [tilespmem:v4+s8+$0x0], $0xffff  }
0xf5: {  	v4 =	vor.u32 $0x100A, v1;
	_ =	sdelay $0x3  }
0xf6: {  	[tilespmem:v3+s10+$0x0] =	vst.idx.msk $0xffff, v2  }
0xf7: {  	v3 =	vor.u32 $0x520, v0;
	v2 =	vld.idx.msk [tilespmem:v4+s8+$0x0], $0xffff  }
0xf8: {  	v4 =	vor.u32 $0x180A, v1;
	_ =	sdelay $0x3  }
0xf9: {  	[tilespmem:v3+s10+$0x0] =	vst.idx.msk $0xffff, v2  }
0xfa: {  	v3 =	vor.u32 $0x530, v0;
	v2 =	vld.idx.msk [tilespmem:v4+s8+$0x0], $0xffff  }
0xfb: {  	v4 =	vor.u32 $0x200A, v1;
	_ =	sdelay $0x3  }
0xfc: {  	[tilespmem:v3+s10+$0x0] =	vst.idx.msk $0xffff, v2  }
0xfd: {  	v3 =	vor.u32 $0x540, v0;
	v2 =	vld.idx.msk [tilespmem:v4+s8+$0x0], $0xffff  }
0xfe: {  	v4 =	vor.u32 $0x280A, v1;
	_ =	sdelay $0x3  }
0xff: {  	[tilespmem:v3+s10+$0x0] =	vst.idx.msk $0xffff, v2  }
0x100: {  	v3 =	vor.u32 $0x550, v0;
	v2 =	vld.idx.msk [tilespmem:v4+s8+$0x0], $0xffff  }
0x101: {  	v4 =	vor.u32 $0x300A, v1;
	_ =	sdelay $0x3  }
0x102: {  	[tilespmem:v3+s10+$0x0] =	vst.idx.msk $0xffff, v2  }
0x103: {  	v3 =	vor.u32 $0x560, v0;
	v2 =	vld.idx.msk [tilespmem:v4+s8+$0x0], $0xffff  }
0x104: {  	v4 =	vor.u32 $0x380A, v1;
	_ =	sdelay $0x3  }
0x105: {  	[tilespmem:v3+s10+$0x0] =	vst.idx.msk $0xffff, v2  }
0x106: {  	v3 =	vor.u32 $0x570, v0;
	v2 =	vld.idx.msk [tilespmem:v4+s8+$0x0], $0xffff  }
0x107: {  	v4 =	vor.u32 $0xB, v1;
	_ =	sdelay $0x3  }
0x108: {  	[tilespmem:v3+s10+$0x0] =	vst.idx.msk $0xffff, v2  }
0x109: {  	v3 =	vor.u32 $0x580, v0;
	v2 =	vld.idx.msk [tilespmem:v4+s8+$0x0], $0xffff  }
0x10a: {  	v4 =	vor.u32 $0x80B, v1;
	_ =	sdelay $0x3  }
0x10b: {  	[tilespmem:v3+s10+$0x0] =	vst.idx.msk $0xffff, v2  }
0x10c: {  	v3 =	vor.u32 $0x590, v0;
	v2 =	vld.idx.msk [tilespmem:v4+s8+$0x0], $0xffff  }
0x10d: {  	v4 =	vor.u32 $0x100B, v1;
	_ =	sdelay $0x3  }
0x10e: {  	[tilespmem:v3+s10+$0x0] =	vst.idx.msk $0xffff, v2  }
0x10f: {  	v3 =	vor.u32 $0x5A0, v0;
	v2 =	vld.idx.msk [tilespmem:v4+s8+$0x0], $0xffff  }
0x110: {  	v4 =	vor.u32 $0x180B, v1;
	_ =	sdelay $0x3  }
0x111: {  	[tilespmem:v3+s10+$0x0] =	vst.idx.msk $0xffff, v2  }
0x112: {  	v3 =	vor.u32 $0x5B0, v0;
	v2 =	vld.idx.msk [tilespmem:v4+s8+$0x0], $0xffff  }
0x113: {  	v4 =	vor.u32 $0x200B, v1;
	_ =	sdelay $0x3  }
0x114: {  	[tilespmem:v3+s10+$0x0] =	vst.idx.msk $0xffff, v2  }
0x115: {  	v3 =	vor.u32 $0x5C0, v0;
	v2 =	vld.idx.msk [tilespmem:v4+s8+$0x0], $0xffff  }
0x116: {  	v4 =	vor.u32 $0x280B, v1;
	_ =	sdelay $0x3  }
0x117: {  	[tilespmem:v3+s10+$0x0] =	vst.idx.msk $0xffff, v2  }
0x118: {  	v3 =	vor.u32 $0x5D0, v0;
	v2 =	vld.idx.msk [tilespmem:v4+s8+$0x0], $0xffff  }
0x119: {  	v4 =	vor.u32 $0x300B, v1;
	_ =	sdelay $0x3  }
0x11a: {  	[tilespmem:v3+s10+$0x0] =	vst.idx.msk $0xffff, v2  }
0x11b: {  	v3 =	vor.u32 $0x5E0, v0;
	v2 =	vld.idx.msk [tilespmem:v4+s8+$0x0], $0xffff  }
0x11c: {  	v4 =	vor.u32 $0x380B, v1;
	_ =	sdelay $0x3  }
0x11d: {  	[tilespmem:v3+s10+$0x0] =	vst.idx.msk $0xffff, v2  }
0x11e: {  	v3 =	vor.u32 $0x5F0, v0;
	v2 =	vld.idx.msk [tilespmem:v4+s8+$0x0], $0xffff  }
0x11f: {  	v4 =	vor.u32 $0xC, v1;
	_ =	sdelay $0x3  }
0x120: {  	[tilespmem:v3+s10+$0x0] =	vst.idx.msk $0xffff, v2  }
0x121: {  	v3 =	vor.u32 $0x600, v0;
	v2 =	vld.idx.msk [tilespmem:v4+s8+$0x0], $0xffff  }
0x122: {  	v4 =	vor.u32 $0x80C, v1;
	_ =	sdelay $0x3  }
0x123: {  	[tilespmem:v3+s10+$0x0] =	vst.idx.msk $0xffff, v2  }
0x124: {  	v3 =	vor.u32 $0x610, v0;
	v2 =	vld.idx.msk [tilespmem:v4+s8+$0x0], $0xffff  }
0x125: {  	v4 =	vor.u32 $0x100C, v1;
	_ =	sdelay $0x3  }
0x126: {  	[tilespmem:v3+s10+$0x0] =	vst.idx.msk $0xffff, v2  }
0x127: {  	v3 =	vor.u32 $0x620, v0;
	v2 =	vld.idx.msk [tilespmem:v4+s8+$0x0], $0xffff  }
0x128: {  	v4 =	vor.u32 $0x180C, v1;
	_ =	sdelay $0x3  }
0x129: {  	[tilespmem:v3+s10+$0x0] =	vst.idx.msk $0xffff, v2  }
0x12a: {  	v3 =	vor.u32 $0x630, v0;
	v2 =	vld.idx.msk [tilespmem:v4+s8+$0x0], $0xffff  }
0x12b: {  	v4 =	vor.u32 $0x200C, v1;
	_ =	sdelay $0x3  }
0x12c: {  	[tilespmem:v3+s10+$0x0] =	vst.idx.msk $0xffff, v2  }
0x12d: {  	v3 =	vor.u32 $0x640, v0;
	v2 =	vld.idx.msk [tilespmem:v4+s8+$0x0], $0xffff  }
0x12e: {  	v4 =	vor.u32 $0x280C, v1;
	_ =	sdelay $0x3  }
0x12f: {  	[tilespmem:v3+s10+$0x0] =	vst.idx.msk $0xffff, v2  }
0x130: {  	v3 =	vor.u32 $0x650, v0;
	v2 =	vld.idx.msk [tilespmem:v4+s8+$0x0], $0xffff  }
0x131: {  	v4 =	vor.u32 $0x300C, v1;
	_ =	sdelay $0x3  }
0x132: {  	[tilespmem:v3+s10+$0x0] =	vst.idx.msk $0xffff, v2  }
0x133: {  	v3 =	vor.u32 $0x660, v0;
	v2 =	vld.idx.msk [tilespmem:v4+s8+$0x0], $0xffff  }
0x134: {  	v4 =	vor.u32 $0x380C, v1;
	_ =	sdelay $0x3  }
0x135: {  	[tilespmem:v3+s10+$0x0] =	vst.idx.msk $0xffff, v2  }
0x136: {  	v3 =	vor.u32 $0x670, v0;
	v2 =	vld.idx.msk [tilespmem:v4+s8+$0x0], $0xffff  }
0x137: {  	v4 =	vor.u32 $0xD, v1;
	_ =	sdelay $0x3  }
0x138: {  	[tilespmem:v3+s10+$0x0] =	vst.idx.msk $0xffff, v2  }
0x139: {  	v3 =	vor.u32 $0x680, v0;
	v2 =	vld.idx.msk [tilespmem:v4+s8+$0x0], $0xffff  }
0x13a: {  	v4 =	vor.u32 $0x80D, v1;
	_ =	sdelay $0x3  }
0x13b: {  	[tilespmem:v3+s10+$0x0] =	vst.idx.msk $0xffff, v2  }
0x13c: {  	v3 =	vor.u32 $0x690, v0;
	v2 =	vld.idx.msk [tilespmem:v4+s8+$0x0], $0xffff  }
0x13d: {  	v4 =	vor.u32 $0x100D, v1;
	_ =	sdelay $0x3  }
0x13e: {  	[tilespmem:v3+s10+$0x0] =	vst.idx.msk $0xffff, v2  }
0x13f: {  	v3 =	vor.u32 $0x6A0, v0;
	v2 =	vld.idx.msk [tilespmem:v4+s8+$0x0], $0xffff  }
0x140: {  	v4 =	vor.u32 $0x180D, v1;
	_ =	sdelay $0x3  }
0x141: {  	[tilespmem:v3+s10+$0x0] =	vst.idx.msk $0xffff, v2  }
0x142: {  	v3 =	vor.u32 $0x6B0, v0;
	v2 =	vld.idx.msk [tilespmem:v4+s8+$0x0], $0xffff  }
0x143: {  	v4 =	vor.u32 $0x200D, v1;
	_ =	sdelay $0x3  }
0x144: {  	[tilespmem:v3+s10+$0x0] =	vst.idx.msk $0xffff, v2  }
0x145: {  	v3 =	vor.u32 $0x6C0, v0;
	v2 =	vld.idx.msk [tilespmem:v4+s8+$0x0], $0xffff  }
0x146: {  	v4 =	vor.u32 $0x280D, v1;
	_ =	sdelay $0x3  }
0x147: {  	[tilespmem:v3+s10+$0x0] =	vst.idx.msk $0xffff, v2  }
0x148: {  	v3 =	vor.u32 $0x6D0, v0;
	v2 =	vld.idx.msk [tilespmem:v4+s8+$0x0], $0xffff  }
0x149: {  	v4 =	vor.u32 $0x300D, v1;
	_ =	sdelay $0x3  }
0x14a: {  	[tilespmem:v3+s10+$0x0] =	vst.idx.msk $0xffff, v2  }
0x14b: {  	v3 =	vor.u32 $0x6E0, v0;
	v2 =	vld.idx.msk [tilespmem:v4+s8+$0x0], $0xffff  }
0x14c: {  	v4 =	vor.u32 $0x380D, v1;
	_ =	sdelay $0x3  }
0x14d: {  	[tilespmem:v3+s10+$0x0] =	vst.idx.msk $0xffff, v2  }
0x14e: {  	v3 =	vor.u32 $0x6F0, v0;
	v2 =	vld.idx.msk [tilespmem:v4+s8+$0x0], $0xffff  }
0x14f: {  	v4 =	vor.u32 $0xE, v1;
	_ =	sdelay $0x3  }
0x150: {  	[tilespmem:v3+s10+$0x0] =	vst.idx.msk $0xffff, v2  }
0x151: {  	v3 =	vor.u32 $0x700, v0;
	v2 =	vld.idx.msk [tilespmem:v4+s8+$0x0], $0xffff  }
0x152: {  	v4 =	vor.u32 $0x80E, v1;
	_ =	sdelay $0x3  }
0x153: {  	[tilespmem:v3+s10+$0x0] =	vst.idx.msk $0xffff, v2  }
0x154: {  	v3 =	vor.u32 $0x710, v0;
	v2 =	vld.idx.msk [tilespmem:v4+s8+$0x0], $0xffff  }
0x155: {  	v4 =	vor.u32 $0x100E, v1;
	_ =	sdelay $0x3  }
0x156: {  	[tilespmem:v3+s10+$0x0] =	vst.idx.msk $0xffff, v2  }
0x157: {  	v3 =	vor.u32 $0x720, v0;
	v2 =	vld.idx.msk [tilespmem:v4+s8+$0x0], $0xffff  }
0x158: {  	v4 =	vor.u32 $0x180E, v1;
	_ =	sdelay $0x3  }
0x159: {  	[tilespmem:v3+s10+$0x0] =	vst.idx.msk $0xffff, v2  }
0x15a: {  	v3 =	vor.u32 $0x730, v0;
	v2 =	vld.idx.msk [tilespmem:v4+s8+$0x0], $0xffff  }
0x15b: {  	v4 =	vor.u32 $0x200E, v1;
	_ =	sdelay $0x3  }
0x15c: {  	[tilespmem:v3+s10+$0x0] =	vst.idx.msk $0xffff, v2  }
0x15d: {  	v3 =	vor.u32 $0x740, v0;
	v2 =	vld.idx.msk [tilespmem:v4+s8+$0x0], $0xffff  }
0x15e: {  	v4 =	vor.u32 $0x280E, v1;
	_ =	sdelay $0x3  }
0x15f: {  	[tilespmem:v3+s10+$0x0] =	vst.idx.msk $0xffff, v2  }
0x160: {  	v3 =	vor.u32 $0x750, v0;
	v2 =	vld.idx.msk [tilespmem:v4+s8+$0x0], $0xffff  }
0x161: {  	v4 =	vor.u32 $0x300E, v1;
	_ =	sdelay $0x3  }
0x162: {  	[tilespmem:v3+s10+$0x0] =	vst.idx.msk $0xffff, v2  }
0x163: {  	v3 =	vor.u32 $0x760, v0;
	v2 =	vld.idx.msk [tilespmem:v4+s8+$0x0], $0xffff  }
0x164: {  	v4 =	vor.u32 $0x380E, v1;
	_ =	sdelay $0x3  }
0x165: {  	[tilespmem:v3+s10+$0x0] =	vst.idx.msk $0xffff, v2  }
0x166: {  	v3 =	vor.u32 $0x770, v0;
	v2 =	vld.idx.msk [tilespmem:v4+s8+$0x0], $0xffff  }
0x167: {  	v4 =	vor.u32 $0xF, v1;
	_ =	sdelay $0x3  }
0x168: {  	[tilespmem:v3+s10+$0x0] =	vst.idx.msk $0xffff, v2  }
0x169: {  	v3 =	vor.u32 $0x780, v0;
	v2 =	vld.idx.msk [tilespmem:v4+s8+$0x0], $0xffff  }
0x16a: {  	v4 =	vor.u32 $0x80F, v1;
	_ =	sdelay $0x3  }
0x16b: {  	[tilespmem:v3+s10+$0x0] =	vst.idx.msk $0xffff, v2  }
0x16c: {  	v3 =	vor.u32 $0x790, v0;
	v2 =	vld.idx.msk [tilespmem:v4+s8+$0x0], $0xffff  }
0x16d: {  	v4 =	vor.u32 $0x100F, v1;
	_ =	sdelay $0x3  }
0x16e: {  	[tilespmem:v3+s10+$0x0] =	vst.idx.msk $0xffff, v2  }
0x16f: {  	v3 =	vor.u32 $0x7A0, v0;
	v2 =	vld.idx.msk [tilespmem:v4+s8+$0x0], $0xffff  }
0x170: {  	v4 =	vor.u32 $0x180F, v1;
	_ =	sdelay $0x3  }
0x171: {  	[tilespmem:v3+s10+$0x0] =	vst.idx.msk $0xffff, v2  }
0x172: {  	v3 =	vor.u32 $0x7B0, v0;
	v2 =	vld.idx.msk [tilespmem:v4+s8+$0x0], $0xffff  }
0x173: {  	v4 =	vor.u32 $0x200F, v1;
	_ =	sdelay $0x3  }
0x174: {  	[tilespmem:v3+s10+$0x0] =	vst.idx.msk $0xffff, v2  }
0x175: {  	v3 =	vor.u32 $0x7C0, v0;
	v2 =	vld.idx.msk [tilespmem:v4+s8+$0x0], $0xffff  }
0x176: {  	v4 =	vor.u32 $0x280F, v1;
	_ =	sdelay $0x3  }
0x177: {  	[tilespmem:v3+s10+$0x0] =	vst.idx.msk $0xffff, v2  }
0x178: {  	v3 =	vor.u32 $0x7D0, v0;
	v2 =	vld.idx.msk [tilespmem:v4+s8+$0x0], $0xffff  }
0x179: {  	v4 =	vor.u32 $0x300F, v1;
	_ =	sdelay $0x3  }
0x17a: {  	[tilespmem:v3+s10+$0x0] =	vst.idx.msk $0xffff, v2  }
0x17b: {  	v3 =	vor.u32 $0x7E0, v0;
	v2 =	vld.idx.msk [tilespmem:v4+s8+$0x0], $0xffff  }
0x17c: {  	v4 =	vor.u32 $0x380F, v1;
	_ =	sdelay $0x3  }
0x17d: {  	[tilespmem:v3+s10+$0x0] =	vst.idx.msk $0xffff, v2  }
0x17e: {  	v3 =	vor.u32 $0x7F0, v0;
	v2 =	vld.idx.msk [tilespmem:v4+s8+$0x0], $0xffff  }
0x17f: {  	v4 =	vor.u32 $0x10, v1;
	_ =	sdelay $0x3  }
0x180: {  	[tilespmem:v3+s10+$0x0] =	vst.idx.msk $0xffff, v2  }
0x181: {  	v3 =	vor.u32 $0x800, v0;
	v2 =	vld.idx.msk [tilespmem:v4+s8+$0x0], $0xffff  }
0x182: {  	v4 =	vor.u32 $0x810, v1;
	_ =	sdelay $0x3  }
0x183: {  	[tilespmem:v3+s10+$0x0] =	vst.idx.msk $0xffff, v2  }
0x184: {  	v3 =	vor.u32 $0x810, v0;
	v2 =	vld.idx.msk [tilespmem:v4+s8+$0x0], $0xffff  }
0x185: {  	v4 =	vor.u32 $0x1010, v1;
	_ =	sdelay $0x3  }
0x186: {  	[tilespmem:v3+s10+$0x0] =	vst.idx.msk $0xffff, v2  }
0x187: {  	v3 =	vor.u32 $0x820, v0;
	v2 =	vld.idx.msk [tilespmem:v4+s8+$0x0], $0xffff  }
0x188: {  	v4 =	vor.u32 $0x1810, v1;
	_ =	sdelay $0x3  }
0x189: {  	[tilespmem:v3+s10+$0x0] =	vst.idx.msk $0xffff, v2  }
0x18a: {  	v3 =	vor.u32 $0x830, v0;
	v2 =	vld.idx.msk [tilespmem:v4+s8+$0x0], $0xffff  }
0x18b: {  	v4 =	vor.u32 $0x2010, v1;
	_ =	sdelay $0x3  }
0x18c: {  	[tilespmem:v3+s10+$0x0] =	vst.idx.msk $0xffff, v2  }
0x18d: {  	v3 =	vor.u32 $0x840, v0;
	v2 =	vld.idx.msk [tilespmem:v4+s8+$0x0], $0xffff  }
0x18e: {  	v4 =	vor.u32 $0x2810, v1;
	_ =	sdelay $0x3  }
0x18f: {  	[tilespmem:v3+s10+$0x0] =	vst.idx.msk $0xffff, v2  }
0x190: {  	v3 =	vor.u32 $0x850, v0;
	v2 =	vld.idx.msk [tilespmem:v4+s8+$0x0], $0xffff  }
0x191: {  	v4 =	vor.u32 $0x3010, v1;
	_ =	sdelay $0x3  }
0x192: {  	[tilespmem:v3+s10+$0x0] =	vst.idx.msk $0xffff, v2  }
0x193: {  	v3 =	vor.u32 $0x860, v0;
	v2 =	vld.idx.msk [tilespmem:v4+s8+$0x0], $0xffff  }
0x194: {  	v4 =	vor.u32 $0x3810, v1;
	_ =	sdelay $0x3  }
0x195: {  	[tilespmem:v3+s10+$0x0] =	vst.idx.msk $0xffff, v2  }
0x196: {  	v3 =	vor.u32 $0x870, v0;
	v2 =	vld.idx.msk [tilespmem:v4+s8+$0x0], $0xffff  }
0x197: {  	v4 =	vor.u32 $0x11, v1;
	_ =	sdelay $0x3  }
0x198: {  	[tilespmem:v3+s10+$0x0] =	vst.idx.msk $0xffff, v2  }
0x199: {  	v3 =	vor.u32 $0x880, v0;
	v2 =	vld.idx.msk [tilespmem:v4+s8+$0x0], $0xffff  }
0x19a: {  	v4 =	vor.u32 $0x811, v1;
	_ =	sdelay $0x3  }
0x19b: {  	[tilespmem:v3+s10+$0x0] =	vst.idx.msk $0xffff, v2  }
0x19c: {  	v3 =	vor.u32 $0x890, v0;
	v2 =	vld.idx.msk [tilespmem:v4+s8+$0x0], $0xffff  }
0x19d: {  	v4 =	vor.u32 $0x1011, v1;
	_ =	sdelay $0x3  }
0x19e: {  	[tilespmem:v3+s10+$0x0] =	vst.idx.msk $0xffff, v2  }
0x19f: {  	v3 =	vor.u32 $0x8A0, v0;
	v2 =	vld.idx.msk [tilespmem:v4+s8+$0x0], $0xffff  }
0x1a0: {  	v4 =	vor.u32 $0x1811, v1;
	_ =	sdelay $0x3  }
0x1a1: {  	[tilespmem:v3+s10+$0x0] =	vst.idx.msk $0xffff, v2  }
0x1a2: {  	v3 =	vor.u32 $0x8B0, v0;
	v2 =	vld.idx.msk [tilespmem:v4+s8+$0x0], $0xffff  }
0x1a3: {  	v4 =	vor.u32 $0x2011, v1;
	_ =	sdelay $0x3  }
0x1a4: {  	[tilespmem:v3+s10+$0x0] =	vst.idx.msk $0xffff, v2  }
0x1a5: {  	v3 =	vor.u32 $0x8C0, v0;
	v2 =	vld.idx.msk [tilespmem:v4+s8+$0x0], $0xffff  }
0x1a6: {  	v4 =	vor.u32 $0x2811, v1;
	_ =	sdelay $0x3  }
0x1a7: {  	[tilespmem:v3+s10+$0x0] =	vst.idx.msk $0xffff, v2  }
0x1a8: {  	v3 =	vor.u32 $0x8D0, v0;
	v2 =	vld.idx.msk [tilespmem:v4+s8+$0x0], $0xffff  }
0x1a9: {  	v4 =	vor.u32 $0x3011, v1;
	_ =	sdelay $0x3  }
0x1aa: {  	[tilespmem:v3+s10+$0x0] =	vst.idx.msk $0xffff, v2  }
0x1ab: {  	v3 =	vor.u32 $0x8E0, v0;
	v2 =	vld.idx.msk [tilespmem:v4+s8+$0x0], $0xffff  }
0x1ac: {  	v4 =	vor.u32 $0x3811, v1;
	_ =	sdelay $0x3  }
0x1ad: {  	[tilespmem:v3+s10+$0x0] =	vst.idx.msk $0xffff, v2  }
0x1ae: {  	v3 =	vor.u32 $0x8F0, v0;
	v2 =	vld.idx.msk [tilespmem:v4+s8+$0x0], $0xffff  }
0x1af: {  	v4 =	vor.u32 $0x12, v1;
	_ =	sdelay $0x3  }
0x1b0: {  	[tilespmem:v3+s10+$0x0] =	vst.idx.msk $0xffff, v2  }
0x1b1: {  	v3 =	vor.u32 $0x900, v0;
	v2 =	vld.idx.msk [tilespmem:v4+s8+$0x0], $0xffff  }
0x1b2: {  	v4 =	vor.u32 $0x812, v1;
	_ =	sdelay $0x3  }
0x1b3: {  	[tilespmem:v3+s10+$0x0] =	vst.idx.msk $0xffff, v2  }
0x1b4: {  	v3 =	vor.u32 $0x910, v0;
	v2 =	vld.idx.msk [tilespmem:v4+s8+$0x0], $0xffff  }
0x1b5: {  	v4 =	vor.u32 $0x1012, v1;
	_ =	sdelay $0x3  }
0x1b6: {  	[tilespmem:v3+s10+$0x0] =	vst.idx.msk $0xffff, v2  }
0x1b7: {  	v3 =	vor.u32 $0x920, v0;
	v2 =	vld.idx.msk [tilespmem:v4+s8+$0x0], $0xffff  }
0x1b8: {  	v4 =	vor.u32 $0x1812, v1;
	_ =	sdelay $0x3  }
0x1b9: {  	[tilespmem:v3+s10+$0x0] =	vst.idx.msk $0xffff, v2  }
0x1ba: {  	v3 =	vor.u32 $0x930, v0;
	v2 =	vld.idx.msk [tilespmem:v4+s8+$0x0], $0xffff  }
0x1bb: {  	v4 =	vor.u32 $0x2012, v1;
	_ =	sdelay $0x3  }
0x1bc: {  	[tilespmem:v3+s10+$0x0] =	vst.idx.msk $0xffff, v2  }
0x1bd: {  	v3 =	vor.u32 $0x940, v0;
	v2 =	vld.idx.msk [tilespmem:v4+s8+$0x0], $0xffff  }
0x1be: {  	v4 =	vor.u32 $0x2812, v1;
	_ =	sdelay $0x3  }
0x1bf: {  	[tilespmem:v3+s10+$0x0] =	vst.idx.msk $0xffff, v2  }
0x1c0: {  	v3 =	vor.u32 $0x950, v0;
	v2 =	vld.idx.msk [tilespmem:v4+s8+$0x0], $0xffff  }
0x1c1: {  	v4 =	vor.u32 $0x3012, v1;
	_ =	sdelay $0x3  }
0x1c2: {  	[tilespmem:v3+s10+$0x0] =	vst.idx.msk $0xffff, v2  }
0x1c3: {  	v3 =	vor.u32 $0x960, v0;
	v2 =	vld.idx.msk [tilespmem:v4+s8+$0x0], $0xffff  }
0x1c4: {  	v4 =	vor.u32 $0x3812, v1;
	_ =	sdelay $0x3  }
0x1c5: {  	[tilespmem:v3+s10+$0x0] =	vst.idx.msk $0xffff, v2  }
0x1c6: {  	v3 =	vor.u32 $0x970, v0;
	v2 =	vld.idx.msk [tilespmem:v4+s8+$0x0], $0xffff  }
0x1c7: {  	v4 =	vor.u32 $0x13, v1;
	_ =	sdelay $0x3  }
0x1c8: {  	[tilespmem:v3+s10+$0x0] =	vst.idx.msk $0xffff, v2  }
0x1c9: {  	v3 =	vor.u32 $0x980, v0;
	v2 =	vld.idx.msk [tilespmem:v4+s8+$0x0], $0xffff  }
0x1ca: {  	v4 =	vor.u32 $0x813, v1;
	_ =	sdelay $0x3  }
0x1cb: {  	[tilespmem:v3+s10+$0x0] =	vst.idx.msk $0xffff, v2  }
0x1cc: {  	v3 =	vor.u32 $0x990, v0;
	v2 =	vld.idx.msk [tilespmem:v4+s8+$0x0], $0xffff  }
0x1cd: {  	v4 =	vor.u32 $0x1013, v1;
	_ =	sdelay $0x3  }
0x1ce: {  	[tilespmem:v3+s10+$0x0] =	vst.idx.msk $0xffff, v2  }
0x1cf: {  	v3 =	vor.u32 $0x9A0, v0;
	v2 =	vld.idx.msk [tilespmem:v4+s8+$0x0], $0xffff  }
0x1d0: {  	v4 =	vor.u32 $0x1813, v1;
	_ =	sdelay $0x3  }
0x1d1: {  	[tilespmem:v3+s10+$0x0] =	vst.idx.msk $0xffff, v2  }
0x1d2: {  	v3 =	vor.u32 $0x9B0, v0;
	v2 =	vld.idx.msk [tilespmem:v4+s8+$0x0], $0xffff  }
0x1d3: {  	v4 =	vor.u32 $0x2013, v1;
	_ =	sdelay $0x3  }
0x1d4: {  	[tilespmem:v3+s10+$0x0] =	vst.idx.msk $0xffff, v2  }
0x1d5: {  	v3 =	vor.u32 $0x9C0, v0;
	v2 =	vld.idx.msk [tilespmem:v4+s8+$0x0], $0xffff  }
0x1d6: {  	v4 =	vor.u32 $0x2813, v1;
	_ =	sdelay $0x3  }
0x1d7: {  	[tilespmem:v3+s10+$0x0] =	vst.idx.msk $0xffff, v2  }
0x1d8: {  	v3 =	vor.u32 $0x9D0, v0;
	v2 =	vld.idx.msk [tilespmem:v4+s8+$0x0], $0xffff  }
0x1d9: {  	v4 =	vor.u32 $0x3013, v1;
	_ =	sdelay $0x3  }
0x1da: {  	[tilespmem:v3+s10+$0x0] =	vst.idx.msk $0xffff, v2  }
0x1db: {  	v3 =	vor.u32 $0x9E0, v0;
	v2 =	vld.idx.msk [tilespmem:v4+s8+$0x0], $0xffff  }
0x1dc: {  	v4 =	vor.u32 $0x3813, v1;
	_ =	sdelay $0x3  }
0x1dd: {  	[tilespmem:v3+s10+$0x0] =	vst.idx.msk $0xffff, v2  }
0x1de: {  	v3 =	vor.u32 $0x9F0, v0;
	v2 =	vld.idx.msk [tilespmem:v4+s8+$0x0], $0xffff  }
0x1df: {  	v4 =	vor.u32 $0x14, v1;
	_ =	sdelay $0x3  }
0x1e0: {  	[tilespmem:v3+s10+$0x0] =	vst.idx.msk $0xffff, v2  }
0x1e1: {  	v3 =	vor.u32 $0xA00, v0;
	v2 =	vld.idx.msk [tilespmem:v4+s8+$0x0], $0xffff  }
0x1e2: {  	v4 =	vor.u32 $0x814, v1;
	_ =	sdelay $0x3  }
0x1e3: {  	[tilespmem:v3+s10+$0x0] =	vst.idx.msk $0xffff, v2  }
0x1e4: {  	v3 =	vor.u32 $0xA10, v0;
	v2 =	vld.idx.msk [tilespmem:v4+s8+$0x0], $0xffff  }
0x1e5: {  	v4 =	vor.u32 $0x1014, v1;
	_ =	sdelay $0x3  }
0x1e6: {  	[tilespmem:v3+s10+$0x0] =	vst.idx.msk $0xffff, v2  }
0x1e7: {  	v3 =	vor.u32 $0xA20, v0;
	v2 =	vld.idx.msk [tilespmem:v4+s8+$0x0], $0xffff  }
0x1e8: {  	v4 =	vor.u32 $0x1814, v1;
	_ =	sdelay $0x3  }
0x1e9: {  	[tilespmem:v3+s10+$0x0] =	vst.idx.msk $0xffff, v2  }
0x1ea: {  	v3 =	vor.u32 $0xA30, v0;
	v2 =	vld.idx.msk [tilespmem:v4+s8+$0x0], $0xffff  }
0x1eb: {  	v4 =	vor.u32 $0x2014, v1;
	_ =	sdelay $0x3  }
0x1ec: {  	[tilespmem:v3+s10+$0x0] =	vst.idx.msk $0xffff, v2  }
0x1ed: {  	v3 =	vor.u32 $0xA40, v0;
	v2 =	vld.idx.msk [tilespmem:v4+s8+$0x0], $0xffff  }
0x1ee: {  	v4 =	vor.u32 $0x2814, v1;
	_ =	sdelay $0x3  }
0x1ef: {  	[tilespmem:v3+s10+$0x0] =	vst.idx.msk $0xffff, v2  }
0x1f0: {  	v3 =	vor.u32 $0xA50, v0;
	v2 =	vld.idx.msk [tilespmem:v4+s8+$0x0], $0xffff  }
0x1f1: {  	v4 =	vor.u32 $0x3014, v1;
	_ =	sdelay $0x3  }
0x1f2: {  	[tilespmem:v3+s10+$0x0] =	vst.idx.msk $0xffff, v2  }
0x1f3: {  	v3 =	vor.u32 $0xA60, v0;
	v2 =	vld.idx.msk [tilespmem:v4+s8+$0x0], $0xffff  }
0x1f4: {  	v4 =	vor.u32 $0x3814, v1;
	_ =	sdelay $0x3  }
0x1f5: {  	[tilespmem:v3+s10+$0x0] =	vst.idx.msk $0xffff, v2  }
0x1f6: {  	v3 =	vor.u32 $0xA70, v0;
	v2 =	vld.idx.msk [tilespmem:v4+s8+$0x0], $0xffff  }
0x1f7: {  	v4 =	vor.u32 $0x15, v1;
	_ =	sdelay $0x3  }
0x1f8: {  	[tilespmem:v3+s10+$0x0] =	vst.idx.msk $0xffff, v2  }
0x1f9: {  	v3 =	vor.u32 $0xA80, v0;
	v2 =	vld.idx.msk [tilespmem:v4+s8+$0x0], $0xffff  }
0x1fa: {  	v4 =	vor.u32 $0x815, v1;
	_ =	sdelay $0x3  }
0x1fb: {  	[tilespmem:v3+s10+$0x0] =	vst.idx.msk $0xffff, v2  }
0x1fc: {  	v3 =	vor.u32 $0xA90, v0;
	v2 =	vld.idx.msk [tilespmem:v4+s8+$0x0], $0xffff  }
0x1fd: {  	v4 =	vor.u32 $0x1015, v1;
	_ =	sdelay $0x3  }
0x1fe: {  	[tilespmem:v3+s10+$0x0] =	vst.idx.msk $0xffff, v2  }
0x1ff: {  	v3 =	vor.u32 $0xAA0, v0;
	v2 =	vld.idx.msk [tilespmem:v4+s8+$0x0], $0xffff  }
0x200: {  	v4 =	vor.u32 $0x1815, v1;
	_ =	sdelay $0x3  }
0x201: {  	[tilespmem:v3+s10+$0x0] =	vst.idx.msk $0xffff, v2  }
0x202: {  	v3 =	vor.u32 $0xAB0, v0;
	v2 =	vld.idx.msk [tilespmem:v4+s8+$0x0], $0xffff  }
0x203: {  	v4 =	vor.u32 $0x2015, v1;
	_ =	sdelay $0x3  }
0x204: {  	[tilespmem:v3+s10+$0x0] =	vst.idx.msk $0xffff, v2  }
0x205: {  	v3 =	vor.u32 $0xAC0, v0;
	v2 =	vld.idx.msk [tilespmem:v4+s8+$0x0], $0xffff  }
0x206: {  	v4 =	vor.u32 $0x2815, v1;
	_ =	sdelay $0x3  }
0x207: {  	[tilespmem:v3+s10+$0x0] =	vst.idx.msk $0xffff, v2  }
0x208: {  	v3 =	vor.u32 $0xAD0, v0;
	v2 =	vld.idx.msk [tilespmem:v4+s8+$0x0], $0xffff  }
0x209: {  	v4 =	vor.u32 $0x3015, v1;
	_ =	sdelay $0x3  }
0x20a: {  	[tilespmem:v3+s10+$0x0] =	vst.idx.msk $0xffff, v2  }
0x20b: {  	v3 =	vor.u32 $0xAE0, v0;
	v2 =	vld.idx.msk [tilespmem:v4+s8+$0x0], $0xffff  }
0x20c: {  	v4 =	vor.u32 $0x3815, v1;
	_ =	sdelay $0x3  }
0x20d: {  	[tilespmem:v3+s10+$0x0] =	vst.idx.msk $0xffff, v2  }
0x20e: {  	v3 =	vor.u32 $0xAF0, v0;
	v2 =	vld.idx.msk [tilespmem:v4+s8+$0x0], $0xffff  }
0x20f: {  	v4 =	vor.u32 $0x16, v1;
	_ =	sdelay $0x3  }
0x210: {  	[tilespmem:v3+s10+$0x0] =	vst.idx.msk $0xffff, v2  }
0x211: {  	v3 =	vor.u32 $0xB00, v0;
	v2 =	vld.idx.msk [tilespmem:v4+s8+$0x0], $0xffff  }
0x212: {  	v4 =	vor.u32 $0x816, v1;
	_ =	sdelay $0x3  }
0x213: {  	[tilespmem:v3+s10+$0x0] =	vst.idx.msk $0xffff, v2  }
0x214: {  	v3 =	vor.u32 $0xB10, v0;
	v2 =	vld.idx.msk [tilespmem:v4+s8+$0x0], $0xffff  }
0x215: {  	v4 =	vor.u32 $0x1016, v1;
	_ =	sdelay $0x3  }
0x216: {  	[tilespmem:v3+s10+$0x0] =	vst.idx.msk $0xffff, v2  }
0x217: {  	v3 =	vor.u32 $0xB20, v0;
	v2 =	vld.idx.msk [tilespmem:v4+s8+$0x0], $0xffff  }
0x218: {  	v4 =	vor.u32 $0x1816, v1;
	_ =	sdelay $0x3  }
0x219: {  	[tilespmem:v3+s10+$0x0] =	vst.idx.msk $0xffff, v2  }
0x21a: {  	v3 =	vor.u32 $0xB30, v0;
	v2 =	vld.idx.msk [tilespmem:v4+s8+$0x0], $0xffff  }
0x21b: {  	v4 =	vor.u32 $0x2016, v1;
	_ =	sdelay $0x3  }
0x21c: {  	[tilespmem:v3+s10+$0x0] =	vst.idx.msk $0xffff, v2  }
0x21d: {  	v3 =	vor.u32 $0xB40, v0;
	v2 =	vld.idx.msk [tilespmem:v4+s8+$0x0], $0xffff  }
0x21e: {  	v4 =	vor.u32 $0x2816, v1;
	_ =	sdelay $0x3  }
0x21f: {  	[tilespmem:v3+s10+$0x0] =	vst.idx.msk $0xffff, v2  }
0x220: {  	v3 =	vor.u32 $0xB50, v0;
	v2 =	vld.idx.msk [tilespmem:v4+s8+$0x0], $0xffff  }
0x221: {  	v4 =	vor.u32 $0x3016, v1;
	_ =	sdelay $0x3  }
0x222: {  	[tilespmem:v3+s10+$0x0] =	vst.idx.msk $0xffff, v2  }
0x223: {  	v3 =	vor.u32 $0xB60, v0;
	v2 =	vld.idx.msk [tilespmem:v4+s8+$0x0], $0xffff  }
0x224: {  	v4 =	vor.u32 $0x3816, v1;
	_ =	sdelay $0x3  }
0x225: {  	[tilespmem:v3+s10+$0x0] =	vst.idx.msk $0xffff, v2  }
0x226: {  	v3 =	vor.u32 $0xB70, v0;
	v2 =	vld.idx.msk [tilespmem:v4+s8+$0x0], $0xffff  }
0x227: {  	v4 =	vor.u32 $0x17, v1;
	_ =	sdelay $0x3  }
0x228: {  	[tilespmem:v3+s10+$0x0] =	vst.idx.msk $0xffff, v2  }
0x229: {  	v3 =	vor.u32 $0xB80, v0;
	v2 =	vld.idx.msk [tilespmem:v4+s8+$0x0], $0xffff  }
0x22a: {  	v4 =	vor.u32 $0x817, v1;
	_ =	sdelay $0x3  }
0x22b: {  	[tilespmem:v3+s10+$0x0] =	vst.idx.msk $0xffff, v2  }
0x22c: {  	v3 =	vor.u32 $0xB90, v0;
	v2 =	vld.idx.msk [tilespmem:v4+s8+$0x0], $0xffff  }
0x22d: {  	v4 =	vor.u32 $0x1017, v1;
	_ =	sdelay $0x3  }
0x22e: {  	[tilespmem:v3+s10+$0x0] =	vst.idx.msk $0xffff, v2  }
0x22f: {  	v3 =	vor.u32 $0xBA0, v0;
	v2 =	vld.idx.msk [tilespmem:v4+s8+$0x0], $0xffff  }
0x230: {  	v4 =	vor.u32 $0x1817, v1;
	_ =	sdelay $0x3  }
0x231: {  	[tilespmem:v3+s10+$0x0] =	vst.idx.msk $0xffff, v2  }
0x232: {  	v3 =	vor.u32 $0xBB0, v0;
	v2 =	vld.idx.msk [tilespmem:v4+s8+$0x0], $0xffff  }
0x233: {  	v4 =	vor.u32 $0x2017, v1;
	_ =	sdelay $0x3  }
0x234: {  	[tilespmem:v3+s10+$0x0] =	vst.idx.msk $0xffff, v2  }
0x235: {  	v3 =	vor.u32 $0xBC0, v0;
	v2 =	vld.idx.msk [tilespmem:v4+s8+$0x0], $0xffff  }
0x236: {  	v4 =	vor.u32 $0x2817, v1;
	_ =	sdelay $0x3  }
0x237: {  	[tilespmem:v3+s10+$0x0] =	vst.idx.msk $0xffff, v2  }
0x238: {  	v3 =	vor.u32 $0xBD0, v0;
	v2 =	vld.idx.msk [tilespmem:v4+s8+$0x0], $0xffff  }
0x239: {  	v4 =	vor.u32 $0x3017, v1;
	_ =	sdelay $0x3  }
0x23a: {  	[tilespmem:v3+s10+$0x0] =	vst.idx.msk $0xffff, v2  }
0x23b: {  	v3 =	vor.u32 $0xBE0, v0;
	v2 =	vld.idx.msk [tilespmem:v4+s8+$0x0], $0xffff  }
0x23c: {  	v4 =	vor.u32 $0x3817, v1;
	_ =	sdelay $0x3  }
0x23d: {  	[tilespmem:v3+s10+$0x0] =	vst.idx.msk $0xffff, v2  }
0x23e: {  	v3 =	vor.u32 $0xBF0, v0;
	v2 =	vld.idx.msk [tilespmem:v4+s8+$0x0], $0xffff  }
0x23f: {  	v4 =	vor.u32 $0x18, v1;
	_ =	sdelay $0x3  }
0x240: {  	[tilespmem:v3+s10+$0x0] =	vst.idx.msk $0xffff, v2  }
0x241: {  	v3 =	vor.u32 $0xC00, v0;
	v2 =	vld.idx.msk [tilespmem:v4+s8+$0x0], $0xffff  }
0x242: {  	v4 =	vor.u32 $0x818, v1;
	_ =	sdelay $0x3  }
0x243: {  	[tilespmem:v3+s10+$0x0] =	vst.idx.msk $0xffff, v2  }
0x244: {  	v3 =	vor.u32 $0xC10, v0;
	v2 =	vld.idx.msk [tilespmem:v4+s8+$0x0], $0xffff  }
0x245: {  	v4 =	vor.u32 $0x1018, v1;
	_ =	sdelay $0x3  }
0x246: {  	[tilespmem:v3+s10+$0x0] =	vst.idx.msk $0xffff, v2  }
0x247: {  	v3 =	vor.u32 $0xC20, v0;
	v2 =	vld.idx.msk [tilespmem:v4+s8+$0x0], $0xffff  }
0x248: {  	v4 =	vor.u32 $0x1818, v1;
	_ =	sdelay $0x3  }
0x249: {  	[tilespmem:v3+s10+$0x0] =	vst.idx.msk $0xffff, v2  }
0x24a: {  	v3 =	vor.u32 $0xC30, v0;
	v2 =	vld.idx.msk [tilespmem:v4+s8+$0x0], $0xffff  }
0x24b: {  	v4 =	vor.u32 $0x2018, v1;
	_ =	sdelay $0x3  }
0x24c: {  	[tilespmem:v3+s10+$0x0] =	vst.idx.msk $0xffff, v2  }
0x24d: {  	v3 =	vor.u32 $0xC40, v0;
	v2 =	vld.idx.msk [tilespmem:v4+s8+$0x0], $0xffff  }
0x24e: {  	v4 =	vor.u32 $0x2818, v1;
	_ =	sdelay $0x3  }
0x24f: {  	[tilespmem:v3+s10+$0x0] =	vst.idx.msk $0xffff, v2  }
0x250: {  	v3 =	vor.u32 $0xC50, v0;
	v2 =	vld.idx.msk [tilespmem:v4+s8+$0x0], $0xffff  }
0x251: {  	v4 =	vor.u32 $0x3018, v1;
	_ =	sdelay $0x3  }
0x252: {  	[tilespmem:v3+s10+$0x0] =	vst.idx.msk $0xffff, v2  }
0x253: {  	v3 =	vor.u32 $0xC60, v0;
	v2 =	vld.idx.msk [tilespmem:v4+s8+$0x0], $0xffff  }
0x254: {  	v4 =	vor.u32 $0x3818, v1;
	_ =	sdelay $0x3  }
0x255: {  	[tilespmem:v3+s10+$0x0] =	vst.idx.msk $0xffff, v2  }
0x256: {  	v3 =	vor.u32 $0xC70, v0;
	v2 =	vld.idx.msk [tilespmem:v4+s8+$0x0], $0xffff  }
0x257: {  	v4 =	vor.u32 $0x19, v1;
	_ =	sdelay $0x3  }
0x258: {  	[tilespmem:v3+s10+$0x0] =	vst.idx.msk $0xffff, v2  }
0x259: {  	v3 =	vor.u32 $0xC80, v0;
	v2 =	vld.idx.msk [tilespmem:v4+s8+$0x0], $0xffff  }
0x25a: {  	v4 =	vor.u32 $0x819, v1;
	_ =	sdelay $0x3  }
0x25b: {  	[tilespmem:v3+s10+$0x0] =	vst.idx.msk $0xffff, v2  }
0x25c: {  	v3 =	vor.u32 $0xC90, v0;
	v2 =	vld.idx.msk [tilespmem:v4+s8+$0x0], $0xffff  }
0x25d: {  	v4 =	vor.u32 $0x1019, v1;
	_ =	sdelay $0x3  }
0x25e: {  	[tilespmem:v3+s10+$0x0] =	vst.idx.msk $0xffff, v2  }
0x25f: {  	v3 =	vor.u32 $0xCA0, v0;
	v2 =	vld.idx.msk [tilespmem:v4+s8+$0x0], $0xffff  }
0x260: {  	v4 =	vor.u32 $0x1819, v1;
	_ =	sdelay $0x3  }
0x261: {  	[tilespmem:v3+s10+$0x0] =	vst.idx.msk $0xffff, v2  }
0x262: {  	v3 =	vor.u32 $0xCB0, v0;
	v2 =	vld.idx.msk [tilespmem:v4+s8+$0x0], $0xffff  }
0x263: {  	v4 =	vor.u32 $0x2019, v1;
	_ =	sdelay $0x3  }
0x264: {  	[tilespmem:v3+s10+$0x0] =	vst.idx.msk $0xffff, v2  }
0x265: {  	v3 =	vor.u32 $0xCC0, v0;
	v2 =	vld.idx.msk [tilespmem:v4+s8+$0x0], $0xffff  }
0x266: {  	v4 =	vor.u32 $0x2819, v1;
	_ =	sdelay $0x3  }
0x267: {  	[tilespmem:v3+s10+$0x0] =	vst.idx.msk $0xffff, v2  }
0x268: {  	v3 =	vor.u32 $0xCD0, v0;
	v2 =	vld.idx.msk [tilespmem:v4+s8+$0x0], $0xffff  }
0x269: {  	v4 =	vor.u32 $0x3019, v1;
	_ =	sdelay $0x3  }
0x26a: {  	[tilespmem:v3+s10+$0x0] =	vst.idx.msk $0xffff, v2  }
0x26b: {  	v3 =	vor.u32 $0xCE0, v0;
	v2 =	vld.idx.msk [tilespmem:v4+s8+$0x0], $0xffff  }
0x26c: {  	v4 =	vor.u32 $0x3819, v1;
	_ =	sdelay $0x3  }
0x26d: {  	[tilespmem:v3+s10+$0x0] =	vst.idx.msk $0xffff, v2  }
0x26e: {  	v3 =	vor.u32 $0xCF0, v0;
	v2 =	vld.idx.msk [tilespmem:v4+s8+$0x0], $0xffff  }
0x26f: {  	v4 =	vor.u32 $0x1A, v1;
	_ =	sdelay $0x3  }
0x270: {  	[tilespmem:v3+s10+$0x0] =	vst.idx.msk $0xffff, v2  }
0x271: {  	v3 =	vor.u32 $0xD00, v0;
	v2 =	vld.idx.msk [tilespmem:v4+s8+$0x0], $0xffff  }
0x272: {  	v4 =	vor.u32 $0x81A, v1;
	_ =	sdelay $0x3  }
0x273: {  	[tilespmem:v3+s10+$0x0] =	vst.idx.msk $0xffff, v2  }
0x274: {  	v3 =	vor.u32 $0xD10, v0;
	v2 =	vld.idx.msk [tilespmem:v4+s8+$0x0], $0xffff  }
0x275: {  	v4 =	vor.u32 $0x101A, v1;
	_ =	sdelay $0x3  }
0x276: {  	[tilespmem:v3+s10+$0x0] =	vst.idx.msk $0xffff, v2  }
0x277: {  	v3 =	vor.u32 $0xD20, v0;
	v2 =	vld.idx.msk [tilespmem:v4+s8+$0x0], $0xffff  }
0x278: {  	v4 =	vor.u32 $0x181A, v1;
	_ =	sdelay $0x3  }
0x279: {  	[tilespmem:v3+s10+$0x0] =	vst.idx.msk $0xffff, v2  }
0x27a: {  	v3 =	vor.u32 $0xD30, v0;
	v2 =	vld.idx.msk [tilespmem:v4+s8+$0x0], $0xffff  }
0x27b: {  	v4 =	vor.u32 $0x201A, v1;
	_ =	sdelay $0x3  }
0x27c: {  	[tilespmem:v3+s10+$0x0] =	vst.idx.msk $0xffff, v2  }
0x27d: {  	v3 =	vor.u32 $0xD40, v0;
	v2 =	vld.idx.msk [tilespmem:v4+s8+$0x0], $0xffff  }
0x27e: {  	v4 =	vor.u32 $0x281A, v1;
	_ =	sdelay $0x3  }
0x27f: {  	[tilespmem:v3+s10+$0x0] =	vst.idx.msk $0xffff, v2  }
0x280: {  	v3 =	vor.u32 $0xD50, v0;
	v2 =	vld.idx.msk [tilespmem:v4+s8+$0x0], $0xffff  }
0x281: {  	v4 =	vor.u32 $0x301A, v1;
	_ =	sdelay $0x3  }
0x282: {  	[tilespmem:v3+s10+$0x0] =	vst.idx.msk $0xffff, v2  }
0x283: {  	v3 =	vor.u32 $0xD60, v0;
	v2 =	vld.idx.msk [tilespmem:v4+s8+$0x0], $0xffff  }
0x284: {  	v4 =	vor.u32 $0x381A, v1;
	_ =	sdelay $0x3  }
0x285: {  	[tilespmem:v3+s10+$0x0] =	vst.idx.msk $0xffff, v2  }
0x286: {  	v3 =	vor.u32 $0xD70, v0;
	v2 =	vld.idx.msk [tilespmem:v4+s8+$0x0], $0xffff  }
0x287: {  	v4 =	vor.u32 $0x1B, v1;
	_ =	sdelay $0x3  }
0x288: {  	[tilespmem:v3+s10+$0x0] =	vst.idx.msk $0xffff, v2  }
0x289: {  	v3 =	vor.u32 $0xD80, v0;
	v2 =	vld.idx.msk [tilespmem:v4+s8+$0x0], $0xffff  }
0x28a: {  	v4 =	vor.u32 $0x81B, v1;
	_ =	sdelay $0x3  }
0x28b: {  	[tilespmem:v3+s10+$0x0] =	vst.idx.msk $0xffff, v2  }
0x28c: {  	v3 =	vor.u32 $0xD90, v0;
	v2 =	vld.idx.msk [tilespmem:v4+s8+$0x0], $0xffff  }
0x28d: {  	v4 =	vor.u32 $0x101B, v1;
	_ =	sdelay $0x3  }
0x28e: {  	[tilespmem:v3+s10+$0x0] =	vst.idx.msk $0xffff, v2  }
0x28f: {  	v3 =	vor.u32 $0xDA0, v0;
	v2 =	vld.idx.msk [tilespmem:v4+s8+$0x0], $0xffff  }
0x290: {  	v4 =	vor.u32 $0x181B, v1;
	_ =	sdelay $0x3  }
0x291: {  	[tilespmem:v3+s10+$0x0] =	vst.idx.msk $0xffff, v2  }
0x292: {  	v3 =	vor.u32 $0xDB0, v0;
	v2 =	vld.idx.msk [tilespmem:v4+s8+$0x0], $0xffff  }
0x293: {  	v4 =	vor.u32 $0x201B, v1;
	_ =	sdelay $0x3  }
0x294: {  	[tilespmem:v3+s10+$0x0] =	vst.idx.msk $0xffff, v2  }
0x295: {  	v3 =	vor.u32 $0xDC0, v0;
	v2 =	vld.idx.msk [tilespmem:v4+s8+$0x0], $0xffff  }
0x296: {  	v4 =	vor.u32 $0x281B, v1;
	_ =	sdelay $0x3  }
0x297: {  	[tilespmem:v3+s10+$0x0] =	vst.idx.msk $0xffff, v2  }
0x298: {  	v3 =	vor.u32 $0xDD0, v0;
	v2 =	vld.idx.msk [tilespmem:v4+s8+$0x0], $0xffff  }
0x299: {  	v4 =	vor.u32 $0x301B, v1;
	_ =	sdelay $0x3  }
0x29a: {  	[tilespmem:v3+s10+$0x0] =	vst.idx.msk $0xffff, v2  }
0x29b: {  	v3 =	vor.u32 $0xDE0, v0;
	v2 =	vld.idx.msk [tilespmem:v4+s8+$0x0], $0xffff  }
0x29c: {  	v4 =	vor.u32 $0x381B, v1;
	_ =	sdelay $0x3  }
0x29d: {  	[tilespmem:v3+s10+$0x0] =	vst.idx.msk $0xffff, v2  }
0x29e: {  	v3 =	vor.u32 $0xDF0, v0;
	v2 =	vld.idx.msk [tilespmem:v4+s8+$0x0], $0xffff  }
0x29f: {  	v4 =	vor.u32 $0x1C, v1;
	_ =	sdelay $0x3  }
0x2a0: {  	[tilespmem:v3+s10+$0x0] =	vst.idx.msk $0xffff, v2  }
0x2a1: {  	v3 =	vor.u32 $0xE00, v0;
	v2 =	vld.idx.msk [tilespmem:v4+s8+$0x0], $0xffff  }
0x2a2: {  	v4 =	vor.u32 $0x81C, v1;
	_ =	sdelay $0x3  }
0x2a3: {  	[tilespmem:v3+s10+$0x0] =	vst.idx.msk $0xffff, v2  }
0x2a4: {  	v3 =	vor.u32 $0xE10, v0;
	v2 =	vld.idx.msk [tilespmem:v4+s8+$0x0], $0xffff  }
0x2a5: {  	v4 =	vor.u32 $0x101C, v1;
	_ =	sdelay $0x3  }
0x2a6: {  	[tilespmem:v3+s10+$0x0] =	vst.idx.msk $0xffff, v2  }
0x2a7: {  	v3 =	vor.u32 $0xE20, v0;
	v2 =	vld.idx.msk [tilespmem:v4+s8+$0x0], $0xffff  }
0x2a8: {  	v4 =	vor.u32 $0x181C, v1;
	_ =	sdelay $0x3  }
0x2a9: {  	[tilespmem:v3+s10+$0x0] =	vst.idx.msk $0xffff, v2  }
0x2aa: {  	v3 =	vor.u32 $0xE30, v0;
	v2 =	vld.idx.msk [tilespmem:v4+s8+$0x0], $0xffff  }
0x2ab: {  	v4 =	vor.u32 $0x201C, v1;
	_ =	sdelay $0x3  }
0x2ac: {  	[tilespmem:v3+s10+$0x0] =	vst.idx.msk $0xffff, v2  }
0x2ad: {  	v3 =	vor.u32 $0xE40, v0;
	v2 =	vld.idx.msk [tilespmem:v4+s8+$0x0], $0xffff  }
0x2ae: {  	v4 =	vor.u32 $0x281C, v1;
	_ =	sdelay $0x3  }
0x2af: {  	[tilespmem:v3+s10+$0x0] =	vst.idx.msk $0xffff, v2  }
0x2b0: {  	v3 =	vor.u32 $0xE50, v0;
	v2 =	vld.idx.msk [tilespmem:v4+s8+$0x0], $0xffff  }
0x2b1: {  	v4 =	vor.u32 $0x301C, v1;
	_ =	sdelay $0x3  }
0x2b2: {  	[tilespmem:v3+s10+$0x0] =	vst.idx.msk $0xffff, v2  }
0x2b3: {  	v3 =	vor.u32 $0xE60, v0;
	v2 =	vld.idx.msk [tilespmem:v4+s8+$0x0], $0xffff  }
0x2b4: {  	v4 =	vor.u32 $0x381C, v1;
	_ =	sdelay $0x3  }
0x2b5: {  	[tilespmem:v3+s10+$0x0] =	vst.idx.msk $0xffff, v2  }
0x2b6: {  	v3 =	vor.u32 $0xE70, v0;
	v2 =	vld.idx.msk [tilespmem:v4+s8+$0x0], $0xffff  }
0x2b7: {  	v4 =	vor.u32 $0x1D, v1;
	_ =	sdelay $0x3  }
0x2b8: {  	[tilespmem:v3+s10+$0x0] =	vst.idx.msk $0xffff, v2  }
0x2b9: {  	v3 =	vor.u32 $0xE80, v0;
	v2 =	vld.idx.msk [tilespmem:v4+s8+$0x0], $0xffff  }
0x2ba: {  	v4 =	vor.u32 $0x81D, v1;
	_ =	sdelay $0x3  }
0x2bb: {  	[tilespmem:v3+s10+$0x0] =	vst.idx.msk $0xffff, v2  }
0x2bc: {  	v3 =	vor.u32 $0xE90, v0;
	v2 =	vld.idx.msk [tilespmem:v4+s8+$0x0], $0xffff  }
0x2bd: {  	v4 =	vor.u32 $0x101D, v1;
	_ =	sdelay $0x3  }
0x2be: {  	[tilespmem:v3+s10+$0x0] =	vst.idx.msk $0xffff, v2  }
0x2bf: {  	v3 =	vor.u32 $0xEA0, v0;
	v2 =	vld.idx.msk [tilespmem:v4+s8+$0x0], $0xffff  }
0x2c0: {  	v4 =	vor.u32 $0x181D, v1;
	_ =	sdelay $0x3  }
0x2c1: {  	[tilespmem:v3+s10+$0x0] =	vst.idx.msk $0xffff, v2  }
0x2c2: {  	v3 =	vor.u32 $0xEB0, v0;
	v2 =	vld.idx.msk [tilespmem:v4+s8+$0x0], $0xffff  }
0x2c3: {  	v4 =	vor.u32 $0x201D, v1;
	_ =	sdelay $0x3  }
0x2c4: {  	[tilespmem:v3+s10+$0x0] =	vst.idx.msk $0xffff, v2  }
0x2c5: {  	v3 =	vor.u32 $0xEC0, v0;
	v2 =	vld.idx.msk [tilespmem:v4+s8+$0x0], $0xffff  }
0x2c6: {  	v4 =	vor.u32 $0x281D, v1;
	_ =	sdelay $0x3  }
0x2c7: {  	[tilespmem:v3+s10+$0x0] =	vst.idx.msk $0xffff, v2  }
0x2c8: {  	v3 =	vor.u32 $0xED0, v0;
	v2 =	vld.idx.msk [tilespmem:v4+s8+$0x0], $0xffff  }
0x2c9: {  	v4 =	vor.u32 $0x301D, v1;
	_ =	sdelay $0x3  }
0x2ca: {  	[tilespmem:v3+s10+$0x0] =	vst.idx.msk $0xffff, v2  }
0x2cb: {  	v3 =	vor.u32 $0xEE0, v0;
	v2 =	vld.idx.msk [tilespmem:v4+s8+$0x0], $0xffff  }
0x2cc: {  	v4 =	vor.u32 $0x381D, v1;
	_ =	sdelay $0x3  }
0x2cd: {  	[tilespmem:v3+s10+$0x0] =	vst.idx.msk $0xffff, v2  }
0x2ce: {  	v3 =	vor.u32 $0xEF0, v0;
	v2 =	vld.idx.msk [tilespmem:v4+s8+$0x0], $0xffff  }
0x2cf: {  	v4 =	vor.u32 $0x1E, v1;
	_ =	sdelay $0x3  }
0x2d0: {  	[tilespmem:v3+s10+$0x0] =	vst.idx.msk $0xffff, v2  }
0x2d1: {  	v3 =	vor.u32 $0xF00, v0;
	v2 =	vld.idx.msk [tilespmem:v4+s8+$0x0], $0xffff  }
0x2d2: {  	v4 =	vor.u32 $0x81E, v1;
	_ =	sdelay $0x3  }
0x2d3: {  	[tilespmem:v3+s10+$0x0] =	vst.idx.msk $0xffff, v2  }
0x2d4: {  	v3 =	vor.u32 $0xF10, v0;
	v2 =	vld.idx.msk [tilespmem:v4+s8+$0x0], $0xffff  }
0x2d5: {  	v4 =	vor.u32 $0x101E, v1;
	_ =	sdelay $0x3  }
0x2d6: {  	[tilespmem:v3+s10+$0x0] =	vst.idx.msk $0xffff, v2  }
0x2d7: {  	v3 =	vor.u32 $0xF20, v0;
	v2 =	vld.idx.msk [tilespmem:v4+s8+$0x0], $0xffff  }
0x2d8: {  	v4 =	vor.u32 $0x181E, v1;
	_ =	sdelay $0x3  }
0x2d9: {  	[tilespmem:v3+s10+$0x0] =	vst.idx.msk $0xffff, v2  }
0x2da: {  	v3 =	vor.u32 $0xF30, v0;
	v2 =	vld.idx.msk [tilespmem:v4+s8+$0x0], $0xffff  }
0x2db: {  	v4 =	vor.u32 $0x201E, v1;
	_ =	sdelay $0x3  }
0x2dc: {  	[tilespmem:v3+s10+$0x0] =	vst.idx.msk $0xffff, v2  }
0x2dd: {  	v3 =	vor.u32 $0xF40, v0;
	v2 =	vld.idx.msk [tilespmem:v4+s8+$0x0], $0xffff  }
0x2de: {  	v4 =	vor.u32 $0x281E, v1;
	_ =	sdelay $0x3  }
0x2df: {  	[tilespmem:v3+s10+$0x0] =	vst.idx.msk $0xffff, v2  }
0x2e0: {  	v3 =	vor.u32 $0xF50, v0;
	v2 =	vld.idx.msk [tilespmem:v4+s8+$0x0], $0xffff  }
0x2e1: {  	v4 =	vor.u32 $0x301E, v1;
	_ =	sdelay $0x3  }
0x2e2: {  	[tilespmem:v3+s10+$0x0] =	vst.idx.msk $0xffff, v2  }
0x2e3: {  	v3 =	vor.u32 $0xF60, v0;
	v2 =	vld.idx.msk [tilespmem:v4+s8+$0x0], $0xffff  }
0x2e4: {  	v4 =	vor.u32 $0x381E, v1;
	_ =	sdelay $0x3  }
0x2e5: {  	[tilespmem:v3+s10+$0x0] =	vst.idx.msk $0xffff, v2  }
0x2e6: {  	v3 =	vor.u32 $0xF70, v0;
	v2 =	vld.idx.msk [tilespmem:v4+s8+$0x0], $0xffff  }
0x2e7: {  	v4 =	vor.u32 $0x1F, v1;
	_ =	sdelay $0x3  }
0x2e8: {  	[tilespmem:v3+s10+$0x0] =	vst.idx.msk $0xffff, v2  }
0x2e9: {  	v3 =	vor.u32 $0xF80, v0;
	v2 =	vld.idx.msk [tilespmem:v4+s8+$0x0], $0xffff  }
0x2ea: {  	v4 =	vor.u32 $0x81F, v1;
	_ =	sdelay $0x3  }
0x2eb: {  	[tilespmem:v3+s10+$0x0] =	vst.idx.msk $0xffff, v2  }
0x2ec: {  	v3 =	vor.u32 $0xF90, v0;
	v2 =	vld.idx.msk [tilespmem:v4+s8+$0x0], $0xffff  }
0x2ed: {  	v4 =	vor.u32 $0x101F, v1;
	_ =	sdelay $0x3  }
0x2ee: {  	[tilespmem:v3+s10+$0x0] =	vst.idx.msk $0xffff, v2  }
0x2ef: {  	v3 =	vor.u32 $0xFA0, v0;
	v2 =	vld.idx.msk [tilespmem:v4+s8+$0x0], $0xffff  }
0x2f0: {  	v4 =	vor.u32 $0x181F, v1;
	_ =	sdelay $0x3  }
0x2f1: {  	[tilespmem:v3+s10+$0x0] =	vst.idx.msk $0xffff, v2  }
0x2f2: {  	v3 =	vor.u32 $0xFB0, v0;
	v2 =	vld.idx.msk [tilespmem:v4+s8+$0x0], $0xffff  }
0x2f3: {  	v4 =	vor.u32 $0x201F, v1;
	_ =	sdelay $0x3  }
0x2f4: {  	[tilespmem:v3+s10+$0x0] =	vst.idx.msk $0xffff, v2  }
0x2f5: {  	v3 =	vor.u32 $0xFC0, v0;
	v2 =	vld.idx.msk [tilespmem:v4+s8+$0x0], $0xffff  }
0x2f6: {  	v4 =	vor.u32 $0x281F, v1;
	_ =	sdelay $0x3  }
0x2f7: {  	[tilespmem:v3+s10+$0x0] =	vst.idx.msk $0xffff, v2  }
0x2f8: {  	v3 =	vor.u32 $0xFD0, v0;
	v2 =	vld.idx.msk [tilespmem:v4+s8+$0x0], $0xffff  }
0x2f9: {  	v4 =	vor.u32 $0x301F, v1;
	_ =	sdelay $0x3  }
0x2fa: {  	[tilespmem:v3+s10+$0x0] =	vst.idx.msk $0xffff, v2  }
0x2fb: {  	v3 =	vor.u32 $0xFE0, v0;
	v2 =	vld.idx.msk [tilespmem:v4+s8+$0x0], $0xffff  }
0x2fc: {  	v4 =	vor.u32 $0x381F, v1;
	_ =	sdelay $0x3  }
0x2fd: {  	[tilespmem:v3+s10+$0x0] =	vst.idx.msk $0xffff, v2  }
0x2fe: {  	v3 =	vor.u32 $0xFF0, v0;
	v2 =	vld.idx.msk [tilespmem:v4+s8+$0x0], $0xffff;
	_ =	sdelay $0x3  }
0x2ff: {  	p0 =	sne.s32 s6, $0x1  }
.Ltmp0:
0x300: {  	[tilespmem:v3+s10+$0x0] =	vst.idx.msk $0xffff, v2;
	(pc) =	sbr.rel @p0 .LBB2_1-.Ltmp0, $4  }
0x301: {  	[hbm4b:s5+s11] =	stream.strided.scatter [tilespmem:s10], [sflag:$0x2], $0x1000, s12, s11, $0x38;
	[tilespmem:$0x5080] =	vst v63  }
0x302: {  	_ =	swait.ge [sflag:s7], $0x1000  }
0x303: {  	[sflag:s7] =	ssyncset.done $0x0  }
0x304: {  	s6 =	sadd.s32 $0xFFFFFFFF, s6;
	[sflag:s7] =	ssyncadd.s32 $0xFFFFF000  }
0x305: {  	_ =	sfence.sel $0x180000  }
0x306: {  	[bflag:$0x0] =	sbarrier.arrive $0xFFFF  }
0x307: {  	p0 =	sne.s32 s2, $0x0;
	_ =	strace $0x90000047  }
0x308: {  	s0 =	sadd.s32 @!p0 $0x100000, s0;
	[bflag:$0x2] =	sbarrier.arrive $0xFFFF  }
0x309: {  	[sflag:s0] =	ssyncadd.tile.s32 @!p0 $0x1;
	_ =	shalt  }
.Lfunc_end2:
_tile_overlayer_lowered:
.L_overlay_start_2:
0x30a: {  	(tag) =	ssettag $0x2  }
0x30b: {  	s0 =	rddreg [dreg:$0x0];
	s2 =	stileid.u32  }
0x30c: {  	s1 =	rddreg [dreg:$0x1];
	p0 =	sne.s32 s2, $0x0  }
0x30d: {  	s3 =	rddreg [dreg:$0x2];
	[bflag:$0x3] =	sbarrier.arrive $0xFFFF;
	s2 =	simm.s32 @!p0 $0x1C02  }
0x30e: {  	[timem:s3], [sflag:s2] =	dma.local @!p0 [hbm:s0], s1  }
0x30f: {  	s0 =	simm.s32 @!p0 $0x2  }
0x310: {  	_ =	swait.ge @!p0 [sflag:s0], s1  }
0x311: {  	s1 =	ssub.s32 @!p0 $0x0, s1;
	[sflag:s0] =	ssyncset.done @!p0 $0x0  }
0x312: {  	[sflag:s0] =	ssyncadd.s32 @!p0 s1  }
0x313: {  	[bflag:$0x3] =	sbarrier.arrive $0xFFFF  }
0x314: {  	_ =	shalt  }

</sc_bundles>
